<compile_context>
chip_gen: v7x
topology: tpu7x:2x2x1
jax: 0.10.2.dev20260603
libtpu: 0.0.44.dev20260713+nightly
codegen_flags: <defaults>
</compile_context>

<pallas_src>
import functools

import jax
import jax.numpy as jnp
from jax import lax
from jax.experimental import pallas as pl
from jax.experimental.pallas import tpu as pltpu
from jax.experimental.pallas import tpu_sc as plsc

D = 128
NUM_ITERS = 2
NUM_GRAPHS = 16

E_BLOCK = 1280
N_BLOCK = 2000

SC_CORES = 2
SC_SUBCORES = 16
CHUNK = 128


def _sc_mesh():
    return plsc.VectorSubcoreMesh(core_axis_name="c", subcore_axis_name="s")


GK = 4


def _sc_gather_pair(table, idx2d_a, idx2d_b):
    e = idx2d_a.shape[0]
    w = table.shape[1]
    nchunks = e // CHUNK
    per_sub = nchunks // SC_SUBCORES
    assert per_sub * SC_SUBCORES == nchunks

    def body(table_hbm, ia_hbm, ib_hbm, oa_hbm, ob_hbm, idx_v, rows_v, sem):
        cid = lax.axis_index("c")
        sid = lax.axis_index("s")

        def sweep(i_hbm, o_hbm):
            @pl.loop(0, per_sub)
            def _(j):
                c = j * SC_SUBCORES + sid
                base = c * CHUNK
                pltpu.sync_copy(i_hbm.at[pl.ds(base, CHUNK)], idx_v)
                pltpu.async_copy(table_hbm.at[idx_v], rows_v, sem).wait()
                pltpu.sync_copy(rows_v, o_hbm.at[pl.ds(base, CHUNK)])

        @pl.when(cid == 0)
        def _():
            sweep(ia_hbm, oa_hbm)

        @pl.when(cid == 1)
        def _():
            sweep(ib_hbm, ob_hbm)

    f = pl.kernel(
        body,
        out_type=(jax.ShapeDtypeStruct((e, w), jnp.float32),
                  jax.ShapeDtypeStruct((e, w), jnp.float32)),
        mesh=_sc_mesh(),
        scratch_types=[
            pltpu.VMEM((CHUNK,), jnp.int32),
            pltpu.VMEM((CHUNK, w), jnp.float32),
            pltpu.SemaphoreType.DMA,
        ],
    )
    return f(table, idx2d_a, idx2d_b)


def _sc_scatter_add_pair(vals_a, vals_b, idx_a, idx_b, n_pad):
    e, w = vals_a.shape
    nchunks = idx_a.shape[0] // CHUNK
    per_sub = nchunks // SC_SUBCORES
    assert per_sub * SC_SUBCORES == nchunks and nchunks * CHUNK == e
    rows_per_sub = n_pad // SC_SUBCORES

    def body(va_hbm, vb_hbm, ia_hbm, ib_hbm, oa_hbm, ob_hbm,
             idx_v, r0, r1, acc_sh, v0, v1):
        cid = lax.axis_index("c")
        sid = lax.axis_index("s")
        rows = (r0, r1)
        semv = (v0, v1)

        @pl.loop(0, CHUNK)
        def _(r):
            @pl.loop(0, w, step=16)
            def _(cc):
                r0[pl.ds(r, 1), pl.ds(cc, 16)] = jnp.zeros((1, 16), jnp.float32)

        base_row = sid * rows_per_sub

        @pl.loop(0, rows_per_sub, step=CHUNK)
        def _(r):
            pltpu.sync_copy(r0, acc_sh.at[pl.ds(base_row + r, CHUNK)])

        plsc.subcore_barrier()

        def sweep(v_hbm, i_hbm):
            @pl.loop(0, per_sub)
            def _(j):
                c = j * SC_SUBCORES + sid
                base = c * CHUNK
                pltpu.sync_copy(i_hbm.at[pl.ds(base, CHUNK)], idx_v)
                pltpu.sync_copy(v_hbm.at[pl.ds(base, CHUNK)], r0)
                pltpu.sync_copy(r0, acc_sh.at[idx_v], add=True)

        @pl.when(cid == 0)
        def _():
            sweep(va_hbm, ia_hbm)

        @pl.when(cid == 1)
        def _():
            sweep(vb_hbm, ib_hbm)

        plsc.subcore_barrier()

        @pl.when(cid == 0)
        def _():
            pltpu.sync_copy(acc_sh.at[pl.ds(base_row, rows_per_sub)],
                            oa_hbm.at[pl.ds(base_row, rows_per_sub)])

        @pl.when(cid == 1)
        def _():
            pltpu.sync_copy(acc_sh.at[pl.ds(base_row, rows_per_sub)],
                            ob_hbm.at[pl.ds(base_row, rows_per_sub)])

    f = pl.kernel(
        body,
        out_type=(jax.ShapeDtypeStruct((n_pad, w), jnp.float32),
                  jax.ShapeDtypeStruct((n_pad, w), jnp.float32)),
        mesh=_sc_mesh(),
        scratch_types=[
            pltpu.VMEM((CHUNK,), jnp.int32),
            pltpu.VMEM((CHUNK, w), jnp.float32),
            pltpu.VMEM((CHUNK, w), jnp.float32),
            pltpu.VMEM_SHARED((n_pad, w), jnp.float32),
            pltpu.SemaphoreType.DMA,
            pltpu.SemaphoreType.DMA,
        ],
    )
    return f(vals_a, vals_b, idx_a, idx_b)


def _edge_mlp_kernel(attr_ref, xi_ref, xj_ref, wd_ref, ws_ref,
                     prep_ref, prec_ref, pw2_ref, cw2_ref, pb2_ref, cb2_ref,
                     mp_ref, mc_ref):
    xi = xi_ref[...]
    xj = xj_ref[...]
    u = jnp.dot(xi, wd_ref[...], preferred_element_type=jnp.float32)
    v = jnp.dot(xj, ws_ref[...], preferred_element_type=jnp.float32)
    a = attr_ref[0, 0, :][:, None]
    prep = prep_ref[...]
    prec = prec_ref[...]
    bp = jnp.where(a == 0, prep[0:1, :], jnp.where(a == 1, prep[1:2, :], prep[2:3, :]))
    bc = jnp.where(a == 0, prec[0:1, :], jnp.where(a == 1, prec[1:2, :], prec[2:3, :]))
    h1p = jax.nn.relu(u[:, :2 * D] + v[:, :2 * D] + bp)
    h1c = jax.nn.relu(u[:, 2 * D:] + v[:, 2 * D:] + bc)
    mp_ref[...] = jax.nn.relu(
        jnp.dot(h1p, pw2_ref[...], preferred_element_type=jnp.float32) + pb2_ref[0:1, :])
    mc_ref[...] = jax.nn.relu(
        jnp.dot(h1c, cw2_ref[...], preferred_element_type=jnp.float32) + cb2_ref[0:1, :])


def _edge_mlp(attr3d, xi, xj, wd, ws, prep, prec, pw2, cw2, pb2, cb2):
    e = xi.shape[0]
    nb = e // E_BLOCK
    grid = (nb,)
    return pl.pallas_call(
        _edge_mlp_kernel,
        grid=grid,
        in_specs=[
            pl.BlockSpec((1, 1, E_BLOCK), lambda i: (i, 0, 0)),
            pl.BlockSpec((E_BLOCK, D), lambda i: (i, 0)),
            pl.BlockSpec((E_BLOCK, D), lambda i: (i, 0)),
            pl.BlockSpec((D, 4 * D), lambda i: (0, 0)),
            pl.BlockSpec((D, 4 * D), lambda i: (0, 0)),
            pl.BlockSpec((8, 2 * D), lambda i: (0, 0)),
            pl.BlockSpec((8, 2 * D), lambda i: (0, 0)),
            pl.BlockSpec((2 * D, D), lambda i: (0, 0)),
            pl.BlockSpec((2 * D, D), lambda i: (0, 0)),
            pl.BlockSpec((8, D), lambda i: (0, 0)),
            pl.BlockSpec((8, D), lambda i: (0, 0)),
        ],
        out_specs=[
            pl.BlockSpec((E_BLOCK, D), lambda i: (i, 0)),
            pl.BlockSpec((E_BLOCK, D), lambda i: (i, 0)),
        ],
        out_shape=[
            jax.ShapeDtypeStruct((e, D), jnp.float32),
            jax.ShapeDtypeStruct((e, D), jnp.float32),
        ],
    )(attr3d, xi, xj, wd, ws, prep, prec, pw2, cw2, pb2, cb2)


def _node_update_kernel(nodes_ref, par_ref, chi_ref, dd_ref, ds_ref,
                        w1n_ref, w1p_ref, w1c_ref,
                        b1_ref, w2_ref, b2_ref, w3_ref, b3_ref, out_ref):
    nodes = nodes_ref[...]
    dd = dd_ref[:, 0:1]
    ds = ds_ref[:, 0:1]
    par = jnp.where(dd > 0, 1.0 / dd, 0.0) * par_ref[...]
    chi = jnp.where(ds > 0, 1.0 / ds, 0.0) * chi_ref[...]
    h = jax.nn.relu(
        jnp.dot(nodes, w1n_ref[...], preferred_element_type=jnp.float32)
        + jnp.dot(par, w1p_ref[...], preferred_element_type=jnp.float32)
        + jnp.dot(chi, w1c_ref[...], preferred_element_type=jnp.float32)
        + b1_ref[0:1, :])
    h = jax.nn.relu(jnp.dot(h, w2_ref[...], preferred_element_type=jnp.float32) + b2_ref[0:1, :])
    h = jax.nn.relu(jnp.dot(h, w3_ref[...], preferred_element_type=jnp.float32) + b3_ref[0:1, :])
    out_ref[...] = nodes + h


def _node_update(nodes, par, chi, dd8, ds8, w1n, w1p, w1c, b1, w2, b2, w3, b3):
    n = nodes.shape[0]
    nb = n // N_BLOCK
    return pl.pallas_call(
        _node_update_kernel,
        grid=(nb,),
        in_specs=[
            pl.BlockSpec((N_BLOCK, D), lambda i: (i, 0)),
            pl.BlockSpec((N_BLOCK, D), lambda i: (i, 0)),
            pl.BlockSpec((N_BLOCK, D), lambda i: (i, 0)),
            pl.BlockSpec((N_BLOCK, 8), lambda i: (i, 0)),
            pl.BlockSpec((N_BLOCK, 8), lambda i: (i, 0)),
            pl.BlockSpec((D, 2 * D), lambda i: (0, 0)),
            pl.BlockSpec((D, 2 * D), lambda i: (0, 0)),
            pl.BlockSpec((D, 2 * D), lambda i: (0, 0)),
            pl.BlockSpec((8, 2 * D), lambda i: (0, 0)),
            pl.BlockSpec((2 * D, D), lambda i: (0, 0)),
            pl.BlockSpec((8, D), lambda i: (0, 0)),
            pl.BlockSpec((D, D), lambda i: (0, 0)),
            pl.BlockSpec((8, D), lambda i: (0, 0)),
        ],
        out_specs=pl.BlockSpec((N_BLOCK, D), lambda i: (i, 0)),
        out_shape=jax.ShapeDtypeStruct((n, D), jnp.float32),
    )(nodes, par, chi, dd8, ds8, w1n, w1p, w1c, b1, w2, b2, w3, b3)


def _output_kernel(batch_ref, x_ref, w1_ref, b1_ref, w2_ref, b2_ref, o_ref):
    i = pl.program_id(0)

    @pl.when(i == 0)
    def _():
        o_ref[...] = jnp.full((NUM_GRAPHS, 8 * D), -jnp.inf, jnp.float32)

    h = jax.nn.relu(jnp.dot(x_ref[...], w1_ref[...], preferred_element_type=jnp.float32)
                    + b1_ref[0:1, :])
    o = jax.nn.relu(jnp.dot(h, w2_ref[...], preferred_element_type=jnp.float32)
                    + b2_ref[0:1, :])
    b = batch_ref[0, 0, :][:, None]
    for g in range(NUM_GRAPHS):
        mg = jnp.max(jnp.where(b == g, o, -jnp.inf), axis=0)
        o_ref[g:g + 1, :] = jnp.maximum(o_ref[g:g + 1, :], mg[None, :])


def _output_mlp(batch3d, nodes, w1, b1, w2, b2):
    n = nodes.shape[0]
    nb = n // N_BLOCK
    return pl.pallas_call(
        _output_kernel,
        grid=(nb,),
        in_specs=[
            pl.BlockSpec((1, 1, N_BLOCK), lambda i: (i, 0, 0)),
            pl.BlockSpec((N_BLOCK, D), lambda i: (i, 0)),
            pl.BlockSpec((D, 4 * D), lambda i: (0, 0)),
            pl.BlockSpec((8, 4 * D), lambda i: (0, 0)),
            pl.BlockSpec((4 * D, 8 * D), lambda i: (0, 0)),
            pl.BlockSpec((8, 8 * D), lambda i: (0, 0)),
        ],
        out_specs=pl.BlockSpec((NUM_GRAPHS, 8 * D), lambda i: (0, 0)),
        out_shape=jax.ShapeDtypeStruct((NUM_GRAPHS, 8 * D), jnp.float32),
    )(batch3d, nodes, w1, b1, w2, b2)


def _pad8(x):
    r = x.reshape(1, -1) if x.ndim == 1 else x
    return jnp.pad(r, ((0, 8 - r.shape[0]), (0, 0)))


def kernel(x, edge_index, edge_attr, batch, emb_node, enc_W, enc_b, emb_edge,
           edge_W, edge_b, p_W1, p_b1, p_W2, p_b2, c_W1, c_b1, c_W2, c_b2,
           a_W1, a_b1, a_W2, a_b2, a_W3, a_b3, o_W1, o_b1, o_W2, o_b2):
    n = x.shape[0]
    e = edge_index.shape[1]

    node_table = emb_node @ enc_W
    table3 = jax.nn.relu(emb_edge @ edge_W + edge_b)
    prep = _pad8(table3 @ p_W1[2 * D:] + p_b1)
    prec = _pad8(table3 @ c_W1[2 * D:] + c_b1)
    wd = jnp.concatenate([p_W1[:D], c_W1[D:2 * D]], axis=1)
    ws = jnp.concatenate([p_W1[D:2 * D], c_W1[:D]], axis=1)

    n_pad = 10240
    grain = SC_SUBCORES * GK * CHUNK
    x_cnt = -(-n // grain) * grain
    e_pad = -(-e // grain) * grain

    x_pad = jnp.concatenate([x.astype(jnp.int32),
                             jnp.zeros((x_cnt - n,), jnp.int32)])
    ng, _ = _sc_gather_pair(node_table, x_pad, x_pad)
    nodes = jax.nn.relu(ng[:n] + enc_b)

    src = edge_index[0].astype(jnp.int32)
    dst = edge_index[1].astype(jnp.int32)
    zpad = jnp.zeros((e_pad - e,), jnp.int32)
    spad = jnp.full((e_pad - e,), n_pad - 1, jnp.int32)
    gd1d = jnp.concatenate([dst, zpad])
    gs1d = jnp.concatenate([src, zpad])
    sd1d = jnp.concatenate([dst, spad])
    ss1d = jnp.concatenate([src, spad])

    ones128 = jnp.ones((e_pad, D), jnp.float32)
    dd, ds = _sc_scatter_add_pair(ones128, ones128, sd1d, ss1d, n_pad)
    dd8 = dd[:n, :8]
    ds8 = ds[:n, :8]

    attr_pad = jnp.concatenate([edge_attr.astype(jnp.int32),
                                jnp.zeros((e_pad - e,), jnp.int32)])
    attr3d = attr_pad.reshape(e_pad // E_BLOCK, 1, E_BLOCK)
    batch3d = batch.astype(jnp.int32).reshape(n // N_BLOCK, 1, N_BLOCK)

    pb2 = _pad8(p_b2)
    cb2 = _pad8(c_b2)
    b1 = _pad8(a_b1)
    b2 = _pad8(a_b2)
    b3 = _pad8(a_b3)
    ob1 = _pad8(o_b1)
    ob2 = _pad8(o_b2)

    for _ in range(NUM_ITERS):
        xi, xj = _sc_gather_pair(nodes, gd1d, gs1d)
        mp, mc = _edge_mlp(attr3d, xi, xj, wd, ws, prep, prec, p_W2, c_W2, pb2, cb2)
        par, chi = _sc_scatter_add_pair(mp, mc, sd1d, ss1d, n_pad)
        nodes = _node_update(nodes, par[:n], chi[:n], dd8, ds8,
                             a_W1[:D], a_W1[D:2 * D], a_W1[2 * D:],
                             b1, a_W2, b2, a_W3, b3)

    return _output_mlp(batch3d, nodes, o_W1, ob1, o_W2, ob2)

# --- scband reference (transcript-rebuilt; emitter-appended) ---
"""Pipeline reference for scband-gnnencoder-56418690400467 (READ-ONLY COPY).

The authoritative reference and input builder live on the scoring server;
editing this copy changes nothing except your own understanding.
"""

import jax, jax.numpy as jnp
import numpy as np

N = 10000
E = 320000
D = 128
VOCAB = 1000
MAX_EDGES = 3
NUM_ITERS = 2
NUM_GRAPHS = 16


def setup_inputs(seed: int = 0) -> dict:
    key = jax.random.key(seed)
    ks = jax.random.split(key, 32)

    def w(k, fi, fo):
        return (jax.random.normal(k, (fi, fo), dtype=jnp.float32) / np.sqrt(fi)).astype(jnp.float32)

    inp = {}
    inp["x"] = jax.random.randint(ks[0], (N,), 0, VOCAB)
    inp["edge_index"] = jax.random.randint(ks[1], (2, E), 0, N)
    inp["edge_attr"] = jax.random.randint(ks[2], (E,), 0, MAX_EDGES)
    inp["batch"] = jnp.sort(jax.random.randint(ks[3], (N,), 0, NUM_GRAPHS))
    inp["emb_node"] = jax.random.normal(ks[4], (VOCAB, 2 * D), dtype=jnp.float32) * 0.05
    inp["enc_W"] = w(ks[5], 2 * D, D); inp["enc_b"] = jnp.zeros((D,), jnp.float32)
    inp["emb_edge"] = jax.random.normal(ks[6], (MAX_EDGES, 2 * D), dtype=jnp.float32) * 0.05
    inp["edge_W"] = w(ks[7], 2 * D, D); inp["edge_b"] = jnp.zeros((D,), jnp.float32)
    inp["p_W1"] = w(ks[8], 3 * D, 2 * D); inp["p_b1"] = jnp.zeros((2 * D,), jnp.float32)
    inp["p_W2"] = w(ks[9], 2 * D, D); inp["p_b2"] = jnp.zeros((D,), jnp.float32)
    inp["c_W1"] = w(ks[10], 3 * D, 2 * D); inp["c_b1"] = jnp.zeros((2 * D,), jnp.float32)
    inp["c_W2"] = w(ks[11], 2 * D, D); inp["c_b2"] = jnp.zeros((D,), jnp.float32)
    inp["a_W1"] = w(ks[12], 3 * D, 2 * D); inp["a_b1"] = jnp.zeros((2 * D,), jnp.float32)
    inp["a_W2"] = w(ks[13], 2 * D, D); inp["a_b2"] = jnp.zeros((D,), jnp.float32)
    inp["a_W3"] = w(ks[14], D, D); inp["a_b3"] = jnp.zeros((D,), jnp.float32)
    inp["o_W1"] = w(ks[15], D, 4 * D); inp["o_b1"] = jnp.zeros((4 * D,), jnp.float32)
    inp["o_W2"] = w(ks[16], 4 * D, 8 * D); inp["o_b2"] = jnp.zeros((8 * D,), jnp.float32)
    return inp


def reference(x, edge_index, edge_attr, batch,
              emb_node, enc_W, enc_b, emb_edge, edge_W, edge_b,
              p_W1, p_b1, p_W2, p_b2, c_W1, c_b1, c_W2, c_b2,
              a_W1, a_b1, a_W2, a_b2, a_W3, a_b3,
              o_W1, o_b1, o_W2, o_b2):
    # dropout layers are identity (eval mode)
    n = x.shape[0]
    nodes = jax.nn.relu(jnp.take(emb_node, x, axis=0) @ enc_W + enc_b)
    ea = jax.nn.relu(jnp.take(emb_edge, edge_attr, axis=0) @ edge_W + edge_b)
    src = edge_index[0]
    dst = edge_index[1]
    ones = jnp.ones((edge_index.shape[1],), dtype=nodes.dtype)
    deg_dst = jax.ops.segment_sum(ones, dst, num_segments=n)
    deg_src = jax.ops.segment_sum(ones, src, num_segments=n)
    inv_dst = jnp.where(deg_dst > 0, 1.0 / deg_dst, 0.0)
    inv_src = jnp.where(deg_src > 0, 1.0 / deg_src, 0.0)
    for _ in range(NUM_ITERS):
        xi = jnp.take(nodes, dst, axis=0)  # parent-flow x_i (source_to_target: i = edge_index[1])
        xj = jnp.take(nodes, src, axis=0)  # parent-flow x_j
        # MLPParentNodes: flow source_to_target, aggregate sum at dst, normalize by deg(dst)
        m = jnp.concatenate([xi, xj, ea], axis=1)
        m = jax.nn.relu(m @ p_W1 + p_b1)
        m = jax.nn.relu(m @ p_W2 + p_b2)
        parent = inv_dst[:, None] * jax.ops.segment_sum(m, dst, num_segments=n)
        # MLPChildNodes: flow target_to_source -> x_i = nodes[src], x_j = nodes[dst], aggregate at src
        m2 = jnp.concatenate([xj, xi, ea], axis=1)
        m2 = jax.nn.relu(m2 @ c_W1 + c_b1)
        m2 = jax.nn.relu(m2 @ c_W2 + c_b2)
        child = inv_src[:, None] * jax.ops.segment_sum(m2, src, num_segments=n)
        h = jnp.concatenate([nodes, parent, child], axis=1)
        h = jax.nn.relu(h @ a_W1 + a_b1)
        h = jax.nn.relu(h @ a_W2 + a_b2)
        h = jax.nn.relu(h @ a_W3 + a_b3)
        nodes = nodes + h
    out = jax.nn.relu(nodes @ o_W1 + o_b1)
    out = jax.nn.relu(out @ o_W2 + o_b2)
    return jax.ops.segment_max(out, batch, num_segments=NUM_GRAPHS)

if __name__ == "__main__":
    import jax
    _d = setup_inputs()
    print(jax.jit(kernel)(*tuple(_d.values())))

</pallas_src>

<mosaic_0001>
#map = affine_map<(d0, d1) -> (0, 0)>
#map1 = affine_map<(d0, d1) -> (0)>
module attributes {stable_mosaic.version = 14 : i64} {
  func.func @body(%arg0: i32, %arg1: i32, %arg2: memref<327680x128xf32, #tpu.memory_space<hbm>>, %arg3: memref<327680x128xf32, #tpu.memory_space<hbm>>, %arg4: memref<327680xi32, #tpu.memory_space<hbm>>, %arg5: memref<327680xi32, #tpu.memory_space<hbm>>, %arg6: memref<10240x128xf32, #tpu.memory_space<hbm>>, %arg7: memref<10240x128xf32, #tpu.memory_space<hbm>>, %arg8: memref<128xi32, #tpu.memory_space<vmem>>, %arg9: memref<128x128xf32, #tpu.memory_space<vmem>>, %arg10: memref<128x128xf32, #tpu.memory_space<vmem>>, %arg11: memref<10240x128xf32, #tpu.memory_space<vmem_shared>>, %arg12: memref<!tpu.dma_semaphore, #tpu.memory_space<semaphore_mem>>, %arg13: memref<!tpu.dma_semaphore, #tpu.memory_space<semaphore_mem>>) attributes {dimension_semantics = [#tpu.dimension_semantics<core_parallel>, #tpu.dimension_semantics<subcore_parallel>], iteration_bounds = array<i64: 2, 16>, scalar_prefetch = 0 : i64, scratch_operands = 6 : i64, tpu.core_type = #tpu.core_type<sc_vector_subcore>, window_params = [{transform_indices = #map}, {transform_indices = #map}, {transform_indices = #map1}, {transform_indices = #map1}, {transform_indices = #map}, {transform_indices = #map}]} {
    %scan3A = arith.constant 0 : i32
    %scan3A_0 = arith.constant 128 : i32
    %scan3A_1 = arith.addi %scan3A, %scan3A_0 : i32
    %scan3A_2 = arith.constant 1 : i32
    scf.for %scan3A_28 = %scan3A to %scan3A_1 step %scan3A_2  : i32 {
      %mul3A_29 = arith.constant 1 : i32
      %mul3A_30 = arith.muli %scan3A_28, %mul3A_29 : i32
      %add3A = arith.constant 0 : i32
      %add3A_31 = arith.addi %add3A, %mul3A_30 : i32
      %scan3A_32 = arith.constant 0 : i32
      %scan3A_33 = arith.constant 8 : i32
      %scan3A_34 = arith.addi %scan3A_32, %scan3A_33 : i32
      %scan3A_35 = arith.constant 1 : i32
      scf.for %scan3A_37 = %scan3A_32 to %scan3A_34 step %scan3A_35  : i32 {
        %mul3A_38 = arith.constant 16 : i32
        %mul3A_39 = arith.muli %scan3A_37, %mul3A_38 : i32
        %add3A_40 = arith.constant 0 : i32
        %add3A_41 = arith.addi %add3A_40, %mul3A_39 : i32
        %broadcast_in_dim3A = arith.constant 0.000000e+00 : f32
        %broadcast_in_dim3A_42 = vector.broadcast %broadcast_in_dim3A : f32 to vector<1x16xf32>
        %swap3A = arith.index_cast %add3A_31 : i32 to index
        %swap3A_43 = arith.index_cast %add3A_41 : i32 to index
        %swap3A_44 = tpu.vector_load %arg9[%swap3A, %swap3A_43] {strides = array<i32>} : memref<128x128xf32, #tpu.memory_space<vmem>>, vector<1x16xf32>,
        %swap3A_45 = vector.shape_cast %swap3A_44 : vector<1x16xf32> to vector<1x16xf32>
        %swap3A_46 = vector.shape_cast %broadcast_in_dim3A_42 : vector<1x16xf32> to vector<1x16xf32>
        tpu.vector_store %arg9[%swap3A, %swap3A_43], %swap3A_46 {strides = array<i32>} : memref<128x128xf32, #tpu.memory_space<vmem>>, vector<1x16xf32>,
      }
      %scan3A_36 = arith.constant 8 : i32
    }
    %scan3A_3 = arith.constant 128 : i32
    %mul3A = arith.constant 640 : i32
    %mul3A_4 = arith.muli %arg1, %mul3A : i32
    %scan3A_5 = arith.constant 0 : i32
    %scan3A_6 = arith.constant 5 : i32
    %scan3A_7 = arith.addi %scan3A_5, %scan3A_6 : i32
    %scan3A_8 = arith.constant 1 : i32
    scf.for %scan3A_28 = %scan3A_5 to %scan3A_7 step %scan3A_8  : i32 {
      %mul3A_29 = arith.constant 128 : i32
      %mul3A_30 = arith.muli %scan3A_28, %mul3A_29 : i32
      %add3A = arith.constant 0 : i32
      %add3A_31 = arith.addi %add3A, %mul3A_30 : i32
      %add3A_32 = arith.addi %mul3A_4, %add3A_31 : i32
      "tpu.region"() ({
        %run_scoped3A = tpu.sem_alloc : memref<!tpu.dma_semaphore, #tpu.memory_space<semaphore_mem>>
        %dma_start3A = arith.constant 0 : i32
        %dma_start3A_33 = tpu.memref_slice %arg11[%add3A_32, %dma_start3A] : memref<10240x128xf32, #tpu.memory_space<vmem_shared>> -> memref<128x128xf32, #tpu.memory_space<vmem_shared>>
        %dma_start3A_34 = arith.constant 0 : i32
        %dma_start3A_35 = tpu.memref_slice %arg11[%add3A_32, %dma_start3A_34] : memref<10240x128xf32, #tpu.memory_space<vmem_shared>> -> memref<128x128xf32, #tpu.memory_space<vmem_shared>>
        tpu.enqueue_dma source(%arg9 : memref<128x128xf32, #tpu.memory_space<vmem>>) target(%dma_start3A_35 : memref<128x128xf32, #tpu.memory_space<vmem_shared>>) target_semaphore(%run_scoped3A : memref<!tpu.dma_semaphore, #tpu.memory_space<semaphore_mem>>)
        %dma_wait3A = arith.constant 0 : i32
        %dma_wait3A_36 = tpu.memref_slice %arg11[%add3A_32, %dma_wait3A] : memref<10240x128xf32, #tpu.memory_space<vmem_shared>> -> memref<128x128xf32, #tpu.memory_space<vmem_shared>>
        %dma_wait3A_37 = arith.constant 0 : i32
        %dma_wait3A_38 = tpu.memref_slice %arg11[%add3A_32, %dma_wait3A_37] : memref<10240x128xf32, #tpu.memory_space<vmem_shared>> -> memref<128x128xf32, #tpu.memory_space<vmem_shared>>
        tpu.wait_dma2 semaphore(%run_scoped3A : memref<!tpu.dma_semaphore, #tpu.memory_space<semaphore_mem>>) src(%arg9 : memref<128x128xf32, #tpu.memory_space<vmem>>) dst(%dma_wait3A_38 : memref<128x128xf32, #tpu.memory_space<vmem_shared>>)
        tpu.yield
      }) : () -> ()
    }
    %scan3A_9 = arith.constant 5 : i32
    %barrier3A = arith.constant 0 : index
    tpu.barrier barrier_id(%barrier3A)
    %eq3A = arith.constant 0 : i32
    %eq3A_10 = arith.cmpi eq, %arg0, %eq3A : i32
    %convert_element_type3A = arith.extui %eq3A_10 : i1 to i32
    %cond3A = arith.constant 0 : i32
    %cond3A_11 = arith.cmpi ne, %convert_element_type3A, %cond3A : i32
    scf.if %cond3A_11 {
      %scan3A_28 = arith.constant 0 : i32
      %scan3A_29 = arith.constant 160 : i32
      %scan3A_30 = arith.addi %scan3A_28, %scan3A_29 : i32
      %scan3A_31 = arith.constant 1 : i32
      scf.for %scan3A_33 = %scan3A_28 to %scan3A_30 step %scan3A_31  : i32 {
        %mul3A_34 = arith.constant 1 : i32
        %mul3A_35 = arith.muli %scan3A_33, %mul3A_34 : i32
        %add3A = arith.constant 0 : i32
        %add3A_36 = arith.addi %add3A, %mul3A_35 : i32
        %mul3A_37 = arith.constant 16 : i32
        %mul3A_38 = arith.muli %add3A_36, %mul3A_37 : i32
        %add3A_39 = arith.addi %mul3A_38, %arg1 : i32
        %mul3A_40 = arith.constant 128 : i32
        %mul3A_41 = arith.muli %add3A_39, %mul3A_40 : i32
        "tpu.region"() ({
          %run_scoped3A = tpu.sem_alloc : memref<!tpu.dma_semaphore, #tpu.memory_space<semaphore_mem>>
          %dma_start3A = tpu.memref_slice %arg4[%mul3A_41] : memref<327680xi32, #tpu.memory_space<hbm>> -> memref<128xi32, #tpu.memory_space<hbm>>
          %dma_start3A_42 = tpu.memref_slice %arg4[%mul3A_41] : memref<327680xi32, #tpu.memory_space<hbm>> -> memref<128xi32, #tpu.memory_space<hbm>>
          tpu.enqueue_dma source(%dma_start3A_42 : memref<128xi32, #tpu.memory_space<hbm>>) target(%arg8 : memref<128xi32, #tpu.memory_space<vmem>>) target_semaphore(%run_scoped3A : memref<!tpu.dma_semaphore, #tpu.memory_space<semaphore_mem>>)
          %dma_wait3A = tpu.memref_slice %arg4[%mul3A_41] : memref<327680xi32, #tpu.memory_space<hbm>> -> memref<128xi32, #tpu.memory_space<hbm>>
          %dma_wait3A_43 = tpu.memref_slice %arg4[%mul3A_41] : memref<327680xi32, #tpu.memory_space<hbm>> -> memref<128xi32, #tpu.memory_space<hbm>>
          tpu.wait_dma2 semaphore(%run_scoped3A : memref<!tpu.dma_semaphore, #tpu.memory_space<semaphore_mem>>) src(%dma_wait3A_43 : memref<128xi32, #tpu.memory_space<hbm>>) dst(%arg8 : memref<128xi32, #tpu.memory_space<vmem>>)
          tpu.yield
        }) : () -> ()
        "tpu.region"() ({
          %run_scoped3A = tpu.sem_alloc : memref<!tpu.dma_semaphore, #tpu.memory_space<semaphore_mem>>
          %dma_start3A = arith.constant 0 : i32
          %dma_start3A_42 = tpu.memref_slice %arg2[%mul3A_41, %dma_start3A] : memref<327680x128xf32, #tpu.memory_space<hbm>> -> memref<128x128xf32, #tpu.memory_space<hbm>>
          %dma_start3A_43 = arith.constant 0 : i32
          %dma_start3A_44 = tpu.memref_slice %arg2[%mul3A_41, %dma_start3A_43] : memref<327680x128xf32, #tpu.memory_space<hbm>> -> memref<128x128xf32, #tpu.memory_space<hbm>>
          tpu.enqueue_dma source(%dma_start3A_44 : memref<128x128xf32, #tpu.memory_space<hbm>>) target(%arg9 : memref<128x128xf32, #tpu.memory_space<vmem>>) target_semaphore(%run_scoped3A : memref<!tpu.dma_semaphore, #tpu.memory_space<semaphore_mem>>)
          %dma_wait3A = arith.constant 0 : i32
          %dma_wait3A_45 = tpu.memref_slice %arg2[%mul3A_41, %dma_wait3A] : memref<327680x128xf32, #tpu.memory_space<hbm>> -> memref<128x128xf32, #tpu.memory_space<hbm>>
          %dma_wait3A_46 = arith.constant 0 : i32
          %dma_wait3A_47 = tpu.memref_slice %arg2[%mul3A_41, %dma_wait3A_46] : memref<327680x128xf32, #tpu.memory_space<hbm>> -> memref<128x128xf32, #tpu.memory_space<hbm>>
          tpu.wait_dma2 semaphore(%run_scoped3A : memref<!tpu.dma_semaphore, #tpu.memory_space<semaphore_mem>>) src(%dma_wait3A_47 : memref<128x128xf32, #tpu.memory_space<hbm>>) dst(%arg9 : memref<128x128xf32, #tpu.memory_space<vmem>>)
          tpu.yield
        }) : () -> ()
        "tpu.region"() ({
          %run_scoped3A = tpu.sem_alloc : memref<!tpu.dma_semaphore, #tpu.memory_space<semaphore_mem>>
          %dma_start3A = arith.constant 0 : i32
          %dma_start3A_42 = arith.constant 0 : i32
          %dma_start3A_43 = tpu.memref_slice %arg11[%dma_start3A, %dma_start3A_42] : memref<10240x128xf32, #tpu.memory_space<vmem_shared>> -> memref<10240x128xf32, #tpu.memory_space<vmem_shared>>
          tpu.enqueue_indirect_dma source(%arg9 : memref<128x128xf32, #tpu.memory_space<vmem>>) target(%dma_start3A_43 : memref<10240x128xf32, #tpu.memory_space<vmem_shared>>) offsets(%arg8 : memref<128xi32, #tpu.memory_space<vmem>>) semaphore(%run_scoped3A : memref<!tpu.dma_semaphore, #tpu.memory_space<semaphore_mem>>) {add = true}
          %dma_wait3A = arith.constant 0 : i32
          %dma_wait3A_44 = arith.constant 0 : i32
          %dma_wait3A_45 = tpu.memref_slice %arg11[%dma_wait3A, %dma_wait3A_44] : memref<10240x128xf32, #tpu.memory_space<vmem_shared>> -> memref<10240x128xf32, #tpu.memory_space<vmem_shared>>
          tpu.wait_indirect_dma semaphore(%run_scoped3A : memref<!tpu.dma_semaphore, #tpu.memory_space<semaphore_mem>>) src(%arg9 : memref<128x128xf32, #tpu.memory_space<vmem>>) dst(%dma_wait3A_45 : memref<10240x128xf32, #tpu.memory_space<vmem_shared>>)
          tpu.yield
        }) : () -> ()
      }
      %scan3A_32 = arith.constant 160 : i32
    } else {
    }
    %eq3A_12 = arith.constant 1 : i32
    %eq3A_13 = arith.cmpi eq, %arg0, %eq3A_12 : i32
    %convert_element_type3A_14 = arith.extui %eq3A_13 : i1 to i32
    %cond3A_15 = arith.constant 0 : i32
    %cond3A_16 = arith.cmpi ne, %convert_element_type3A_14, %cond3A_15 : i32
    scf.if %cond3A_16 {
      %scan3A_28 = arith.constant 0 : i32
      %scan3A_29 = arith.constant 160 : i32
      %scan3A_30 = arith.addi %scan3A_28, %scan3A_29 : i32
      %scan3A_31 = arith.constant 1 : i32
      scf.for %scan3A_33 = %scan3A_28 to %scan3A_30 step %scan3A_31  : i32 {
        %mul3A_34 = arith.constant 1 : i32
        %mul3A_35 = arith.muli %scan3A_33, %mul3A_34 : i32
        %add3A = arith.constant 0 : i32
        %add3A_36 = arith.addi %add3A, %mul3A_35 : i32
        %mul3A_37 = arith.constant 16 : i32
        %mul3A_38 = arith.muli %add3A_36, %mul3A_37 : i32
        %add3A_39 = arith.addi %mul3A_38, %arg1 : i32
        %mul3A_40 = arith.constant 128 : i32
        %mul3A_41 = arith.muli %add3A_39, %mul3A_40 : i32
        "tpu.region"() ({
          %run_scoped3A = tpu.sem_alloc : memref<!tpu.dma_semaphore, #tpu.memory_space<semaphore_mem>>
          %dma_start3A = tpu.memref_slice %arg5[%mul3A_41] : memref<327680xi32, #tpu.memory_space<hbm>> -> memref<128xi32, #tpu.memory_space<hbm>>
          %dma_start3A_42 = tpu.memref_slice %arg5[%mul3A_41] : memref<327680xi32, #tpu.memory_space<hbm>> -> memref<128xi32, #tpu.memory_space<hbm>>
          tpu.enqueue_dma source(%dma_start3A_42 : memref<128xi32, #tpu.memory_space<hbm>>) target(%arg8 : memref<128xi32, #tpu.memory_space<vmem>>) target_semaphore(%run_scoped3A : memref<!tpu.dma_semaphore, #tpu.memory_space<semaphore_mem>>)
          %dma_wait3A = tpu.memref_slice %arg5[%mul3A_41] : memref<327680xi32, #tpu.memory_space<hbm>> -> memref<128xi32, #tpu.memory_space<hbm>>
          %dma_wait3A_43 = tpu.memref_slice %arg5[%mul3A_41] : memref<327680xi32, #tpu.memory_space<hbm>> -> memref<128xi32, #tpu.memory_space<hbm>>
          tpu.wait_dma2 semaphore(%run_scoped3A : memref<!tpu.dma_semaphore, #tpu.memory_space<semaphore_mem>>) src(%dma_wait3A_43 : memref<128xi32, #tpu.memory_space<hbm>>) dst(%arg8 : memref<128xi32, #tpu.memory_space<vmem>>)
          tpu.yield
        }) : () -> ()
        "tpu.region"() ({
          %run_scoped3A = tpu.sem_alloc : memref<!tpu.dma_semaphore, #tpu.memory_space<semaphore_mem>>
          %dma_start3A = arith.constant 0 : i32
          %dma_start3A_42 = tpu.memref_slice %arg3[%mul3A_41, %dma_start3A] : memref<327680x128xf32, #tpu.memory_space<hbm>> -> memref<128x128xf32, #tpu.memory_space<hbm>>
          %dma_start3A_43 = arith.constant 0 : i32
          %dma_start3A_44 = tpu.memref_slice %arg3[%mul3A_41, %dma_start3A_43] : memref<327680x128xf32, #tpu.memory_space<hbm>> -> memref<128x128xf32, #tpu.memory_space<hbm>>
          tpu.enqueue_dma source(%dma_start3A_44 : memref<128x128xf32, #tpu.memory_space<hbm>>) target(%arg9 : memref<128x128xf32, #tpu.memory_space<vmem>>) target_semaphore(%run_scoped3A : memref<!tpu.dma_semaphore, #tpu.memory_space<semaphore_mem>>)
          %dma_wait3A = arith.constant 0 : i32
          %dma_wait3A_45 = tpu.memref_slice %arg3[%mul3A_41, %dma_wait3A] : memref<327680x128xf32, #tpu.memory_space<hbm>> -> memref<128x128xf32, #tpu.memory_space<hbm>>
          %dma_wait3A_46 = arith.constant 0 : i32
          %dma_wait3A_47 = tpu.memref_slice %arg3[%mul3A_41, %dma_wait3A_46] : memref<327680x128xf32, #tpu.memory_space<hbm>> -> memref<128x128xf32, #tpu.memory_space<hbm>>
          tpu.wait_dma2 semaphore(%run_scoped3A : memref<!tpu.dma_semaphore, #tpu.memory_space<semaphore_mem>>) src(%dma_wait3A_47 : memref<128x128xf32, #tpu.memory_space<hbm>>) dst(%arg9 : memref<128x128xf32, #tpu.memory_space<vmem>>)
          tpu.yield
        }) : () -> ()
        "tpu.region"() ({
          %run_scoped3A = tpu.sem_alloc : memref<!tpu.dma_semaphore, #tpu.memory_space<semaphore_mem>>
          %dma_start3A = arith.constant 0 : i32
          %dma_start3A_42 = arith.constant 0 : i32
          %dma_start3A_43 = tpu.memref_slice %arg11[%dma_start3A, %dma_start3A_42] : memref<10240x128xf32, #tpu.memory_space<vmem_shared>> -> memref<10240x128xf32, #tpu.memory_space<vmem_shared>>
          tpu.enqueue_indirect_dma source(%arg9 : memref<128x128xf32, #tpu.memory_space<vmem>>) target(%dma_start3A_43 : memref<10240x128xf32, #tpu.memory_space<vmem_shared>>) offsets(%arg8 : memref<128xi32, #tpu.memory_space<vmem>>) semaphore(%run_scoped3A : memref<!tpu.dma_semaphore, #tpu.memory_space<semaphore_mem>>) {add = true}
          %dma_wait3A = arith.constant 0 : i32
          %dma_wait3A_44 = arith.constant 0 : i32
          %dma_wait3A_45 = tpu.memref_slice %arg11[%dma_wait3A, %dma_wait3A_44] : memref<10240x128xf32, #tpu.memory_space<vmem_shared>> -> memref<10240x128xf32, #tpu.memory_space<vmem_shared>>
          tpu.wait_indirect_dma semaphore(%run_scoped3A : memref<!tpu.dma_semaphore, #tpu.memory_space<semaphore_mem>>) src(%arg9 : memref<128x128xf32, #tpu.memory_space<vmem>>) dst(%dma_wait3A_45 : memref<10240x128xf32, #tpu.memory_space<vmem_shared>>)
          tpu.yield
        }) : () -> ()
      }
      %scan3A_32 = arith.constant 160 : i32
    } else {
    }
    %barrier3A_17 = arith.constant 0 : index
    tpu.barrier barrier_id(%barrier3A_17)
    %eq3A_18 = arith.constant 0 : i32
    %eq3A_19 = arith.cmpi eq, %arg0, %eq3A_18 : i32
    %convert_element_type3A_20 = arith.extui %eq3A_19 : i1 to i32
    %cond3A_21 = arith.constant 0 : i32
    %cond3A_22 = arith.cmpi ne, %convert_element_type3A_20, %cond3A_21 : i32
    scf.if %cond3A_22 {
      "tpu.region"() ({
        %run_scoped3A = tpu.sem_alloc : memref<!tpu.dma_semaphore, #tpu.memory_space<semaphore_mem>>
        %dma_start3A = arith.constant 0 : i32
        %dma_start3A_28 = tpu.memref_slice %arg6[%mul3A_4, %dma_start3A] : memref<10240x128xf32, #tpu.memory_space<hbm>> -> memref<640x128xf32, #tpu.memory_space<hbm>>
        %dma_start3A_29 = arith.constant 0 : i32
        %dma_start3A_30 = tpu.memref_slice %arg11[%mul3A_4, %dma_start3A_29] : memref<10240x128xf32, #tpu.memory_space<vmem_shared>> -> memref<640x128xf32, #tpu.memory_space<vmem_shared>>
        tpu.enqueue_dma source(%dma_start3A_30 : memref<640x128xf32, #tpu.memory_space<vmem_shared>>) target(%dma_start3A_28 : memref<640x128xf32, #tpu.memory_space<hbm>>) target_semaphore(%run_scoped3A : memref<!tpu.dma_semaphore, #tpu.memory_space<semaphore_mem>>)
        %dma_wait3A = arith.constant 0 : i32
        %dma_wait3A_31 = tpu.memref_slice %arg6[%mul3A_4, %dma_wait3A] : memref<10240x128xf32, #tpu.memory_space<hbm>> -> memref<640x128xf32, #tpu.memory_space<hbm>>
        %dma_wait3A_32 = arith.constant 0 : i32
        %dma_wait3A_33 = tpu.memref_slice %arg11[%mul3A_4, %dma_wait3A_32] : memref<10240x128xf32, #tpu.memory_space<vmem_shared>> -> memref<640x128xf32, #tpu.memory_space<vmem_shared>>
        tpu.wait_dma2 semaphore(%run_scoped3A : memref<!tpu.dma_semaphore, #tpu.memory_space<semaphore_mem>>) src(%dma_wait3A_33 : memref<640x128xf32, #tpu.memory_space<vmem_shared>>) dst(%dma_wait3A_31 : memref<640x128xf32, #tpu.memory_space<hbm>>)
        tpu.yield
      }) : () -> ()
    } else {
    }
    %eq3A_23 = arith.constant 1 : i32
    %eq3A_24 = arith.cmpi eq, %arg0, %eq3A_23 : i32
    %convert_element_type3A_25 = arith.extui %eq3A_24 : i1 to i32
    %cond3A_26 = arith.constant 0 : i32
    %cond3A_27 = arith.cmpi ne, %convert_element_type3A_25, %cond3A_26 : i32
    scf.if %cond3A_27 {
      "tpu.region"() ({
        %run_scoped3A = tpu.sem_alloc : memref<!tpu.dma_semaphore, #tpu.memory_space<semaphore_mem>>
        %dma_start3A = arith.constant 0 : i32
        %dma_start3A_28 = tpu.memref_slice %arg7[%mul3A_4, %dma_start3A] : memref<10240x128xf32, #tpu.memory_space<hbm>> -> memref<640x128xf32, #tpu.memory_space<hbm>>
        %dma_start3A_29 = arith.constant 0 : i32
        %dma_start3A_30 = tpu.memref_slice %arg11[%mul3A_4, %dma_start3A_29] : memref<10240x128xf32, #tpu.memory_space<vmem_shared>> -> memref<640x128xf32, #tpu.memory_space<vmem_shared>>
        tpu.enqueue_dma source(%dma_start3A_30 : memref<640x128xf32, #tpu.memory_space<vmem_shared>>) target(%dma_start3A_28 : memref<640x128xf32, #tpu.memory_space<hbm>>) target_semaphore(%run_scoped3A : memref<!tpu.dma_semaphore, #tpu.memory_space<semaphore_mem>>)
        %dma_wait3A = arith.constant 0 : i32
        %dma_wait3A_31 = tpu.memref_slice %arg7[%mul3A_4, %dma_wait3A] : memref<10240x128xf32, #tpu.memory_space<hbm>> -> memref<640x128xf32, #tpu.memory_space<hbm>>
        %dma_wait3A_32 = arith.constant 0 : i32
        %dma_wait3A_33 = tpu.memref_slice %arg11[%mul3A_4, %dma_wait3A_32] : memref<10240x128xf32, #tpu.memory_space<vmem_shared>> -> memref<640x128xf32, #tpu.memory_space<vmem_shared>>
        tpu.wait_dma2 semaphore(%run_scoped3A : memref<!tpu.dma_semaphore, #tpu.memory_space<semaphore_mem>>) src(%dma_wait3A_33 : memref<640x128xf32, #tpu.memory_space<vmem_shared>>) dst(%dma_wait3A_31 : memref<640x128xf32, #tpu.memory_space<hbm>>)
        tpu.yield
      }) : () -> ()
    } else {
    }
    return
  }
}

#map = affine_map<(d0, d1) -> (0, 0)>
#map1 = affine_map<(d0, d1) -> (0)>
module attributes {stable_mosaic.version = 14 : i64} {
  func.func @body(%arg0: i32, %arg1: i32, %arg2: memref<1000x128xf32, #tpu.memory_space<hbm>>, %arg3: memref<16384xi32, #tpu.memory_space<hbm>>, %arg4: memref<16384xi32, #tpu.memory_space<hbm>>, %arg5: memref<16384x128xf32, #tpu.memory_space<hbm>>, %arg6: memref<16384x128xf32, #tpu.memory_space<hbm>>, %arg7: memref<128xi32, #tpu.memory_space<vmem>>, %arg8: memref<128x128xf32, #tpu.memory_space<vmem>>, %arg9: memref<!tpu.dma_semaphore, #tpu.memory_space<semaphore_mem>>) attributes {dimension_semantics = [#tpu.dimension_semantics<core_parallel>, #tpu.dimension_semantics<subcore_parallel>], iteration_bounds = array<i64: 2, 16>, scalar_prefetch = 0 : i64, scratch_operands = 3 : i64, tpu.core_type = #tpu.core_type<sc_vector_subcore>, window_params = [{transform_indices = #map}, {transform_indices = #map1}, {transform_indices = #map1}, {transform_indices = #map}, {transform_indices = #map}]} {
    %eq3A = arith.constant 0 : i32
    %eq3A_0 = arith.cmpi eq, %arg0, %eq3A : i32
    %convert_element_type3A = arith.extui %eq3A_0 : i1 to i32
    %cond3A = arith.constant 0 : i32
    %cond3A_1 = arith.cmpi ne, %convert_element_type3A, %cond3A : i32
    scf.if %cond3A_1 {
      %scan3A = arith.constant 0 : i32
      %scan3A_7 = arith.constant 8 : i32
      %scan3A_8 = arith.addi %scan3A, %scan3A_7 : i32
      %scan3A_9 = arith.constant 1 : i32
      scf.for %scan3A_11 = %scan3A to %scan3A_8 step %scan3A_9  : i32 {
        %mul3A = arith.constant 1 : i32
        %mul3A_12 = arith.muli %scan3A_11, %mul3A : i32
        %add3A = arith.constant 0 : i32
        %add3A_13 = arith.addi %add3A, %mul3A_12 : i32
        %mul3A_14 = arith.constant 16 : i32
        %mul3A_15 = arith.muli %add3A_13, %mul3A_14 : i32
        %add3A_16 = arith.addi %mul3A_15, %arg1 : i32
        %mul3A_17 = arith.constant 128 : i32
        %mul3A_18 = arith.muli %add3A_16, %mul3A_17 : i32
        "tpu.region"() ({
          %run_scoped3A = tpu.sem_alloc : memref<!tpu.dma_semaphore, #tpu.memory_space<semaphore_mem>>
          %dma_start3A_23 = tpu.memref_slice %arg3[%mul3A_18] : memref<16384xi32, #tpu.memory_space<hbm>> -> memref<128xi32, #tpu.memory_space<hbm>>
          %dma_start3A_24 = tpu.memref_slice %arg3[%mul3A_18] : memref<16384xi32, #tpu.memory_space<hbm>> -> memref<128xi32, #tpu.memory_space<hbm>>
          tpu.enqueue_dma source(%dma_start3A_24 : memref<128xi32, #tpu.memory_space<hbm>>) target(%arg7 : memref<128xi32, #tpu.memory_space<vmem>>) target_semaphore(%run_scoped3A : memref<!tpu.dma_semaphore, #tpu.memory_space<semaphore_mem>>)
          %dma_wait3A_25 = tpu.memref_slice %arg3[%mul3A_18] : memref<16384xi32, #tpu.memory_space<hbm>> -> memref<128xi32, #tpu.memory_space<hbm>>
          %dma_wait3A_26 = tpu.memref_slice %arg3[%mul3A_18] : memref<16384xi32, #tpu.memory_space<hbm>> -> memref<128xi32, #tpu.memory_space<hbm>>
          tpu.wait_dma2 semaphore(%run_scoped3A : memref<!tpu.dma_semaphore, #tpu.memory_space<semaphore_mem>>) src(%dma_wait3A_26 : memref<128xi32, #tpu.memory_space<hbm>>) dst(%arg7 : memref<128xi32, #tpu.memory_space<vmem>>)
          tpu.yield
        }) : () -> ()
        %dma_start3A = arith.constant 0 : i32
        %dma_start3A_19 = arith.constant 0 : i32
        %dma_start3A_20 = tpu.memref_slice %arg2[%dma_start3A, %dma_start3A_19] : memref<1000x128xf32, #tpu.memory_space<hbm>> -> memref<1000x128xf32, #tpu.memory_space<hbm>>
        tpu.enqueue_indirect_dma source(%dma_start3A_20 : memref<1000x128xf32, #tpu.memory_space<hbm>>) target(%arg8 : memref<128x128xf32, #tpu.memory_space<vmem>>) offsets(%arg7 : memref<128xi32, #tpu.memory_space<vmem>>) semaphore(%arg9 : memref<!tpu.dma_semaphore, #tpu.memory_space<semaphore_mem>>)
        %dma_wait3A = arith.constant 0 : i32
        %dma_wait3A_21 = arith.constant 0 : i32
        %dma_wait3A_22 = tpu.memref_slice %arg2[%dma_wait3A, %dma_wait3A_21] : memref<1000x128xf32, #tpu.memory_space<hbm>> -> memref<1000x128xf32, #tpu.memory_space<hbm>>
        tpu.wait_indirect_dma semaphore(%arg9 : memref<!tpu.dma_semaphore, #tpu.memory_space<semaphore_mem>>) src(%dma_wait3A_22 : memref<1000x128xf32, #tpu.memory_space<hbm>>) dst(%arg8 : memref<128x128xf32, #tpu.memory_space<vmem>>)
        "tpu.region"() ({
          %run_scoped3A = tpu.sem_alloc : memref<!tpu.dma_semaphore, #tpu.memory_space<semaphore_mem>>
          %dma_start3A_23 = arith.constant 0 : i32
          %dma_start3A_24 = tpu.memref_slice %arg5[%mul3A_18, %dma_start3A_23] : memref<16384x128xf32, #tpu.memory_space<hbm>> -> memref<128x128xf32, #tpu.memory_space<hbm>>
          %dma_start3A_25 = arith.constant 0 : i32
          %dma_start3A_26 = tpu.memref_slice %arg5[%mul3A_18, %dma_start3A_25] : memref<16384x128xf32, #tpu.memory_space<hbm>> -> memref<128x128xf32, #tpu.memory_space<hbm>>
          tpu.enqueue_dma source(%arg8 : memref<128x128xf32, #tpu.memory_space<vmem>>) target(%dma_start3A_26 : memref<128x128xf32, #tpu.memory_space<hbm>>) target_semaphore(%run_scoped3A : memref<!tpu.dma_semaphore, #tpu.memory_space<semaphore_mem>>)
          %dma_wait3A_27 = arith.constant 0 : i32
          %dma_wait3A_28 = tpu.memref_slice %arg5[%mul3A_18, %dma_wait3A_27] : memref<16384x128xf32, #tpu.memory_space<hbm>> -> memref<128x128xf32, #tpu.memory_space<hbm>>
          %dma_wait3A_29 = arith.constant 0 : i32
          %dma_wait3A_30 = tpu.memref_slice %arg5[%mul3A_18, %dma_wait3A_29] : memref<16384x128xf32, #tpu.memory_space<hbm>> -> memref<128x128xf32, #tpu.memory_space<hbm>>
          tpu.wait_dma2 semaphore(%run_scoped3A : memref<!tpu.dma_semaphore, #tpu.memory_space<semaphore_mem>>) src(%arg8 : memref<128x128xf32, #tpu.memory_space<vmem>>) dst(%dma_wait3A_30 : memref<128x128xf32, #tpu.memory_space<hbm>>)
          tpu.yield
        }) : () -> ()
      }
      %scan3A_10 = arith.constant 8 : i32
    } else {
    }
    %eq3A_2 = arith.constant 1 : i32
    %eq3A_3 = arith.cmpi eq, %arg0, %eq3A_2 : i32
    %convert_element_type3A_4 = arith.extui %eq3A_3 : i1 to i32
    %cond3A_5 = arith.constant 0 : i32
    %cond3A_6 = arith.cmpi ne, %convert_element_type3A_4, %cond3A_5 : i32
    scf.if %cond3A_6 {
      %scan3A = arith.constant 0 : i32
      %scan3A_7 = arith.constant 8 : i32
      %scan3A_8 = arith.addi %scan3A, %scan3A_7 : i32
      %scan3A_9 = arith.constant 1 : i32
      scf.for %scan3A_11 = %scan3A to %scan3A_8 step %scan3A_9  : i32 {
        %mul3A = arith.constant 1 : i32
        %mul3A_12 = arith.muli %scan3A_11, %mul3A : i32
        %add3A = arith.constant 0 : i32
        %add3A_13 = arith.addi %add3A, %mul3A_12 : i32
        %mul3A_14 = arith.constant 16 : i32
        %mul3A_15 = arith.muli %add3A_13, %mul3A_14 : i32
        %add3A_16 = arith.addi %mul3A_15, %arg1 : i32
        %mul3A_17 = arith.constant 128 : i32
        %mul3A_18 = arith.muli %add3A_16, %mul3A_17 : i32
        "tpu.region"() ({
          %run_scoped3A = tpu.sem_alloc : memref<!tpu.dma_semaphore, #tpu.memory_space<semaphore_mem>>
          %dma_start3A_23 = tpu.memref_slice %arg4[%mul3A_18] : memref<16384xi32, #tpu.memory_space<hbm>> -> memref<128xi32, #tpu.memory_space<hbm>>
          %dma_start3A_24 = tpu.memref_slice %arg4[%mul3A_18] : memref<16384xi32, #tpu.memory_space<hbm>> -> memref<128xi32, #tpu.memory_space<hbm>>
          tpu.enqueue_dma source(%dma_start3A_24 : memref<128xi32, #tpu.memory_space<hbm>>) target(%arg7 : memref<128xi32, #tpu.memory_space<vmem>>) target_semaphore(%run_scoped3A : memref<!tpu.dma_semaphore, #tpu.memory_space<semaphore_mem>>)
          %dma_wait3A_25 = tpu.memref_slice %arg4[%mul3A_18] : memref<16384xi32, #tpu.memory_space<hbm>> -> memref<128xi32, #tpu.memory_space<hbm>>
          %dma_wait3A_26 = tpu.memref_slice %arg4[%mul3A_18] : memref<16384xi32, #tpu.memory_space<hbm>> -> memref<128xi32, #tpu.memory_space<hbm>>
          tpu.wait_dma2 semaphore(%run_scoped3A : memref<!tpu.dma_semaphore, #tpu.memory_space<semaphore_mem>>) src(%dma_wait3A_26 : memref<128xi32, #tpu.memory_space<hbm>>) dst(%arg7 : memref<128xi32, #tpu.memory_space<vmem>>)
          tpu.yield
        }) : () -> ()
        %dma_start3A = arith.constant 0 : i32
        %dma_start3A_19 = arith.constant 0 : i32
        %dma_start3A_20 = tpu.memref_slice %arg2[%dma_start3A, %dma_start3A_19] : memref<1000x128xf32, #tpu.memory_space<hbm>> -> memref<1000x128xf32, #tpu.memory_space<hbm>>
        tpu.enqueue_indirect_dma source(%dma_start3A_20 : memref<1000x128xf32, #tpu.memory_space<hbm>>) target(%arg8 : memref<128x128xf32, #tpu.memory_space<vmem>>) offsets(%arg7 : memref<128xi32, #tpu.memory_space<vmem>>) semaphore(%arg9 : memref<!tpu.dma_semaphore, #tpu.memory_space<semaphore_mem>>)
        %dma_wait3A = arith.constant 0 : i32
        %dma_wait3A_21 = arith.constant 0 : i32
        %dma_wait3A_22 = tpu.memref_slice %arg2[%dma_wait3A, %dma_wait3A_21] : memref<1000x128xf32, #tpu.memory_space<hbm>> -> memref<1000x128xf32, #tpu.memory_space<hbm>>
        tpu.wait_indirect_dma semaphore(%arg9 : memref<!tpu.dma_semaphore, #tpu.memory_space<semaphore_mem>>) src(%dma_wait3A_22 : memref<1000x128xf32, #tpu.memory_space<hbm>>) dst(%arg8 : memref<128x128xf32, #tpu.memory_space<vmem>>)
        "tpu.region"() ({
          %run_scoped3A = tpu.sem_alloc : memref<!tpu.dma_semaphore, #tpu.memory_space<semaphore_mem>>
          %dma_start3A_23 = arith.constant 0 : i32
          %dma_start3A_24 = tpu.memref_slice %arg6[%mul3A_18, %dma_start3A_23] : memref<16384x128xf32, #tpu.memory_space<hbm>> -> memref<128x128xf32, #tpu.memory_space<hbm>>
          %dma_start3A_25 = arith.constant 0 : i32
          %dma_start3A_26 = tpu.memref_slice %arg6[%mul3A_18, %dma_start3A_25] : memref<16384x128xf32, #tpu.memory_space<hbm>> -> memref<128x128xf32, #tpu.memory_space<hbm>>
          tpu.enqueue_dma source(%arg8 : memref<128x128xf32, #tpu.memory_space<vmem>>) target(%dma_start3A_26 : memref<128x128xf32, #tpu.memory_space<hbm>>) target_semaphore(%run_scoped3A : memref<!tpu.dma_semaphore, #tpu.memory_space<semaphore_mem>>)
          %dma_wait3A_27 = arith.constant 0 : i32
          %dma_wait3A_28 = tpu.memref_slice %arg6[%mul3A_18, %dma_wait3A_27] : memref<16384x128xf32, #tpu.memory_space<hbm>> -> memref<128x128xf32, #tpu.memory_space<hbm>>
          %dma_wait3A_29 = arith.constant 0 : i32
          %dma_wait3A_30 = tpu.memref_slice %arg6[%mul3A_18, %dma_wait3A_29] : memref<16384x128xf32, #tpu.memory_space<hbm>> -> memref<128x128xf32, #tpu.memory_space<hbm>>
          tpu.wait_dma2 semaphore(%run_scoped3A : memref<!tpu.dma_semaphore, #tpu.memory_space<semaphore_mem>>) src(%arg8 : memref<128x128xf32, #tpu.memory_space<vmem>>) dst(%dma_wait3A_30 : memref<128x128xf32, #tpu.memory_space<hbm>>)
          tpu.yield
        }) : () -> ()
      }
      %scan3A_10 = arith.constant 8 : i32
    } else {
    }
    return
  }
}

#map = affine_map<(d0, d1) -> (0, 0)>
#map1 = affine_map<(d0, d1) -> (0)>
module attributes {stable_mosaic.version = 14 : i64} {
  func.func @body(%arg0: i32, %arg1: i32, %arg2: memref<327680x128xf32, #tpu.memory_space<hbm>>, %arg3: memref<327680x128xf32, #tpu.memory_space<hbm>>, %arg4: memref<327680xi32, #tpu.memory_space<hbm>>, %arg5: memref<327680xi32, #tpu.memory_space<hbm>>, %arg6: memref<10240x128xf32, #tpu.memory_space<hbm>>, %arg7: memref<10240x128xf32, #tpu.memory_space<hbm>>, %arg8: memref<128xi32, #tpu.memory_space<vmem>>, %arg9: memref<128x128xf32, #tpu.memory_space<vmem>>, %arg10: memref<128x128xf32, #tpu.memory_space<vmem>>, %arg11: memref<10240x128xf32, #tpu.memory_space<vmem_shared>>, %arg12: memref<!tpu.dma_semaphore, #tpu.memory_space<semaphore_mem>>, %arg13: memref<!tpu.dma_semaphore, #tpu.memory_space<semaphore_mem>>) attributes {dimension_semantics = [#tpu.dimension_semantics<core_parallel>, #tpu.dimension_semantics<subcore_parallel>], iteration_bounds = array<i64: 2, 16>, scalar_prefetch = 0 : i64, scratch_operands = 6 : i64, tpu.core_type = #tpu.core_type<sc_vector_subcore>, window_params = [{transform_indices = #map}, {transform_indices = #map}, {transform_indices = #map1}, {transform_indices = #map1}, {transform_indices = #map}, {transform_indices = #map}]} {
    %scan3A = arith.constant 0 : i32
    %scan3A_0 = arith.constant 128 : i32
    %scan3A_1 = arith.addi %scan3A, %scan3A_0 : i32
    %scan3A_2 = arith.constant 1 : i32
    scf.for %scan3A_28 = %scan3A to %scan3A_1 step %scan3A_2  : i32 {
      %mul3A_29 = arith.constant 1 : i32
      %mul3A_30 = arith.muli %scan3A_28, %mul3A_29 : i32
      %add3A = arith.constant 0 : i32
      %add3A_31 = arith.addi %add3A, %mul3A_30 : i32
      %scan3A_32 = arith.constant 0 : i32
      %scan3A_33 = arith.constant 8 : i32
      %scan3A_34 = arith.addi %scan3A_32, %scan3A_33 : i32
      %scan3A_35 = arith.constant 1 : i32
      scf.for %scan3A_37 = %scan3A_32 to %scan3A_34 step %scan3A_35  : i32 {
        %mul3A_38 = arith.constant 16 : i32
        %mul3A_39 = arith.muli %scan3A_37, %mul3A_38 : i32
        %add3A_40 = arith.constant 0 : i32
        %add3A_41 = arith.addi %add3A_40, %mul3A_39 : i32
        %broadcast_in_dim3A = arith.constant 0.000000e+00 : f32
        %broadcast_in_dim3A_42 = vector.broadcast %broadcast_in_dim3A : f32 to vector<1x16xf32>
        %swap3A = arith.index_cast %add3A_31 : i32 to index
        %swap3A_43 = arith.index_cast %add3A_41 : i32 to index
        %swap3A_44 = tpu.vector_load %arg9[%swap3A, %swap3A_43] {strides = array<i32>} : memref<128x128xf32, #tpu.memory_space<vmem>>, vector<1x16xf32>,
        %swap3A_45 = vector.shape_cast %swap3A_44 : vector<1x16xf32> to vector<1x16xf32>
        %swap3A_46 = vector.shape_cast %broadcast_in_dim3A_42 : vector<1x16xf32> to vector<1x16xf32>
        tpu.vector_store %arg9[%swap3A, %swap3A_43], %swap3A_46 {strides = array<i32>} : memref<128x128xf32, #tpu.memory_space<vmem>>, vector<1x16xf32>,
      }
      %scan3A_36 = arith.constant 8 : i32
    }
    %scan3A_3 = arith.constant 128 : i32
    %mul3A = arith.constant 640 : i32
    %mul3A_4 = arith.muli %arg1, %mul3A : i32
    %scan3A_5 = arith.constant 0 : i32
    %scan3A_6 = arith.constant 5 : i32
    %scan3A_7 = arith.addi %scan3A_5, %scan3A_6 : i32
    %scan3A_8 = arith.constant 1 : i32
    scf.for %scan3A_28 = %scan3A_5 to %scan3A_7 step %scan3A_8  : i32 {
      %mul3A_29 = arith.constant 128 : i32
      %mul3A_30 = arith.muli %scan3A_28, %mul3A_29 : i32
      %add3A = arith.constant 0 : i32
      %add3A_31 = arith.addi %add3A, %mul3A_30 : i32
      %add3A_32 = arith.addi %mul3A_4, %add3A_31 : i32
      "tpu.region"() ({
        %run_scoped3A = tpu.sem_alloc : memref<!tpu.dma_semaphore, #tpu.memory_space<semaphore_mem>>
        %dma_start3A = arith.constant 0 : i32
        %dma_start3A_33 = tpu.memref_slice %arg11[%add3A_32, %dma_start3A] : memref<10240x128xf32, #tpu.memory_space<vmem_shared>> -> memref<128x128xf32, #tpu.memory_space<vmem_shared>>
        %dma_start3A_34 = arith.constant 0 : i32
        %dma_start3A_35 = tpu.memref_slice %arg11[%add3A_32, %dma_start3A_34] : memref<10240x128xf32, #tpu.memory_space<vmem_shared>> -> memref<128x128xf32, #tpu.memory_space<vmem_shared>>
        tpu.enqueue_dma source(%arg9 : memref<128x128xf32, #tpu.memory_space<vmem>>) target(%dma_start3A_35 : memref<128x128xf32, #tpu.memory_space<vmem_shared>>) target_semaphore(%run_scoped3A : memref<!tpu.dma_semaphore, #tpu.memory_space<semaphore_mem>>)
        %dma_wait3A = arith.constant 0 : i32
        %dma_wait3A_36 = tpu.memref_slice %arg11[%add3A_32, %dma_wait3A] : memref<10240x128xf32, #tpu.memory_space<vmem_shared>> -> memref<128x128xf32, #tpu.memory_space<vmem_shared>>
        %dma_wait3A_37 = arith.constant 0 : i32
        %dma_wait3A_38 = tpu.memref_slice %arg11[%add3A_32, %dma_wait3A_37] : memref<10240x128xf32, #tpu.memory_space<vmem_shared>> -> memref<128x128xf32, #tpu.memory_space<vmem_shared>>
        tpu.wait_dma2 semaphore(%run_scoped3A : memref<!tpu.dma_semaphore, #tpu.memory_space<semaphore_mem>>) src(%arg9 : memref<128x128xf32, #tpu.memory_space<vmem>>) dst(%dma_wait3A_38 : memref<128x128xf32, #tpu.memory_space<vmem_shared>>)
        tpu.yield
      }) : () -> ()
    }
    %scan3A_9 = arith.constant 5 : i32
    %barrier3A = arith.constant 0 : index
    tpu.barrier barrier_id(%barrier3A)
    %eq3A = arith.constant 0 : i32
    %eq3A_10 = arith.cmpi eq, %arg0, %eq3A : i32
    %convert_element_type3A = arith.extui %eq3A_10 : i1 to i32
    %cond3A = arith.constant 0 : i32
    %cond3A_11 = arith.cmpi ne, %convert_element_type3A, %cond3A : i32
    scf.if %cond3A_11 {
      %scan3A_28 = arith.constant 0 : i32
      %scan3A_29 = arith.constant 160 : i32
      %scan3A_30 = arith.addi %scan3A_28, %scan3A_29 : i32
      %scan3A_31 = arith.constant 1 : i32
      scf.for %scan3A_33 = %scan3A_28 to %scan3A_30 step %scan3A_31  : i32 {
        %mul3A_34 = arith.constant 1 : i32
        %mul3A_35 = arith.muli %scan3A_33, %mul3A_34 : i32
        %add3A = arith.constant 0 : i32
        %add3A_36 = arith.addi %add3A, %mul3A_35 : i32
        %mul3A_37 = arith.constant 16 : i32
        %mul3A_38 = arith.muli %add3A_36, %mul3A_37 : i32
        %add3A_39 = arith.addi %mul3A_38, %arg1 : i32
        %mul3A_40 = arith.constant 128 : i32
        %mul3A_41 = arith.muli %add3A_39, %mul3A_40 : i32
        "tpu.region"() ({
          %run_scoped3A = tpu.sem_alloc : memref<!tpu.dma_semaphore, #tpu.memory_space<semaphore_mem>>
          %dma_start3A = tpu.memref_slice %arg4[%mul3A_41] : memref<327680xi32, #tpu.memory_space<hbm>> -> memref<128xi32, #tpu.memory_space<hbm>>
          %dma_start3A_42 = tpu.memref_slice %arg4[%mul3A_41] : memref<327680xi32, #tpu.memory_space<hbm>> -> memref<128xi32, #tpu.memory_space<hbm>>
          tpu.enqueue_dma source(%dma_start3A_42 : memref<128xi32, #tpu.memory_space<hbm>>) target(%arg8 : memref<128xi32, #tpu.memory_space<vmem>>) target_semaphore(%run_scoped3A : memref<!tpu.dma_semaphore, #tpu.memory_space<semaphore_mem>>)
          %dma_wait3A = tpu.memref_slice %arg4[%mul3A_41] : memref<327680xi32, #tpu.memory_space<hbm>> -> memref<128xi32, #tpu.memory_space<hbm>>
          %dma_wait3A_43 = tpu.memref_slice %arg4[%mul3A_41] : memref<327680xi32, #tpu.memory_space<hbm>> -> memref<128xi32, #tpu.memory_space<hbm>>
          tpu.wait_dma2 semaphore(%run_scoped3A : memref<!tpu.dma_semaphore, #tpu.memory_space<semaphore_mem>>) src(%dma_wait3A_43 : memref<128xi32, #tpu.memory_space<hbm>>) dst(%arg8 : memref<128xi32, #tpu.memory_space<vmem>>)
          tpu.yield
        }) : () -> ()
        "tpu.region"() ({
          %run_scoped3A = tpu.sem_alloc : memref<!tpu.dma_semaphore, #tpu.memory_space<semaphore_mem>>
          %dma_start3A = arith.constant 0 : i32
          %dma_start3A_42 = tpu.memref_slice %arg2[%mul3A_41, %dma_start3A] : memref<327680x128xf32, #tpu.memory_space<hbm>> -> memref<128x128xf32, #tpu.memory_space<hbm>>
          %dma_start3A_43 = arith.constant 0 : i32
          %dma_start3A_44 = tpu.memref_slice %arg2[%mul3A_41, %dma_start3A_43] : memref<327680x128xf32, #tpu.memory_space<hbm>> -> memref<128x128xf32, #tpu.memory_space<hbm>>
          tpu.enqueue_dma source(%dma_start3A_44 : memref<128x128xf32, #tpu.memory_space<hbm>>) target(%arg9 : memref<128x128xf32, #tpu.memory_space<vmem>>) target_semaphore(%run_scoped3A : memref<!tpu.dma_semaphore, #tpu.memory_space<semaphore_mem>>)
          %dma_wait3A = arith.constant 0 : i32
          %dma_wait3A_45 = tpu.memref_slice %arg2[%mul3A_41, %dma_wait3A] : memref<327680x128xf32, #tpu.memory_space<hbm>> -> memref<128x128xf32, #tpu.memory_space<hbm>>
          %dma_wait3A_46 = arith.constant 0 : i32
          %dma_wait3A_47 = tpu.memref_slice %arg2[%mul3A_41, %dma_wait3A_46] : memref<327680x128xf32, #tpu.memory_space<hbm>> -> memref<128x128xf32, #tpu.memory_space<hbm>>
          tpu.wait_dma2 semaphore(%run_scoped3A : memref<!tpu.dma_semaphore, #tpu.memory_space<semaphore_mem>>) src(%dma_wait3A_47 : memref<128x128xf32, #tpu.memory_space<hbm>>) dst(%arg9 : memref<128x128xf32, #tpu.memory_space<vmem>>)
          tpu.yield
        }) : () -> ()
        "tpu.region"() ({
          %run_scoped3A = tpu.sem_alloc : memref<!tpu.dma_semaphore, #tpu.memory_space<semaphore_mem>>
          %dma_start3A = arith.constant 0 : i32
          %dma_start3A_42 = arith.constant 0 : i32
          %dma_start3A_43 = tpu.memref_slice %arg11[%dma_start3A, %dma_start3A_42] : memref<10240x128xf32, #tpu.memory_space<vmem_shared>> -> memref<10240x128xf32, #tpu.memory_space<vmem_shared>>
          tpu.enqueue_indirect_dma source(%arg9 : memref<128x128xf32, #tpu.memory_space<vmem>>) target(%dma_start3A_43 : memref<10240x128xf32, #tpu.memory_space<vmem_shared>>) offsets(%arg8 : memref<128xi32, #tpu.memory_space<vmem>>) semaphore(%run_scoped3A : memref<!tpu.dma_semaphore, #tpu.memory_space<semaphore_mem>>) {add = true}
          %dma_wait3A = arith.constant 0 : i32
          %dma_wait3A_44 = arith.constant 0 : i32
          %dma_wait3A_45 = tpu.memref_slice %arg11[%dma_wait3A, %dma_wait3A_44] : memref<10240x128xf32, #tpu.memory_space<vmem_shared>> -> memref<10240x128xf32, #tpu.memory_space<vmem_shared>>
          tpu.wait_indirect_dma semaphore(%run_scoped3A : memref<!tpu.dma_semaphore, #tpu.memory_space<semaphore_mem>>) src(%arg9 : memref<128x128xf32, #tpu.memory_space<vmem>>) dst(%dma_wait3A_45 : memref<10240x128xf32, #tpu.memory_space<vmem_shared>>)
          tpu.yield
        }) : () -> ()
      }
      %scan3A_32 = arith.constant 160 : i32
    } else {
    }
    %eq3A_12 = arith.constant 1 : i32
    %eq3A_13 = arith.cmpi eq, %arg0, %eq3A_12 : i32
    %convert_element_type3A_14 = arith.extui %eq3A_13 : i1 to i32
    %cond3A_15 = arith.constant 0 : i32
    %cond3A_16 = arith.cmpi ne, %convert_element_type3A_14, %cond3A_15 : i32
    scf.if %cond3A_16 {
      %scan3A_28 = arith.constant 0 : i32
      %scan3A_29 = arith.constant 160 : i32
      %scan3A_30 = arith.addi %scan3A_28, %scan3A_29 : i32
      %scan3A_31 = arith.constant 1 : i32
      scf.for %scan3A_33 = %scan3A_28 to %scan3A_30 step %scan3A_31  : i32 {
        %mul3A_34 = arith.constant 1 : i32
        %mul3A_35 = arith.muli %scan3A_33, %mul3A_34 : i32
        %add3A = arith.constant 0 : i32
        %add3A_36 = arith.addi %add3A, %mul3A_35 : i32
        %mul3A_37 = arith.constant 16 : i32
        %mul3A_38 = arith.muli %add3A_36, %mul3A_37 : i32
        %add3A_39 = arith.addi %mul3A_38, %arg1 : i32
        %mul3A_40 = arith.constant 128 : i32
        %mul3A_41 = arith.muli %add3A_39, %mul3A_40 : i32
        "tpu.region"() ({
          %run_scoped3A = tpu.sem_alloc : memref<!tpu.dma_semaphore, #tpu.memory_space<semaphore_mem>>
          %dma_start3A = tpu.memref_slice %arg5[%mul3A_41] : memref<327680xi32, #tpu.memory_space<hbm>> -> memref<128xi32, #tpu.memory_space<hbm>>
          %dma_start3A_42 = tpu.memref_slice %arg5[%mul3A_41] : memref<327680xi32, #tpu.memory_space<hbm>> -> memref<128xi32, #tpu.memory_space<hbm>>
          tpu.enqueue_dma source(%dma_start3A_42 : memref<128xi32, #tpu.memory_space<hbm>>) target(%arg8 : memref<128xi32, #tpu.memory_space<vmem>>) target_semaphore(%run_scoped3A : memref<!tpu.dma_semaphore, #tpu.memory_space<semaphore_mem>>)
          %dma_wait3A = tpu.memref_slice %arg5[%mul3A_41] : memref<327680xi32, #tpu.memory_space<hbm>> -> memref<128xi32, #tpu.memory_space<hbm>>
          %dma_wait3A_43 = tpu.memref_slice %arg5[%mul3A_41] : memref<327680xi32, #tpu.memory_space<hbm>> -> memref<128xi32, #tpu.memory_space<hbm>>
          tpu.wait_dma2 semaphore(%run_scoped3A : memref<!tpu.dma_semaphore, #tpu.memory_space<semaphore_mem>>) src(%dma_wait3A_43 : memref<128xi32, #tpu.memory_space<hbm>>) dst(%arg8 : memref<128xi32, #tpu.memory_space<vmem>>)
          tpu.yield
        }) : () -> ()
        "tpu.region"() ({
          %run_scoped3A = tpu.sem_alloc : memref<!tpu.dma_semaphore, #tpu.memory_space<semaphore_mem>>
          %dma_start3A = arith.constant 0 : i32
          %dma_start3A_42 = tpu.memref_slice %arg3[%mul3A_41, %dma_start3A] : memref<327680x128xf32, #tpu.memory_space<hbm>> -> memref<128x128xf32, #tpu.memory_space<hbm>>
          %dma_start3A_43 = arith.constant 0 : i32
          %dma_start3A_44 = tpu.memref_slice %arg3[%mul3A_41, %dma_start3A_43] : memref<327680x128xf32, #tpu.memory_space<hbm>> -> memref<128x128xf32, #tpu.memory_space<hbm>>
          tpu.enqueue_dma source(%dma_start3A_44 : memref<128x128xf32, #tpu.memory_space<hbm>>) target(%arg9 : memref<128x128xf32, #tpu.memory_space<vmem>>) target_semaphore(%run_scoped3A : memref<!tpu.dma_semaphore, #tpu.memory_space<semaphore_mem>>)
          %dma_wait3A = arith.constant 0 : i32
          %dma_wait3A_45 = tpu.memref_slice %arg3[%mul3A_41, %dma_wait3A] : memref<327680x128xf32, #tpu.memory_space<hbm>> -> memref<128x128xf32, #tpu.memory_space<hbm>>
          %dma_wait3A_46 = arith.constant 0 : i32
          %dma_wait3A_47 = tpu.memref_slice %arg3[%mul3A_41, %dma_wait3A_46] : memref<327680x128xf32, #tpu.memory_space<hbm>> -> memref<128x128xf32, #tpu.memory_space<hbm>>
          tpu.wait_dma2 semaphore(%run_scoped3A : memref<!tpu.dma_semaphore, #tpu.memory_space<semaphore_mem>>) src(%dma_wait3A_47 : memref<128x128xf32, #tpu.memory_space<hbm>>) dst(%arg9 : memref<128x128xf32, #tpu.memory_space<vmem>>)
          tpu.yield
        }) : () -> ()
        "tpu.region"() ({
          %run_scoped3A = tpu.sem_alloc : memref<!tpu.dma_semaphore, #tpu.memory_space<semaphore_mem>>
          %dma_start3A = arith.constant 0 : i32
          %dma_start3A_42 = arith.constant 0 : i32
          %dma_start3A_43 = tpu.memref_slice %arg11[%dma_start3A, %dma_start3A_42] : memref<10240x128xf32, #tpu.memory_space<vmem_shared>> -> memref<10240x128xf32, #tpu.memory_space<vmem_shared>>
          tpu.enqueue_indirect_dma source(%arg9 : memref<128x128xf32, #tpu.memory_space<vmem>>) target(%dma_start3A_43 : memref<10240x128xf32, #tpu.memory_space<vmem_shared>>) offsets(%arg8 : memref<128xi32, #tpu.memory_space<vmem>>) semaphore(%run_scoped3A : memref<!tpu.dma_semaphore, #tpu.memory_space<semaphore_mem>>) {add = true}
          %dma_wait3A = arith.constant 0 : i32
          %dma_wait3A_44 = arith.constant 0 : i32
          %dma_wait3A_45 = tpu.memref_slice %arg11[%dma_wait3A, %dma_wait3A_44] : memref<10240x128xf32, #tpu.memory_space<vmem_shared>> -> memref<10240x128xf32, #tpu.memory_space<vmem_shared>>
          tpu.wait_indirect_dma semaphore(%run_scoped3A : memref<!tpu.dma_semaphore, #tpu.memory_space<semaphore_mem>>) src(%arg9 : memref<128x128xf32, #tpu.memory_space<vmem>>) dst(%dma_wait3A_45 : memref<10240x128xf32, #tpu.memory_space<vmem_shared>>)
          tpu.yield
        }) : () -> ()
      }
      %scan3A_32 = arith.constant 160 : i32
    } else {
    }
    %barrier3A_17 = arith.constant 0 : index
    tpu.barrier barrier_id(%barrier3A_17)
    %eq3A_18 = arith.constant 0 : i32
    %eq3A_19 = arith.cmpi eq, %arg0, %eq3A_18 : i32
    %convert_element_type3A_20 = arith.extui %eq3A_19 : i1 to i32
    %cond3A_21 = arith.constant 0 : i32
    %cond3A_22 = arith.cmpi ne, %convert_element_type3A_20, %cond3A_21 : i32
    scf.if %cond3A_22 {
      "tpu.region"() ({
        %run_scoped3A = tpu.sem_alloc : memref<!tpu.dma_semaphore, #tpu.memory_space<semaphore_mem>>
        %dma_start3A = arith.constant 0 : i32
        %dma_start3A_28 = tpu.memref_slice %arg6[%mul3A_4, %dma_start3A] : memref<10240x128xf32, #tpu.memory_space<hbm>> -> memref<640x128xf32, #tpu.memory_space<hbm>>
        %dma_start3A_29 = arith.constant 0 : i32
        %dma_start3A_30 = tpu.memref_slice %arg11[%mul3A_4, %dma_start3A_29] : memref<10240x128xf32, #tpu.memory_space<vmem_shared>> -> memref<640x128xf32, #tpu.memory_space<vmem_shared>>
        tpu.enqueue_dma source(%dma_start3A_30 : memref<640x128xf32, #tpu.memory_space<vmem_shared>>) target(%dma_start3A_28 : memref<640x128xf32, #tpu.memory_space<hbm>>) target_semaphore(%run_scoped3A : memref<!tpu.dma_semaphore, #tpu.memory_space<semaphore_mem>>)
        %dma_wait3A = arith.constant 0 : i32
        %dma_wait3A_31 = tpu.memref_slice %arg6[%mul3A_4, %dma_wait3A] : memref<10240x128xf32, #tpu.memory_space<hbm>> -> memref<640x128xf32, #tpu.memory_space<hbm>>
        %dma_wait3A_32 = arith.constant 0 : i32
        %dma_wait3A_33 = tpu.memref_slice %arg11[%mul3A_4, %dma_wait3A_32] : memref<10240x128xf32, #tpu.memory_space<vmem_shared>> -> memref<640x128xf32, #tpu.memory_space<vmem_shared>>
        tpu.wait_dma2 semaphore(%run_scoped3A : memref<!tpu.dma_semaphore, #tpu.memory_space<semaphore_mem>>) src(%dma_wait3A_33 : memref<640x128xf32, #tpu.memory_space<vmem_shared>>) dst(%dma_wait3A_31 : memref<640x128xf32, #tpu.memory_space<hbm>>)
        tpu.yield
      }) : () -> ()
    } else {
    }
    %eq3A_23 = arith.constant 1 : i32
    %eq3A_24 = arith.cmpi eq, %arg0, %eq3A_23 : i32
    %convert_element_type3A_25 = arith.extui %eq3A_24 : i1 to i32
    %cond3A_26 = arith.constant 0 : i32
    %cond3A_27 = arith.cmpi ne, %convert_element_type3A_25, %cond3A_26 : i32
    scf.if %cond3A_27 {
      "tpu.region"() ({
        %run_scoped3A = tpu.sem_alloc : memref<!tpu.dma_semaphore, #tpu.memory_space<semaphore_mem>>
        %dma_start3A = arith.constant 0 : i32
        %dma_start3A_28 = tpu.memref_slice %arg7[%mul3A_4, %dma_start3A] : memref<10240x128xf32, #tpu.memory_space<hbm>> -> memref<640x128xf32, #tpu.memory_space<hbm>>
        %dma_start3A_29 = arith.constant 0 : i32
        %dma_start3A_30 = tpu.memref_slice %arg11[%mul3A_4, %dma_start3A_29] : memref<10240x128xf32, #tpu.memory_space<vmem_shared>> -> memref<640x128xf32, #tpu.memory_space<vmem_shared>>
        tpu.enqueue_dma source(%dma_start3A_30 : memref<640x128xf32, #tpu.memory_space<vmem_shared>>) target(%dma_start3A_28 : memref<640x128xf32, #tpu.memory_space<hbm>>) target_semaphore(%run_scoped3A : memref<!tpu.dma_semaphore, #tpu.memory_space<semaphore_mem>>)
        %dma_wait3A = arith.constant 0 : i32
        %dma_wait3A_31 = tpu.memref_slice %arg7[%mul3A_4, %dma_wait3A] : memref<10240x128xf32, #tpu.memory_space<hbm>> -> memref<640x128xf32, #tpu.memory_space<hbm>>
        %dma_wait3A_32 = arith.constant 0 : i32
        %dma_wait3A_33 = tpu.memref_slice %arg11[%mul3A_4, %dma_wait3A_32] : memref<10240x128xf32, #tpu.memory_space<vmem_shared>> -> memref<640x128xf32, #tpu.memory_space<vmem_shared>>
        tpu.wait_dma2 semaphore(%run_scoped3A : memref<!tpu.dma_semaphore, #tpu.memory_space<semaphore_mem>>) src(%dma_wait3A_33 : memref<640x128xf32, #tpu.memory_space<vmem_shared>>) dst(%dma_wait3A_31 : memref<640x128xf32, #tpu.memory_space<hbm>>)
        tpu.yield
      }) : () -> ()
    } else {
    }
    return
  }
}

#map = affine_map<(d0, d1) -> (0, 0)>
#map1 = affine_map<(d0, d1) -> (0)>
module attributes {stable_mosaic.version = 14 : i64} {
  func.func @body(%arg0: i32, %arg1: i32, %arg2: memref<10000x128xf32, #tpu.memory_space<hbm>>, %arg3: memref<327680xi32, #tpu.memory_space<hbm>>, %arg4: memref<327680xi32, #tpu.memory_space<hbm>>, %arg5: memref<327680x128xf32, #tpu.memory_space<hbm>>, %arg6: memref<327680x128xf32, #tpu.memory_space<hbm>>, %arg7: memref<128xi32, #tpu.memory_space<vmem>>, %arg8: memref<128x128xf32, #tpu.memory_space<vmem>>, %arg9: memref<!tpu.dma_semaphore, #tpu.memory_space<semaphore_mem>>) attributes {dimension_semantics = [#tpu.dimension_semantics<core_parallel>, #tpu.dimension_semantics<subcore_parallel>], iteration_bounds = array<i64: 2, 16>, scalar_prefetch = 0 : i64, scratch_operands = 3 : i64, tpu.core_type = #tpu.core_type<sc_vector_subcore>, window_params = [{transform_indices = #map}, {transform_indices = #map1}, {transform_indices = #map1}, {transform_indices = #map}, {transform_indices = #map}]} {
    %eq3A = arith.constant 0 : i32
    %eq3A_0 = arith.cmpi eq, %arg0, %eq3A : i32
    %convert_element_type3A = arith.extui %eq3A_0 : i1 to i32
    %cond3A = arith.constant 0 : i32
    %cond3A_1 = arith.cmpi ne, %convert_element_type3A, %cond3A : i32
    scf.if %cond3A_1 {
      %scan3A = arith.constant 0 : i32
      %scan3A_7 = arith.constant 160 : i32
      %scan3A_8 = arith.addi %scan3A, %scan3A_7 : i32
      %scan3A_9 = arith.constant 1 : i32
      scf.for %scan3A_11 = %scan3A to %scan3A_8 step %scan3A_9  : i32 {
        %mul3A = arith.constant 1 : i32
        %mul3A_12 = arith.muli %scan3A_11, %mul3A : i32
        %add3A = arith.constant 0 : i32
        %add3A_13 = arith.addi %add3A, %mul3A_12 : i32
        %mul3A_14 = arith.constant 16 : i32
        %mul3A_15 = arith.muli %add3A_13, %mul3A_14 : i32
        %add3A_16 = arith.addi %mul3A_15, %arg1 : i32
        %mul3A_17 = arith.constant 128 : i32
        %mul3A_18 = arith.muli %add3A_16, %mul3A_17 : i32
        "tpu.region"() ({
          %run_scoped3A = tpu.sem_alloc : memref<!tpu.dma_semaphore, #tpu.memory_space<semaphore_mem>>
          %dma_start3A_23 = tpu.memref_slice %arg3[%mul3A_18] : memref<327680xi32, #tpu.memory_space<hbm>> -> memref<128xi32, #tpu.memory_space<hbm>>
          %dma_start3A_24 = tpu.memref_slice %arg3[%mul3A_18] : memref<327680xi32, #tpu.memory_space<hbm>> -> memref<128xi32, #tpu.memory_space<hbm>>
          tpu.enqueue_dma source(%dma_start3A_24 : memref<128xi32, #tpu.memory_space<hbm>>) target(%arg7 : memref<128xi32, #tpu.memory_space<vmem>>) target_semaphore(%run_scoped3A : memref<!tpu.dma_semaphore, #tpu.memory_space<semaphore_mem>>)
          %dma_wait3A_25 = tpu.memref_slice %arg3[%mul3A_18] : memref<327680xi32, #tpu.memory_space<hbm>> -> memref<128xi32, #tpu.memory_space<hbm>>
          %dma_wait3A_26 = tpu.memref_slice %arg3[%mul3A_18] : memref<327680xi32, #tpu.memory_space<hbm>> -> memref<128xi32, #tpu.memory_space<hbm>>
          tpu.wait_dma2 semaphore(%run_scoped3A : memref<!tpu.dma_semaphore, #tpu.memory_space<semaphore_mem>>) src(%dma_wait3A_26 : memref<128xi32, #tpu.memory_space<hbm>>) dst(%arg7 : memref<128xi32, #tpu.memory_space<vmem>>)
          tpu.yield
        }) : () -> ()
        %dma_start3A = arith.constant 0 : i32
        %dma_start3A_19 = arith.constant 0 : i32
        %dma_start3A_20 = tpu.memref_slice %arg2[%dma_start3A, %dma_start3A_19] : memref<10000x128xf32, #tpu.memory_space<hbm>> -> memref<10000x128xf32, #tpu.memory_space<hbm>>
        tpu.enqueue_indirect_dma source(%dma_start3A_20 : memref<10000x128xf32, #tpu.memory_space<hbm>>) target(%arg8 : memref<128x128xf32, #tpu.memory_space<vmem>>) offsets(%arg7 : memref<128xi32, #tpu.memory_space<vmem>>) semaphore(%arg9 : memref<!tpu.dma_semaphore, #tpu.memory_space<semaphore_mem>>)
        %dma_wait3A = arith.constant 0 : i32
        %dma_wait3A_21 = arith.constant 0 : i32
        %dma_wait3A_22 = tpu.memref_slice %arg2[%dma_wait3A, %dma_wait3A_21] : memref<10000x128xf32, #tpu.memory_space<hbm>> -> memref<10000x128xf32, #tpu.memory_space<hbm>>
        tpu.wait_indirect_dma semaphore(%arg9 : memref<!tpu.dma_semaphore, #tpu.memory_space<semaphore_mem>>) src(%dma_wait3A_22 : memref<10000x128xf32, #tpu.memory_space<hbm>>) dst(%arg8 : memref<128x128xf32, #tpu.memory_space<vmem>>)
        "tpu.region"() ({
          %run_scoped3A = tpu.sem_alloc : memref<!tpu.dma_semaphore, #tpu.memory_space<semaphore_mem>>
          %dma_start3A_23 = arith.constant 0 : i32
          %dma_start3A_24 = tpu.memref_slice %arg5[%mul3A_18, %dma_start3A_23] : memref<327680x128xf32, #tpu.memory_space<hbm>> -> memref<128x128xf32, #tpu.memory_space<hbm>>
          %dma_start3A_25 = arith.constant 0 : i32
          %dma_start3A_26 = tpu.memref_slice %arg5[%mul3A_18, %dma_start3A_25] : memref<327680x128xf32, #tpu.memory_space<hbm>> -> memref<128x128xf32, #tpu.memory_space<hbm>>
          tpu.enqueue_dma source(%arg8 : memref<128x128xf32, #tpu.memory_space<vmem>>) target(%dma_start3A_26 : memref<128x128xf32, #tpu.memory_space<hbm>>) target_semaphore(%run_scoped3A : memref<!tpu.dma_semaphore, #tpu.memory_space<semaphore_mem>>)
          %dma_wait3A_27 = arith.constant 0 : i32
          %dma_wait3A_28 = tpu.memref_slice %arg5[%mul3A_18, %dma_wait3A_27] : memref<327680x128xf32, #tpu.memory_space<hbm>> -> memref<128x128xf32, #tpu.memory_space<hbm>>
          %dma_wait3A_29 = arith.constant 0 : i32
          %dma_wait3A_30 = tpu.memref_slice %arg5[%mul3A_18, %dma_wait3A_29] : memref<327680x128xf32, #tpu.memory_space<hbm>> -> memref<128x128xf32, #tpu.memory_space<hbm>>
          tpu.wait_dma2 semaphore(%run_scoped3A : memref<!tpu.dma_semaphore, #tpu.memory_space<semaphore_mem>>) src(%arg8 : memref<128x128xf32, #tpu.memory_space<vmem>>) dst(%dma_wait3A_30 : memref<128x128xf32, #tpu.memory_space<hbm>>)
          tpu.yield
        }) : () -> ()
      }
      %scan3A_10 = arith.constant 160 : i32
    } else {
    }
    %eq3A_2 = arith.constant 1 : i32
    %eq3A_3 = arith.cmpi eq, %arg0, %eq3A_2 : i32
    %convert_element_type3A_4 = arith.extui %eq3A_3 : i1 to i32
    %cond3A_5 = arith.constant 0 : i32
    %cond3A_6 = arith.cmpi ne, %convert_element_type3A_4, %cond3A_5 : i32
    scf.if %cond3A_6 {
      %scan3A = arith.constant 0 : i32
      %scan3A_7 = arith.constant 160 : i32
      %scan3A_8 = arith.addi %scan3A, %scan3A_7 : i32
      %scan3A_9 = arith.constant 1 : i32
      scf.for %scan3A_11 = %scan3A to %scan3A_8 step %scan3A_9  : i32 {
        %mul3A = arith.constant 1 : i32
        %mul3A_12 = arith.muli %scan3A_11, %mul3A : i32
        %add3A = arith.constant 0 : i32
        %add3A_13 = arith.addi %add3A, %mul3A_12 : i32
        %mul3A_14 = arith.constant 16 : i32
        %mul3A_15 = arith.muli %add3A_13, %mul3A_14 : i32
        %add3A_16 = arith.addi %mul3A_15, %arg1 : i32
        %mul3A_17 = arith.constant 128 : i32
        %mul3A_18 = arith.muli %add3A_16, %mul3A_17 : i32
        "tpu.region"() ({
          %run_scoped3A = tpu.sem_alloc : memref<!tpu.dma_semaphore, #tpu.memory_space<semaphore_mem>>
          %dma_start3A_23 = tpu.memref_slice %arg4[%mul3A_18] : memref<327680xi32, #tpu.memory_space<hbm>> -> memref<128xi32, #tpu.memory_space<hbm>>
          %dma_start3A_24 = tpu.memref_slice %arg4[%mul3A_18] : memref<327680xi32, #tpu.memory_space<hbm>> -> memref<128xi32, #tpu.memory_space<hbm>>
          tpu.enqueue_dma source(%dma_start3A_24 : memref<128xi32, #tpu.memory_space<hbm>>) target(%arg7 : memref<128xi32, #tpu.memory_space<vmem>>) target_semaphore(%run_scoped3A : memref<!tpu.dma_semaphore, #tpu.memory_space<semaphore_mem>>)
          %dma_wait3A_25 = tpu.memref_slice %arg4[%mul3A_18] : memref<327680xi32, #tpu.memory_space<hbm>> -> memref<128xi32, #tpu.memory_space<hbm>>
          %dma_wait3A_26 = tpu.memref_slice %arg4[%mul3A_18] : memref<327680xi32, #tpu.memory_space<hbm>> -> memref<128xi32, #tpu.memory_space<hbm>>
          tpu.wait_dma2 semaphore(%run_scoped3A : memref<!tpu.dma_semaphore, #tpu.memory_space<semaphore_mem>>) src(%dma_wait3A_26 : memref<128xi32, #tpu.memory_space<hbm>>) dst(%arg7 : memref<128xi32, #tpu.memory_space<vmem>>)
          tpu.yield
        }) : () -> ()
        %dma_start3A = arith.constant 0 : i32
        %dma_start3A_19 = arith.constant 0 : i32
        %dma_start3A_20 = tpu.memref_slice %arg2[%dma_start3A, %dma_start3A_19] : memref<10000x128xf32, #tpu.memory_space<hbm>> -> memref<10000x128xf32, #tpu.memory_space<hbm>>
        tpu.enqueue_indirect_dma source(%dma_start3A_20 : memref<10000x128xf32, #tpu.memory_space<hbm>>) target(%arg8 : memref<128x128xf32, #tpu.memory_space<vmem>>) offsets(%arg7 : memref<128xi32, #tpu.memory_space<vmem>>) semaphore(%arg9 : memref<!tpu.dma_semaphore, #tpu.memory_space<semaphore_mem>>)
        %dma_wait3A = arith.constant 0 : i32
        %dma_wait3A_21 = arith.constant 0 : i32
        %dma_wait3A_22 = tpu.memref_slice %arg2[%dma_wait3A, %dma_wait3A_21] : memref<10000x128xf32, #tpu.memory_space<hbm>> -> memref<10000x128xf32, #tpu.memory_space<hbm>>
        tpu.wait_indirect_dma semaphore(%arg9 : memref<!tpu.dma_semaphore, #tpu.memory_space<semaphore_mem>>) src(%dma_wait3A_22 : memref<10000x128xf32, #tpu.memory_space<hbm>>) dst(%arg8 : memref<128x128xf32, #tpu.memory_space<vmem>>)
        "tpu.region"() ({
          %run_scoped3A = tpu.sem_alloc : memref<!tpu.dma_semaphore, #tpu.memory_space<semaphore_mem>>
          %dma_start3A_23 = arith.constant 0 : i32
          %dma_start3A_24 = tpu.memref_slice %arg6[%mul3A_18, %dma_start3A_23] : memref<327680x128xf32, #tpu.memory_space<hbm>> -> memref<128x128xf32, #tpu.memory_space<hbm>>
          %dma_start3A_25 = arith.constant 0 : i32
          %dma_start3A_26 = tpu.memref_slice %arg6[%mul3A_18, %dma_start3A_25] : memref<327680x128xf32, #tpu.memory_space<hbm>> -> memref<128x128xf32, #tpu.memory_space<hbm>>
          tpu.enqueue_dma source(%arg8 : memref<128x128xf32, #tpu.memory_space<vmem>>) target(%dma_start3A_26 : memref<128x128xf32, #tpu.memory_space<hbm>>) target_semaphore(%run_scoped3A : memref<!tpu.dma_semaphore, #tpu.memory_space<semaphore_mem>>)
          %dma_wait3A_27 = arith.constant 0 : i32
          %dma_wait3A_28 = tpu.memref_slice %arg6[%mul3A_18, %dma_wait3A_27] : memref<327680x128xf32, #tpu.memory_space<hbm>> -> memref<128x128xf32, #tpu.memory_space<hbm>>
          %dma_wait3A_29 = arith.constant 0 : i32
          %dma_wait3A_30 = tpu.memref_slice %arg6[%mul3A_18, %dma_wait3A_29] : memref<327680x128xf32, #tpu.memory_space<hbm>> -> memref<128x128xf32, #tpu.memory_space<hbm>>
          tpu.wait_dma2 semaphore(%run_scoped3A : memref<!tpu.dma_semaphore, #tpu.memory_space<semaphore_mem>>) src(%arg8 : memref<128x128xf32, #tpu.memory_space<vmem>>) dst(%dma_wait3A_30 : memref<128x128xf32, #tpu.memory_space<hbm>>)
          tpu.yield
        }) : () -> ()
      }
      %scan3A_10 = arith.constant 160 : i32
    } else {
    }
    return
  }
}

#map = affine_map<(d0, d1) -> (0, 0)>
#map1 = affine_map<(d0, d1) -> (0)>
module attributes {stable_mosaic.version = 14 : i64} {
  func.func @body(%arg0: i32, %arg1: i32, %arg2: memref<10000x128xf32, #tpu.memory_space<hbm>>, %arg3: memref<327680xi32, #tpu.memory_space<hbm>>, %arg4: memref<327680xi32, #tpu.memory_space<hbm>>, %arg5: memref<327680x128xf32, #tpu.memory_space<hbm>>, %arg6: memref<327680x128xf32, #tpu.memory_space<hbm>>, %arg7: memref<128xi32, #tpu.memory_space<vmem>>, %arg8: memref<128x128xf32, #tpu.memory_space<vmem>>, %arg9: memref<!tpu.dma_semaphore, #tpu.memory_space<semaphore_mem>>) attributes {dimension_semantics = [#tpu.dimension_semantics<core_parallel>, #tpu.dimension_semantics<subcore_parallel>], iteration_bounds = array<i64: 2, 16>, scalar_prefetch = 0 : i64, scratch_operands = 3 : i64, tpu.core_type = #tpu.core_type<sc_vector_subcore>, window_params = [{transform_indices = #map}, {transform_indices = #map1}, {transform_indices = #map1}, {transform_indices = #map}, {transform_indices = #map}]} {
    %eq3A = arith.constant 0 : i32
    %eq3A_0 = arith.cmpi eq, %arg0, %eq3A : i32
    %convert_element_type3A = arith.extui %eq3A_0 : i1 to i32
    %cond3A = arith.constant 0 : i32
    %cond3A_1 = arith.cmpi ne, %convert_element_type3A, %cond3A : i32
    scf.if %cond3A_1 {
      %scan3A = arith.constant 0 : i32
      %scan3A_7 = arith.constant 160 : i32
      %scan3A_8 = arith.addi %scan3A, %scan3A_7 : i32
      %scan3A_9 = arith.constant 1 : i32
      scf.for %scan3A_11 = %scan3A to %scan3A_8 step %scan3A_9  : i32 {
        %mul3A = arith.constant 1 : i32
        %mul3A_12 = arith.muli %scan3A_11, %mul3A : i32
        %add3A = arith.constant 0 : i32
        %add3A_13 = arith.addi %add3A, %mul3A_12 : i32
        %mul3A_14 = arith.constant 16 : i32
        %mul3A_15 = arith.muli %add3A_13, %mul3A_14 : i32
        %add3A_16 = arith.addi %mul3A_15, %arg1 : i32
        %mul3A_17 = arith.constant 128 : i32
        %mul3A_18 = arith.muli %add3A_16, %mul3A_17 : i32
        "tpu.region"() ({
          %run_scoped3A = tpu.sem_alloc : memref<!tpu.dma_semaphore, #tpu.memory_space<semaphore_mem>>
          %dma_start3A_23 = tpu.memref_slice %arg3[%mul3A_18] : memref<327680xi32, #tpu.memory_space<hbm>> -> memref<128xi32, #tpu.memory_space<hbm>>
          %dma_start3A_24 = tpu.memref_slice %arg3[%mul3A_18] : memref<327680xi32, #tpu.memory_space<hbm>> -> memref<128xi32, #tpu.memory_space<hbm>>
          tpu.enqueue_dma source(%dma_start3A_24 : memref<128xi32, #tpu.memory_space<hbm>>) target(%arg7 : memref<128xi32, #tpu.memory_space<vmem>>) target_semaphore(%run_scoped3A : memref<!tpu.dma_semaphore, #tpu.memory_space<semaphore_mem>>)
          %dma_wait3A_25 = tpu.memref_slice %arg3[%mul3A_18] : memref<327680xi32, #tpu.memory_space<hbm>> -> memref<128xi32, #tpu.memory_space<hbm>>
          %dma_wait3A_26 = tpu.memref_slice %arg3[%mul3A_18] : memref<327680xi32, #tpu.memory_space<hbm>> -> memref<128xi32, #tpu.memory_space<hbm>>
          tpu.wait_dma2 semaphore(%run_scoped3A : memref<!tpu.dma_semaphore, #tpu.memory_space<semaphore_mem>>) src(%dma_wait3A_26 : memref<128xi32, #tpu.memory_space<hbm>>) dst(%arg7 : memref<128xi32, #tpu.memory_space<vmem>>)
          tpu.yield
        }) : () -> ()
        %dma_start3A = arith.constant 0 : i32
        %dma_start3A_19 = arith.constant 0 : i32
        %dma_start3A_20 = tpu.memref_slice %arg2[%dma_start3A, %dma_start3A_19] : memref<10000x128xf32, #tpu.memory_space<hbm>> -> memref<10000x128xf32, #tpu.memory_space<hbm>>
        tpu.enqueue_indirect_dma source(%dma_start3A_20 : memref<10000x128xf32, #tpu.memory_space<hbm>>) target(%arg8 : memref<128x128xf32, #tpu.memory_space<vmem>>) offsets(%arg7 : memref<128xi32, #tpu.memory_space<vmem>>) semaphore(%arg9 : memref<!tpu.dma_semaphore, #tpu.memory_space<semaphore_mem>>)
        %dma_wait3A = arith.constant 0 : i32
        %dma_wait3A_21 = arith.constant 0 : i32
        %dma_wait3A_22 = tpu.memref_slice %arg2[%dma_wait3A, %dma_wait3A_21] : memref<10000x128xf32, #tpu.memory_space<hbm>> -> memref<10000x128xf32, #tpu.memory_space<hbm>>
        tpu.wait_indirect_dma semaphore(%arg9 : memref<!tpu.dma_semaphore, #tpu.memory_space<semaphore_mem>>) src(%dma_wait3A_22 : memref<10000x128xf32, #tpu.memory_space<hbm>>) dst(%arg8 : memref<128x128xf32, #tpu.memory_space<vmem>>)
        "tpu.region"() ({
          %run_scoped3A = tpu.sem_alloc : memref<!tpu.dma_semaphore, #tpu.memory_space<semaphore_mem>>
          %dma_start3A_23 = arith.constant 0 : i32
          %dma_start3A_24 = tpu.memref_slice %arg5[%mul3A_18, %dma_start3A_23] : memref<327680x128xf32, #tpu.memory_space<hbm>> -> memref<128x128xf32, #tpu.memory_space<hbm>>
          %dma_start3A_25 = arith.constant 0 : i32
          %dma_start3A_26 = tpu.memref_slice %arg5[%mul3A_18, %dma_start3A_25] : memref<327680x128xf32, #tpu.memory_space<hbm>> -> memref<128x128xf32, #tpu.memory_space<hbm>>
          tpu.enqueue_dma source(%arg8 : memref<128x128xf32, #tpu.memory_space<vmem>>) target(%dma_start3A_26 : memref<128x128xf32, #tpu.memory_space<hbm>>) target_semaphore(%run_scoped3A : memref<!tpu.dma_semaphore, #tpu.memory_space<semaphore_mem>>)
          %dma_wait3A_27 = arith.constant 0 : i32
          %dma_wait3A_28 = tpu.memref_slice %arg5[%mul3A_18, %dma_wait3A_27] : memref<327680x128xf32, #tpu.memory_space<hbm>> -> memref<128x128xf32, #tpu.memory_space<hbm>>
          %dma_wait3A_29 = arith.constant 0 : i32
          %dma_wait3A_30 = tpu.memref_slice %arg5[%mul3A_18, %dma_wait3A_29] : memref<327680x128xf32, #tpu.memory_space<hbm>> -> memref<128x128xf32, #tpu.memory_space<hbm>>
          tpu.wait_dma2 semaphore(%run_scoped3A : memref<!tpu.dma_semaphore, #tpu.memory_space<semaphore_mem>>) src(%arg8 : memref<128x128xf32, #tpu.memory_space<vmem>>) dst(%dma_wait3A_30 : memref<128x128xf32, #tpu.memory_space<hbm>>)
          tpu.yield
        }) : () -> ()
      }
      %scan3A_10 = arith.constant 160 : i32
    } else {
    }
    %eq3A_2 = arith.constant 1 : i32
    %eq3A_3 = arith.cmpi eq, %arg0, %eq3A_2 : i32
    %convert_element_type3A_4 = arith.extui %eq3A_3 : i1 to i32
    %cond3A_5 = arith.constant 0 : i32
    %cond3A_6 = arith.cmpi ne, %convert_element_type3A_4, %cond3A_5 : i32
    scf.if %cond3A_6 {
      %scan3A = arith.constant 0 : i32
      %scan3A_7 = arith.constant 160 : i32
      %scan3A_8 = arith.addi %scan3A, %scan3A_7 : i32
      %scan3A_9 = arith.constant 1 : i32
      scf.for %scan3A_11 = %scan3A to %scan3A_8 step %scan3A_9  : i32 {
        %mul3A = arith.constant 1 : i32
        %mul3A_12 = arith.muli %scan3A_11, %mul3A : i32
        %add3A = arith.constant 0 : i32
        %add3A_13 = arith.addi %add3A, %mul3A_12 : i32
        %mul3A_14 = arith.constant 16 : i32
        %mul3A_15 = arith.muli %add3A_13, %mul3A_14 : i32
        %add3A_16 = arith.addi %mul3A_15, %arg1 : i32
        %mul3A_17 = arith.constant 128 : i32
        %mul3A_18 = arith.muli %add3A_16, %mul3A_17 : i32
        "tpu.region"() ({
          %run_scoped3A = tpu.sem_alloc : memref<!tpu.dma_semaphore, #tpu.memory_space<semaphore_mem>>
          %dma_start3A_23 = tpu.memref_slice %arg4[%mul3A_18] : memref<327680xi32, #tpu.memory_space<hbm>> -> memref<128xi32, #tpu.memory_space<hbm>>
          %dma_start3A_24 = tpu.memref_slice %arg4[%mul3A_18] : memref<327680xi32, #tpu.memory_space<hbm>> -> memref<128xi32, #tpu.memory_space<hbm>>
          tpu.enqueue_dma source(%dma_start3A_24 : memref<128xi32, #tpu.memory_space<hbm>>) target(%arg7 : memref<128xi32, #tpu.memory_space<vmem>>) target_semaphore(%run_scoped3A : memref<!tpu.dma_semaphore, #tpu.memory_space<semaphore_mem>>)
          %dma_wait3A_25 = tpu.memref_slice %arg4[%mul3A_18] : memref<327680xi32, #tpu.memory_space<hbm>> -> memref<128xi32, #tpu.memory_space<hbm>>
          %dma_wait3A_26 = tpu.memref_slice %arg4[%mul3A_18] : memref<327680xi32, #tpu.memory_space<hbm>> -> memref<128xi32, #tpu.memory_space<hbm>>
          tpu.wait_dma2 semaphore(%run_scoped3A : memref<!tpu.dma_semaphore, #tpu.memory_space<semaphore_mem>>) src(%dma_wait3A_26 : memref<128xi32, #tpu.memory_space<hbm>>) dst(%arg7 : memref<128xi32, #tpu.memory_space<vmem>>)
          tpu.yield
        }) : () -> ()
        %dma_start3A = arith.constant 0 : i32
        %dma_start3A_19 = arith.constant 0 : i32
        %dma_start3A_20 = tpu.memref_slice %arg2[%dma_start3A, %dma_start3A_19] : memref<10000x128xf32, #tpu.memory_space<hbm>> -> memref<10000x128xf32, #tpu.memory_space<hbm>>
        tpu.enqueue_indirect_dma source(%dma_start3A_20 : memref<10000x128xf32, #tpu.memory_space<hbm>>) target(%arg8 : memref<128x128xf32, #tpu.memory_space<vmem>>) offsets(%arg7 : memref<128xi32, #tpu.memory_space<vmem>>) semaphore(%arg9 : memref<!tpu.dma_semaphore, #tpu.memory_space<semaphore_mem>>)
        %dma_wait3A = arith.constant 0 : i32
        %dma_wait3A_21 = arith.constant 0 : i32
        %dma_wait3A_22 = tpu.memref_slice %arg2[%dma_wait3A, %dma_wait3A_21] : memref<10000x128xf32, #tpu.memory_space<hbm>> -> memref<10000x128xf32, #tpu.memory_space<hbm>>
        tpu.wait_indirect_dma semaphore(%arg9 : memref<!tpu.dma_semaphore, #tpu.memory_space<semaphore_mem>>) src(%dma_wait3A_22 : memref<10000x128xf32, #tpu.memory_space<hbm>>) dst(%arg8 : memref<128x128xf32, #tpu.memory_space<vmem>>)
        "tpu.region"() ({
          %run_scoped3A = tpu.sem_alloc : memref<!tpu.dma_semaphore, #tpu.memory_space<semaphore_mem>>
          %dma_start3A_23 = arith.constant 0 : i32
          %dma_start3A_24 = tpu.memref_slice %arg6[%mul3A_18, %dma_start3A_23] : memref<327680x128xf32, #tpu.memory_space<hbm>> -> memref<128x128xf32, #tpu.memory_space<hbm>>
          %dma_start3A_25 = arith.constant 0 : i32
          %dma_start3A_26 = tpu.memref_slice %arg6[%mul3A_18, %dma_start3A_25] : memref<327680x128xf32, #tpu.memory_space<hbm>> -> memref<128x128xf32, #tpu.memory_space<hbm>>
          tpu.enqueue_dma source(%arg8 : memref<128x128xf32, #tpu.memory_space<vmem>>) target(%dma_start3A_26 : memref<128x128xf32, #tpu.memory_space<hbm>>) target_semaphore(%run_scoped3A : memref<!tpu.dma_semaphore, #tpu.memory_space<semaphore_mem>>)
          %dma_wait3A_27 = arith.constant 0 : i32
          %dma_wait3A_28 = tpu.memref_slice %arg6[%mul3A_18, %dma_wait3A_27] : memref<327680x128xf32, #tpu.memory_space<hbm>> -> memref<128x128xf32, #tpu.memory_space<hbm>>
          %dma_wait3A_29 = arith.constant 0 : i32
          %dma_wait3A_30 = tpu.memref_slice %arg6[%mul3A_18, %dma_wait3A_29] : memref<327680x128xf32, #tpu.memory_space<hbm>> -> memref<128x128xf32, #tpu.memory_space<hbm>>
          tpu.wait_dma2 semaphore(%run_scoped3A : memref<!tpu.dma_semaphore, #tpu.memory_space<semaphore_mem>>) src(%arg8 : memref<128x128xf32, #tpu.memory_space<vmem>>) dst(%dma_wait3A_30 : memref<128x128xf32, #tpu.memory_space<hbm>>)
          tpu.yield
        }) : () -> ()
      }
      %scan3A_10 = arith.constant 160 : i32
    } else {
    }
    return
  }
}

#map = affine_map<(d0, d1) -> (0, 0)>
#map1 = affine_map<(d0, d1) -> (0)>
module attributes {stable_mosaic.version = 14 : i64} {
  func.func @body(%arg0: i32, %arg1: i32, %arg2: memref<327680x128xf32, #tpu.memory_space<hbm>>, %arg3: memref<327680x128xf32, #tpu.memory_space<hbm>>, %arg4: memref<327680xi32, #tpu.memory_space<hbm>>, %arg5: memref<327680xi32, #tpu.memory_space<hbm>>, %arg6: memref<10240x128xf32, #tpu.memory_space<hbm>>, %arg7: memref<10240x128xf32, #tpu.memory_space<hbm>>, %arg8: memref<128xi32, #tpu.memory_space<vmem>>, %arg9: memref<128x128xf32, #tpu.memory_space<vmem>>, %arg10: memref<128x128xf32, #tpu.memory_space<vmem>>, %arg11: memref<10240x128xf32, #tpu.memory_space<vmem_shared>>, %arg12: memref<!tpu.dma_semaphore, #tpu.memory_space<semaphore_mem>>, %arg13: memref<!tpu.dma_semaphore, #tpu.memory_space<semaphore_mem>>) attributes {dimension_semantics = [#tpu.dimension_semantics<core_parallel>, #tpu.dimension_semantics<subcore_parallel>], iteration_bounds = array<i64: 2, 16>, scalar_prefetch = 0 : i64, scratch_operands = 6 : i64, tpu.core_type = #tpu.core_type<sc_vector_subcore>, window_params = [{transform_indices = #map}, {transform_indices = #map}, {transform_indices = #map1}, {transform_indices = #map1}, {transform_indices = #map}, {transform_indices = #map}]} {
    %scan3A = arith.constant 0 : i32
    %scan3A_0 = arith.constant 128 : i32
    %scan3A_1 = arith.addi %scan3A, %scan3A_0 : i32
    %scan3A_2 = arith.constant 1 : i32
    scf.for %scan3A_28 = %scan3A to %scan3A_1 step %scan3A_2  : i32 {
      %mul3A_29 = arith.constant 1 : i32
      %mul3A_30 = arith.muli %scan3A_28, %mul3A_29 : i32
      %add3A = arith.constant 0 : i32
      %add3A_31 = arith.addi %add3A, %mul3A_30 : i32
      %scan3A_32 = arith.constant 0 : i32
      %scan3A_33 = arith.constant 8 : i32
      %scan3A_34 = arith.addi %scan3A_32, %scan3A_33 : i32
      %scan3A_35 = arith.constant 1 : i32
      scf.for %scan3A_37 = %scan3A_32 to %scan3A_34 step %scan3A_35  : i32 {
        %mul3A_38 = arith.constant 16 : i32
        %mul3A_39 = arith.muli %scan3A_37, %mul3A_38 : i32
        %add3A_40 = arith.constant 0 : i32
        %add3A_41 = arith.addi %add3A_40, %mul3A_39 : i32
        %broadcast_in_dim3A = arith.constant 0.000000e+00 : f32
        %broadcast_in_dim3A_42 = vector.broadcast %broadcast_in_dim3A : f32 to vector<1x16xf32>
        %swap3A = arith.index_cast %add3A_31 : i32 to index
        %swap3A_43 = arith.index_cast %add3A_41 : i32 to index
        %swap3A_44 = tpu.vector_load %arg9[%swap3A, %swap3A_43] {strides = array<i32>} : memref<128x128xf32, #tpu.memory_space<vmem>>, vector<1x16xf32>,
        %swap3A_45 = vector.shape_cast %swap3A_44 : vector<1x16xf32> to vector<1x16xf32>
        %swap3A_46 = vector.shape_cast %broadcast_in_dim3A_42 : vector<1x16xf32> to vector<1x16xf32>
        tpu.vector_store %arg9[%swap3A, %swap3A_43], %swap3A_46 {strides = array<i32>} : memref<128x128xf32, #tpu.memory_space<vmem>>, vector<1x16xf32>,
      }
      %scan3A_36 = arith.constant 8 : i32
    }
    %scan3A_3 = arith.constant 128 : i32
    %mul3A = arith.constant 640 : i32
    %mul3A_4 = arith.muli %arg1, %mul3A : i32
    %scan3A_5 = arith.constant 0 : i32
    %scan3A_6 = arith.constant 5 : i32
    %scan3A_7 = arith.addi %scan3A_5, %scan3A_6 : i32
    %scan3A_8 = arith.constant 1 : i32
    scf.for %scan3A_28 = %scan3A_5 to %scan3A_7 step %scan3A_8  : i32 {
      %mul3A_29 = arith.constant 128 : i32
      %mul3A_30 = arith.muli %scan3A_28, %mul3A_29 : i32
      %add3A = arith.constant 0 : i32
      %add3A_31 = arith.addi %add3A, %mul3A_30 : i32
      %add3A_32 = arith.addi %mul3A_4, %add3A_31 : i32
      "tpu.region"() ({
        %run_scoped3A = tpu.sem_alloc : memref<!tpu.dma_semaphore, #tpu.memory_space<semaphore_mem>>
        %dma_start3A = arith.constant 0 : i32
        %dma_start3A_33 = tpu.memref_slice %arg11[%add3A_32, %dma_start3A] : memref<10240x128xf32, #tpu.memory_space<vmem_shared>> -> memref<128x128xf32, #tpu.memory_space<vmem_shared>>
        %dma_start3A_34 = arith.constant 0 : i32
        %dma_start3A_35 = tpu.memref_slice %arg11[%add3A_32, %dma_start3A_34] : memref<10240x128xf32, #tpu.memory_space<vmem_shared>> -> memref<128x128xf32, #tpu.memory_space<vmem_shared>>
        tpu.enqueue_dma source(%arg9 : memref<128x128xf32, #tpu.memory_space<vmem>>) target(%dma_start3A_35 : memref<128x128xf32, #tpu.memory_space<vmem_shared>>) target_semaphore(%run_scoped3A : memref<!tpu.dma_semaphore, #tpu.memory_space<semaphore_mem>>)
        %dma_wait3A = arith.constant 0 : i32
        %dma_wait3A_36 = tpu.memref_slice %arg11[%add3A_32, %dma_wait3A] : memref<10240x128xf32, #tpu.memory_space<vmem_shared>> -> memref<128x128xf32, #tpu.memory_space<vmem_shared>>
        %dma_wait3A_37 = arith.constant 0 : i32
        %dma_wait3A_38 = tpu.memref_slice %arg11[%add3A_32, %dma_wait3A_37] : memref<10240x128xf32, #tpu.memory_space<vmem_shared>> -> memref<128x128xf32, #tpu.memory_space<vmem_shared>>
        tpu.wait_dma2 semaphore(%run_scoped3A : memref<!tpu.dma_semaphore, #tpu.memory_space<semaphore_mem>>) src(%arg9 : memref<128x128xf32, #tpu.memory_space<vmem>>) dst(%dma_wait3A_38 : memref<128x128xf32, #tpu.memory_space<vmem_shared>>)
        tpu.yield
      }) : () -> ()
    }
    %scan3A_9 = arith.constant 5 : i32
    %barrier3A = arith.constant 0 : index
    tpu.barrier barrier_id(%barrier3A)
    %eq3A = arith.constant 0 : i32
    %eq3A_10 = arith.cmpi eq, %arg0, %eq3A : i32
    %convert_element_type3A = arith.extui %eq3A_10 : i1 to i32
    %cond3A = arith.constant 0 : i32
    %cond3A_11 = arith.cmpi ne, %convert_element_type3A, %cond3A : i32
    scf.if %cond3A_11 {
      %scan3A_28 = arith.constant 0 : i32
      %scan3A_29 = arith.constant 160 : i32
      %scan3A_30 = arith.addi %scan3A_28, %scan3A_29 : i32
      %scan3A_31 = arith.constant 1 : i32
      scf.for %scan3A_33 = %scan3A_28 to %scan3A_30 step %scan3A_31  : i32 {
        %mul3A_34 = arith.constant 1 : i32
        %mul3A_35 = arith.muli %scan3A_33, %mul3A_34 : i32
        %add3A = arith.constant 0 : i32
        %add3A_36 = arith.addi %add3A, %mul3A_35 : i32
        %mul3A_37 = arith.constant 16 : i32
        %mul3A_38 = arith.muli %add3A_36, %mul3A_37 : i32
        %add3A_39 = arith.addi %mul3A_38, %arg1 : i32
        %mul3A_40 = arith.constant 128 : i32
        %mul3A_41 = arith.muli %add3A_39, %mul3A_40 : i32
        "tpu.region"() ({
          %run_scoped3A = tpu.sem_alloc : memref<!tpu.dma_semaphore, #tpu.memory_space<semaphore_mem>>
          %dma_start3A = tpu.memref_slice %arg4[%mul3A_41] : memref<327680xi32, #tpu.memory_space<hbm>> -> memref<128xi32, #tpu.memory_space<hbm>>
          %dma_start3A_42 = tpu.memref_slice %arg4[%mul3A_41] : memref<327680xi32, #tpu.memory_space<hbm>> -> memref<128xi32, #tpu.memory_space<hbm>>
          tpu.enqueue_dma source(%dma_start3A_42 : memref<128xi32, #tpu.memory_space<hbm>>) target(%arg8 : memref<128xi32, #tpu.memory_space<vmem>>) target_semaphore(%run_scoped3A : memref<!tpu.dma_semaphore, #tpu.memory_space<semaphore_mem>>)
          %dma_wait3A = tpu.memref_slice %arg4[%mul3A_41] : memref<327680xi32, #tpu.memory_space<hbm>> -> memref<128xi32, #tpu.memory_space<hbm>>
          %dma_wait3A_43 = tpu.memref_slice %arg4[%mul3A_41] : memref<327680xi32, #tpu.memory_space<hbm>> -> memref<128xi32, #tpu.memory_space<hbm>>
          tpu.wait_dma2 semaphore(%run_scoped3A : memref<!tpu.dma_semaphore, #tpu.memory_space<semaphore_mem>>) src(%dma_wait3A_43 : memref<128xi32, #tpu.memory_space<hbm>>) dst(%arg8 : memref<128xi32, #tpu.memory_space<vmem>>)
          tpu.yield
        }) : () -> ()
        "tpu.region"() ({
          %run_scoped3A = tpu.sem_alloc : memref<!tpu.dma_semaphore, #tpu.memory_space<semaphore_mem>>
          %dma_start3A = arith.constant 0 : i32
          %dma_start3A_42 = tpu.memref_slice %arg2[%mul3A_41, %dma_start3A] : memref<327680x128xf32, #tpu.memory_space<hbm>> -> memref<128x128xf32, #tpu.memory_space<hbm>>
          %dma_start3A_43 = arith.constant 0 : i32
          %dma_start3A_44 = tpu.memref_slice %arg2[%mul3A_41, %dma_start3A_43] : memref<327680x128xf32, #tpu.memory_space<hbm>> -> memref<128x128xf32, #tpu.memory_space<hbm>>
          tpu.enqueue_dma source(%dma_start3A_44 : memref<128x128xf32, #tpu.memory_space<hbm>>) target(%arg9 : memref<128x128xf32, #tpu.memory_space<vmem>>) target_semaphore(%run_scoped3A : memref<!tpu.dma_semaphore, #tpu.memory_space<semaphore_mem>>)
          %dma_wait3A = arith.constant 0 : i32
          %dma_wait3A_45 = tpu.memref_slice %arg2[%mul3A_41, %dma_wait3A] : memref<327680x128xf32, #tpu.memory_space<hbm>> -> memref<128x128xf32, #tpu.memory_space<hbm>>
          %dma_wait3A_46 = arith.constant 0 : i32
          %dma_wait3A_47 = tpu.memref_slice %arg2[%mul3A_41, %dma_wait3A_46] : memref<327680x128xf32, #tpu.memory_space<hbm>> -> memref<128x128xf32, #tpu.memory_space<hbm>>
          tpu.wait_dma2 semaphore(%run_scoped3A : memref<!tpu.dma_semaphore, #tpu.memory_space<semaphore_mem>>) src(%dma_wait3A_47 : memref<128x128xf32, #tpu.memory_space<hbm>>) dst(%arg9 : memref<128x128xf32, #tpu.memory_space<vmem>>)
          tpu.yield
        }) : () -> ()
        "tpu.region"() ({
          %run_scoped3A = tpu.sem_alloc : memref<!tpu.dma_semaphore, #tpu.memory_space<semaphore_mem>>
          %dma_start3A = arith.constant 0 : i32
          %dma_start3A_42 = arith.constant 0 : i32
          %dma_start3A_43 = tpu.memref_slice %arg11[%dma_start3A, %dma_start3A_42] : memref<10240x128xf32, #tpu.memory_space<vmem_shared>> -> memref<10240x128xf32, #tpu.memory_space<vmem_shared>>
          tpu.enqueue_indirect_dma source(%arg9 : memref<128x128xf32, #tpu.memory_space<vmem>>) target(%dma_start3A_43 : memref<10240x128xf32, #tpu.memory_space<vmem_shared>>) offsets(%arg8 : memref<128xi32, #tpu.memory_space<vmem>>) semaphore(%run_scoped3A : memref<!tpu.dma_semaphore, #tpu.memory_space<semaphore_mem>>) {add = true}
          %dma_wait3A = arith.constant 0 : i32
          %dma_wait3A_44 = arith.constant 0 : i32
          %dma_wait3A_45 = tpu.memref_slice %arg11[%dma_wait3A, %dma_wait3A_44] : memref<10240x128xf32, #tpu.memory_space<vmem_shared>> -> memref<10240x128xf32, #tpu.memory_space<vmem_shared>>
          tpu.wait_indirect_dma semaphore(%run_scoped3A : memref<!tpu.dma_semaphore, #tpu.memory_space<semaphore_mem>>) src(%arg9 : memref<128x128xf32, #tpu.memory_space<vmem>>) dst(%dma_wait3A_45 : memref<10240x128xf32, #tpu.memory_space<vmem_shared>>)
          tpu.yield
        }) : () -> ()
      }
      %scan3A_32 = arith.constant 160 : i32
    } else {
    }
    %eq3A_12 = arith.constant 1 : i32
    %eq3A_13 = arith.cmpi eq, %arg0, %eq3A_12 : i32
    %convert_element_type3A_14 = arith.extui %eq3A_13 : i1 to i32
    %cond3A_15 = arith.constant 0 : i32
    %cond3A_16 = arith.cmpi ne, %convert_element_type3A_14, %cond3A_15 : i32
    scf.if %cond3A_16 {
      %scan3A_28 = arith.constant 0 : i32
      %scan3A_29 = arith.constant 160 : i32
      %scan3A_30 = arith.addi %scan3A_28, %scan3A_29 : i32
      %scan3A_31 = arith.constant 1 : i32
      scf.for %scan3A_33 = %scan3A_28 to %scan3A_30 step %scan3A_31  : i32 {
        %mul3A_34 = arith.constant 1 : i32
        %mul3A_35 = arith.muli %scan3A_33, %mul3A_34 : i32
        %add3A = arith.constant 0 : i32
        %add3A_36 = arith.addi %add3A, %mul3A_35 : i32
        %mul3A_37 = arith.constant 16 : i32
        %mul3A_38 = arith.muli %add3A_36, %mul3A_37 : i32
        %add3A_39 = arith.addi %mul3A_38, %arg1 : i32
        %mul3A_40 = arith.constant 128 : i32
        %mul3A_41 = arith.muli %add3A_39, %mul3A_40 : i32
        "tpu.region"() ({
          %run_scoped3A = tpu.sem_alloc : memref<!tpu.dma_semaphore, #tpu.memory_space<semaphore_mem>>
          %dma_start3A = tpu.memref_slice %arg5[%mul3A_41] : memref<327680xi32, #tpu.memory_space<hbm>> -> memref<128xi32, #tpu.memory_space<hbm>>
          %dma_start3A_42 = tpu.memref_slice %arg5[%mul3A_41] : memref<327680xi32, #tpu.memory_space<hbm>> -> memref<128xi32, #tpu.memory_space<hbm>>
          tpu.enqueue_dma source(%dma_start3A_42 : memref<128xi32, #tpu.memory_space<hbm>>) target(%arg8 : memref<128xi32, #tpu.memory_space<vmem>>) target_semaphore(%run_scoped3A : memref<!tpu.dma_semaphore, #tpu.memory_space<semaphore_mem>>)
          %dma_wait3A = tpu.memref_slice %arg5[%mul3A_41] : memref<327680xi32, #tpu.memory_space<hbm>> -> memref<128xi32, #tpu.memory_space<hbm>>
          %dma_wait3A_43 = tpu.memref_slice %arg5[%mul3A_41] : memref<327680xi32, #tpu.memory_space<hbm>> -> memref<128xi32, #tpu.memory_space<hbm>>
          tpu.wait_dma2 semaphore(%run_scoped3A : memref<!tpu.dma_semaphore, #tpu.memory_space<semaphore_mem>>) src(%dma_wait3A_43 : memref<128xi32, #tpu.memory_space<hbm>>) dst(%arg8 : memref<128xi32, #tpu.memory_space<vmem>>)
          tpu.yield
        }) : () -> ()
        "tpu.region"() ({
          %run_scoped3A = tpu.sem_alloc : memref<!tpu.dma_semaphore, #tpu.memory_space<semaphore_mem>>
          %dma_start3A = arith.constant 0 : i32
          %dma_start3A_42 = tpu.memref_slice %arg3[%mul3A_41, %dma_start3A] : memref<327680x128xf32, #tpu.memory_space<hbm>> -> memref<128x128xf32, #tpu.memory_space<hbm>>
          %dma_start3A_43 = arith.constant 0 : i32
          %dma_start3A_44 = tpu.memref_slice %arg3[%mul3A_41, %dma_start3A_43] : memref<327680x128xf32, #tpu.memory_space<hbm>> -> memref<128x128xf32, #tpu.memory_space<hbm>>
          tpu.enqueue_dma source(%dma_start3A_44 : memref<128x128xf32, #tpu.memory_space<hbm>>) target(%arg9 : memref<128x128xf32, #tpu.memory_space<vmem>>) target_semaphore(%run_scoped3A : memref<!tpu.dma_semaphore, #tpu.memory_space<semaphore_mem>>)
          %dma_wait3A = arith.constant 0 : i32
          %dma_wait3A_45 = tpu.memref_slice %arg3[%mul3A_41, %dma_wait3A] : memref<327680x128xf32, #tpu.memory_space<hbm>> -> memref<128x128xf32, #tpu.memory_space<hbm>>
          %dma_wait3A_46 = arith.constant 0 : i32
          %dma_wait3A_47 = tpu.memref_slice %arg3[%mul3A_41, %dma_wait3A_46] : memref<327680x128xf32, #tpu.memory_space<hbm>> -> memref<128x128xf32, #tpu.memory_space<hbm>>
          tpu.wait_dma2 semaphore(%run_scoped3A : memref<!tpu.dma_semaphore, #tpu.memory_space<semaphore_mem>>) src(%dma_wait3A_47 : memref<128x128xf32, #tpu.memory_space<hbm>>) dst(%arg9 : memref<128x128xf32, #tpu.memory_space<vmem>>)
          tpu.yield
        }) : () -> ()
        "tpu.region"() ({
          %run_scoped3A = tpu.sem_alloc : memref<!tpu.dma_semaphore, #tpu.memory_space<semaphore_mem>>
          %dma_start3A = arith.constant 0 : i32
          %dma_start3A_42 = arith.constant 0 : i32
          %dma_start3A_43 = tpu.memref_slice %arg11[%dma_start3A, %dma_start3A_42] : memref<10240x128xf32, #tpu.memory_space<vmem_shared>> -> memref<10240x128xf32, #tpu.memory_space<vmem_shared>>
          tpu.enqueue_indirect_dma source(%arg9 : memref<128x128xf32, #tpu.memory_space<vmem>>) target(%dma_start3A_43 : memref<10240x128xf32, #tpu.memory_space<vmem_shared>>) offsets(%arg8 : memref<128xi32, #tpu.memory_space<vmem>>) semaphore(%run_scoped3A : memref<!tpu.dma_semaphore, #tpu.memory_space<semaphore_mem>>) {add = true}
          %dma_wait3A = arith.constant 0 : i32
          %dma_wait3A_44 = arith.constant 0 : i32
          %dma_wait3A_45 = tpu.memref_slice %arg11[%dma_wait3A, %dma_wait3A_44] : memref<10240x128xf32, #tpu.memory_space<vmem_shared>> -> memref<10240x128xf32, #tpu.memory_space<vmem_shared>>
          tpu.wait_indirect_dma semaphore(%run_scoped3A : memref<!tpu.dma_semaphore, #tpu.memory_space<semaphore_mem>>) src(%arg9 : memref<128x128xf32, #tpu.memory_space<vmem>>) dst(%dma_wait3A_45 : memref<10240x128xf32, #tpu.memory_space<vmem_shared>>)
          tpu.yield
        }) : () -> ()
      }
      %scan3A_32 = arith.constant 160 : i32
    } else {
    }
    %barrier3A_17 = arith.constant 0 : index
    tpu.barrier barrier_id(%barrier3A_17)
    %eq3A_18 = arith.constant 0 : i32
    %eq3A_19 = arith.cmpi eq, %arg0, %eq3A_18 : i32
    %convert_element_type3A_20 = arith.extui %eq3A_19 : i1 to i32
    %cond3A_21 = arith.constant 0 : i32
    %cond3A_22 = arith.cmpi ne, %convert_element_type3A_20, %cond3A_21 : i32
    scf.if %cond3A_22 {
      "tpu.region"() ({
        %run_scoped3A = tpu.sem_alloc : memref<!tpu.dma_semaphore, #tpu.memory_space<semaphore_mem>>
        %dma_start3A = arith.constant 0 : i32
        %dma_start3A_28 = tpu.memref_slice %arg6[%mul3A_4, %dma_start3A] : memref<10240x128xf32, #tpu.memory_space<hbm>> -> memref<640x128xf32, #tpu.memory_space<hbm>>
        %dma_start3A_29 = arith.constant 0 : i32
        %dma_start3A_30 = tpu.memref_slice %arg11[%mul3A_4, %dma_start3A_29] : memref<10240x128xf32, #tpu.memory_space<vmem_shared>> -> memref<640x128xf32, #tpu.memory_space<vmem_shared>>
        tpu.enqueue_dma source(%dma_start3A_30 : memref<640x128xf32, #tpu.memory_space<vmem_shared>>) target(%dma_start3A_28 : memref<640x128xf32, #tpu.memory_space<hbm>>) target_semaphore(%run_scoped3A : memref<!tpu.dma_semaphore, #tpu.memory_space<semaphore_mem>>)
        %dma_wait3A = arith.constant 0 : i32
        %dma_wait3A_31 = tpu.memref_slice %arg6[%mul3A_4, %dma_wait3A] : memref<10240x128xf32, #tpu.memory_space<hbm>> -> memref<640x128xf32, #tpu.memory_space<hbm>>
        %dma_wait3A_32 = arith.constant 0 : i32
        %dma_wait3A_33 = tpu.memref_slice %arg11[%mul3A_4, %dma_wait3A_32] : memref<10240x128xf32, #tpu.memory_space<vmem_shared>> -> memref<640x128xf32, #tpu.memory_space<vmem_shared>>
        tpu.wait_dma2 semaphore(%run_scoped3A : memref<!tpu.dma_semaphore, #tpu.memory_space<semaphore_mem>>) src(%dma_wait3A_33 : memref<640x128xf32, #tpu.memory_space<vmem_shared>>) dst(%dma_wait3A_31 : memref<640x128xf32, #tpu.memory_space<hbm>>)
        tpu.yield
      }) : () -> ()
    } else {
    }
    %eq3A_23 = arith.constant 1 : i32
    %eq3A_24 = arith.cmpi eq, %arg0, %eq3A_23 : i32
    %convert_element_type3A_25 = arith.extui %eq3A_24 : i1 to i32
    %cond3A_26 = arith.constant 0 : i32
    %cond3A_27 = arith.cmpi ne, %convert_element_type3A_25, %cond3A_26 : i32
    scf.if %cond3A_27 {
      "tpu.region"() ({
        %run_scoped3A = tpu.sem_alloc : memref<!tpu.dma_semaphore, #tpu.memory_space<semaphore_mem>>
        %dma_start3A = arith.constant 0 : i32
        %dma_start3A_28 = tpu.memref_slice %arg7[%mul3A_4, %dma_start3A] : memref<10240x128xf32, #tpu.memory_space<hbm>> -> memref<640x128xf32, #tpu.memory_space<hbm>>
        %dma_start3A_29 = arith.constant 0 : i32
        %dma_start3A_30 = tpu.memref_slice %arg11[%mul3A_4, %dma_start3A_29] : memref<10240x128xf32, #tpu.memory_space<vmem_shared>> -> memref<640x128xf32, #tpu.memory_space<vmem_shared>>
        tpu.enqueue_dma source(%dma_start3A_30 : memref<640x128xf32, #tpu.memory_space<vmem_shared>>) target(%dma_start3A_28 : memref<640x128xf32, #tpu.memory_space<hbm>>) target_semaphore(%run_scoped3A : memref<!tpu.dma_semaphore, #tpu.memory_space<semaphore_mem>>)
        %dma_wait3A = arith.constant 0 : i32
        %dma_wait3A_31 = tpu.memref_slice %arg7[%mul3A_4, %dma_wait3A] : memref<10240x128xf32, #tpu.memory_space<hbm>> -> memref<640x128xf32, #tpu.memory_space<hbm>>
        %dma_wait3A_32 = arith.constant 0 : i32
        %dma_wait3A_33 = tpu.memref_slice %arg11[%mul3A_4, %dma_wait3A_32] : memref<10240x128xf32, #tpu.memory_space<vmem_shared>> -> memref<640x128xf32, #tpu.memory_space<vmem_shared>>
        tpu.wait_dma2 semaphore(%run_scoped3A : memref<!tpu.dma_semaphore, #tpu.memory_space<semaphore_mem>>) src(%dma_wait3A_33 : memref<640x128xf32, #tpu.memory_space<vmem_shared>>) dst(%dma_wait3A_31 : memref<640x128xf32, #tpu.memory_space<hbm>>)
        tpu.yield
      }) : () -> ()
    } else {
    }
    return
  }
}

module attributes {stable_mosaic.version = 14 : i64} {
  func.func @_edge_mlp_kernel(%arg0: i32, %arg1: memref<1x1x1280xi32, #tpu.memory_space<vmem>>, %arg2: memref<1280x128xf32, #tpu.memory_space<vmem>>, %arg3: memref<1280x128xf32, #tpu.memory_space<vmem>>, %arg4: memref<128x512xf32, #tpu.memory_space<vmem>>, %arg5: memref<128x512xf32, #tpu.memory_space<vmem>>, %arg6: memref<8x256xf32, #tpu.memory_space<vmem>>, %arg7: memref<8x256xf32, #tpu.memory_space<vmem>>, %arg8: memref<256x128xf32, #tpu.memory_space<vmem>>, %arg9: memref<256x128xf32, #tpu.memory_space<vmem>>, %arg10: memref<8x128xf32, #tpu.memory_space<vmem>>, %arg11: memref<8x128xf32, #tpu.memory_space<vmem>>, %arg12: memref<1280x128xf32, #tpu.memory_space<vmem>>, %arg13: memref<1280x128xf32, #tpu.memory_space<vmem>>) attributes {dimension_semantics = [#tpu.dimension_semantics<arbitrary>], iteration_bounds = array<i64: 256>, scalar_prefetch = 0 : i64, scratch_operands = 0 : i64, tpu.core_type = #tpu.core_type<tc>, window_params = [{transform_indices = @transform_0, window_bounds = array<i64: 1, 1, 1280>}, {transform_indices = @transform_1, window_bounds = array<i64: 1280, 128>}, {transform_indices = @transform_2, window_bounds = array<i64: 1280, 128>}, {pipeline_mode = #tpu.pipeline_mode<synchronous>, transform_indices = @transform_3, window_bounds = array<i64: 128, 512>}, {pipeline_mode = #tpu.pipeline_mode<synchronous>, transform_indices = @transform_4, window_bounds = array<i64: 128, 512>}, {pipeline_mode = #tpu.pipeline_mode<synchronous>, transform_indices = @transform_5, window_bounds = array<i64: 8, 256>}, {pipeline_mode = #tpu.pipeline_mode<synchronous>, transform_indices = @transform_6, window_bounds = array<i64: 8, 256>}, {pipeline_mode = #tpu.pipeline_mode<synchronous>, transform_indices = @transform_7, window_bounds = array<i64: 256, 128>}, {pipeline_mode = #tpu.pipeline_mode<synchronous>, transform_indices = @transform_8, window_bounds = array<i64: 256, 128>}, {pipeline_mode = #tpu.pipeline_mode<synchronous>, transform_indices = @transform_9, window_bounds = array<i64: 8, 128>}, {pipeline_mode = #tpu.pipeline_mode<synchronous>, transform_indices = @transform_10, window_bounds = array<i64: 8, 128>}, {transform_indices = @transform_11, window_bounds = array<i64: 1280, 128>}, {transform_indices = @transform_12, window_bounds = array<i64: 1280, 128>}]} {
    %get3A = arith.constant 0 : index
    %get3A_0 = arith.constant 0 : index
    %get3A_1 = vector.load %arg2[%get3A, %get3A_0] : memref<1280x128xf32, #tpu.memory_space<vmem>>, vector<1280x128xf32>
    %get3A_2 = arith.constant 0 : index
    %get3A_3 = arith.constant 0 : index
    %get3A_4 = vector.load %arg3[%get3A_2, %get3A_3] : memref<1280x128xf32, #tpu.memory_space<vmem>>, vector<1280x128xf32>
    %get3A_5 = arith.constant 0 : index
    %get3A_6 = arith.constant 0 : index
    %get3A_7 = vector.load %arg4[%get3A_5, %get3A_6] : memref<128x512xf32, #tpu.memory_space<vmem>>, vector<128x512xf32>
    %dot_general3A = arith.constant dense<0.000000e+00> : vector<1280x512xf32>
    %dot_general3A_8 = tpu.matmul %get3A_1, %get3A_7, %dot_general3A {dimension_numbers = #tpu.dot_dimension_numbers<[1], [0], [0], [1], [0, 0, 1, 1], [], []>, transpose_lhs_hint = false} : vector<1280x128xf32>, vector<128x512xf32>, vector<1280x512xf32> -> vector<1280x512xf32>
    %get3A_9 = arith.constant 0 : index
    %get3A_10 = arith.constant 0 : index
    %get3A_11 = vector.load %arg5[%get3A_9, %get3A_10] : memref<128x512xf32, #tpu.memory_space<vmem>>, vector<128x512xf32>
    %dot_general3A_12 = arith.constant dense<0.000000e+00> : vector<1280x512xf32>
    %dot_general3A_13 = tpu.matmul %get3A_4, %get3A_11, %dot_general3A_12 {dimension_numbers = #tpu.dot_dimension_numbers<[1], [0], [0], [1], [0, 0, 1, 1], [], []>, transpose_lhs_hint = false} : vector<1280x128xf32>, vector<128x512xf32>, vector<1280x512xf32> -> vector<1280x512xf32>
    %get3A_14 = arith.constant 0 : index
    %get3A_15 = arith.constant 0 : index
    %get3A_16 = arith.constant 0 : index
    %get3A_17 = vector.load %arg1[%get3A_14, %get3A_15, %get3A_16] : memref<1x1x1280xi32, #tpu.memory_space<vmem>>, vector<1x1x1280xi32>
    %get3A_18 = vector.shape_cast %get3A_17 : vector<1x1x1280xi32> to vector<1280xi32>
    %broadcast_in_dim3A = vector.shape_cast %get3A_18 : vector<1280xi32> to vector<1280x1xi32>
    %get3A_19 = arith.constant 0 : index
    %get3A_20 = arith.constant 0 : index
    %get3A_21 = vector.load %arg6[%get3A_19, %get3A_20] : memref<8x256xf32, #tpu.memory_space<vmem>>, vector<8x256xf32>
    %get3A_22 = arith.constant 0 : index
    %get3A_23 = arith.constant 0 : index
    %get3A_24 = vector.load %arg7[%get3A_22, %get3A_23] : memref<8x256xf32, #tpu.memory_space<vmem>>, vector<8x256xf32>
    %eq3A = arith.constant 0 : i32
    %eq3A_25 = vector.broadcast %eq3A : i32 to vector<1280x1xi32>
    %eq3A_26 = arith.cmpi eq, %broadcast_in_dim3A, %eq3A_25 : vector<1280x1xi32>
    %slice3A = vector.extract_strided_slice %get3A_21 {offsets = [0, 0], sizes = [1, 256], strides = [1, 1]} : vector<8x256xf32> to vector<1x256xf32>
    %eq3A_27 = arith.constant 1 : i32
    %eq3A_28 = vector.broadcast %eq3A_27 : i32 to vector<1280x1xi32>
    %eq3A_29 = arith.cmpi eq, %broadcast_in_dim3A, %eq3A_28 : vector<1280x1xi32>
    %slice3A_30 = vector.extract_strided_slice %get3A_21 {offsets = [1, 0], sizes = [1, 256], strides = [1, 1]} : vector<8x256xf32> to vector<1x256xf32>
    %slice3A_31 = vector.extract_strided_slice %get3A_21 {offsets = [2, 0], sizes = [1, 256], strides = [1, 1]} : vector<8x256xf32> to vector<1x256xf32>
    %broadcast_in_dim3A_32 = vector.shape_cast %eq3A_29 : vector<1280x1xi1> to vector<1280x1xi1>
    %broadcast_in_dim3A_33 = vector.broadcast %broadcast_in_dim3A_32 : vector<1280x1xi1> to vector<1280x256xi1>
    %broadcast_in_dim3A_34 = vector.shape_cast %slice3A_30 : vector<1x256xf32> to vector<1x256xf32>
    %broadcast_in_dim3A_35 = vector.broadcast %broadcast_in_dim3A_34 : vector<1x256xf32> to vector<1280x256xf32>
    %broadcast_in_dim3A_36 = vector.shape_cast %slice3A_31 : vector<1x256xf32> to vector<1x256xf32>
    %broadcast_in_dim3A_37 = vector.broadcast %broadcast_in_dim3A_36 : vector<1x256xf32> to vector<1280x256xf32>
    %select_n3A = arith.select %broadcast_in_dim3A_33, %broadcast_in_dim3A_35, %broadcast_in_dim3A_37 : vector<1280x256xi1>, vector<1280x256xf32>
    %broadcast_in_dim3A_38 = vector.shape_cast %eq3A_26 : vector<1280x1xi1> to vector<1280x1xi1>
    %broadcast_in_dim3A_39 = vector.broadcast %broadcast_in_dim3A_38 : vector<1280x1xi1> to vector<1280x256xi1>
    %broadcast_in_dim3A_40 = vector.shape_cast %slice3A : vector<1x256xf32> to vector<1x256xf32>
    %broadcast_in_dim3A_41 = vector.broadcast %broadcast_in_dim3A_40 : vector<1x256xf32> to vector<1280x256xf32>
    %select_n3A_42 = arith.select %broadcast_in_dim3A_39, %broadcast_in_dim3A_41, %select_n3A : vector<1280x256xi1>, vector<1280x256xf32>
    %eq3A_43 = arith.constant 0 : i32
    %eq3A_44 = vector.broadcast %eq3A_43 : i32 to vector<1280x1xi32>
    %eq3A_45 = arith.cmpi eq, %broadcast_in_dim3A, %eq3A_44 : vector<1280x1xi32>
    %slice3A_46 = vector.extract_strided_slice %get3A_24 {offsets = [0, 0], sizes = [1, 256], strides = [1, 1]} : vector<8x256xf32> to vector<1x256xf32>
    %eq3A_47 = arith.constant 1 : i32
    %eq3A_48 = vector.broadcast %eq3A_47 : i32 to vector<1280x1xi32>
    %eq3A_49 = arith.cmpi eq, %broadcast_in_dim3A, %eq3A_48 : vector<1280x1xi32>
    %slice3A_50 = vector.extract_strided_slice %get3A_24 {offsets = [1, 0], sizes = [1, 256], strides = [1, 1]} : vector<8x256xf32> to vector<1x256xf32>
    %slice3A_51 = vector.extract_strided_slice %get3A_24 {offsets = [2, 0], sizes = [1, 256], strides = [1, 1]} : vector<8x256xf32> to vector<1x256xf32>
    %broadcast_in_dim3A_52 = vector.shape_cast %eq3A_49 : vector<1280x1xi1> to vector<1280x1xi1>
    %broadcast_in_dim3A_53 = vector.broadcast %broadcast_in_dim3A_52 : vector<1280x1xi1> to vector<1280x256xi1>
    %broadcast_in_dim3A_54 = vector.shape_cast %slice3A_50 : vector<1x256xf32> to vector<1x256xf32>
    %broadcast_in_dim3A_55 = vector.broadcast %broadcast_in_dim3A_54 : vector<1x256xf32> to vector<1280x256xf32>
    %broadcast_in_dim3A_56 = vector.shape_cast %slice3A_51 : vector<1x256xf32> to vector<1x256xf32>
    %broadcast_in_dim3A_57 = vector.broadcast %broadcast_in_dim3A_56 : vector<1x256xf32> to vector<1280x256xf32>
    %select_n3A_58 = arith.select %broadcast_in_dim3A_53, %broadcast_in_dim3A_55, %broadcast_in_dim3A_57 : vector<1280x256xi1>, vector<1280x256xf32>
    %broadcast_in_dim3A_59 = vector.shape_cast %eq3A_45 : vector<1280x1xi1> to vector<1280x1xi1>
    %broadcast_in_dim3A_60 = vector.broadcast %broadcast_in_dim3A_59 : vector<1280x1xi1> to vector<1280x256xi1>
    %broadcast_in_dim3A_61 = vector.shape_cast %slice3A_46 : vector<1x256xf32> to vector<1x256xf32>
    %broadcast_in_dim3A_62 = vector.broadcast %broadcast_in_dim3A_61 : vector<1x256xf32> to vector<1280x256xf32>
    %select_n3A_63 = arith.select %broadcast_in_dim3A_60, %broadcast_in_dim3A_62, %select_n3A_58 : vector<1280x256xi1>, vector<1280x256xf32>
    %slice3A_64 = vector.extract_strided_slice %dot_general3A_8 {offsets = [0, 0], sizes = [1280, 256], strides = [1, 1]} : vector<1280x512xf32> to vector<1280x256xf32>
    %slice3A_65 = vector.extract_strided_slice %dot_general3A_13 {offsets = [0, 0], sizes = [1280, 256], strides = [1, 1]} : vector<1280x512xf32> to vector<1280x256xf32>
    %add3A = arith.addf %slice3A_64, %slice3A_65 : vector<1280x256xf32>
    %add3A_66 = arith.addf %add3A, %select_n3A_42 : vector<1280x256xf32>
    %max3A = arith.constant 0.000000e+00 : f32
    %max3A_67 = vector.broadcast %max3A : f32 to vector<1280x256xf32>
    %max3A_68 = arith.maximumf %add3A_66, %max3A_67 : vector<1280x256xf32>
    %slice3A_69 = vector.extract_strided_slice %dot_general3A_8 {offsets = [0, 256], sizes = [1280, 256], strides = [1, 1]} : vector<1280x512xf32> to vector<1280x256xf32>
    %slice3A_70 = vector.extract_strided_slice %dot_general3A_13 {offsets = [0, 256], sizes = [1280, 256], strides = [1, 1]} : vector<1280x512xf32> to vector<1280x256xf32>
    %add3A_71 = arith.addf %slice3A_69, %slice3A_70 : vector<1280x256xf32>
    %add3A_72 = arith.addf %add3A_71, %select_n3A_63 : vector<1280x256xf32>
    %max3A_73 = arith.constant 0.000000e+00 : f32
    %max3A_74 = vector.broadcast %max3A_73 : f32 to vector<1280x256xf32>
    %max3A_75 = arith.maximumf %add3A_72, %max3A_74 : vector<1280x256xf32>
    %get3A_76 = arith.constant 0 : index
    %get3A_77 = arith.constant 0 : index
    %get3A_78 = vector.load %arg8[%get3A_76, %get3A_77] : memref<256x128xf32, #tpu.memory_space<vmem>>, vector<256x128xf32>
    %dot_general3A_79 = arith.constant dense<0.000000e+00> : vector<1280x128xf32>
    %dot_general3A_80 = tpu.matmul %max3A_68, %get3A_78, %dot_general3A_79 {dimension_numbers = #tpu.dot_dimension_numbers<[1], [0], [0], [1], [0, 0, 1, 1], [], []>, transpose_lhs_hint = false} : vector<1280x256xf32>, vector<256x128xf32>, vector<1280x128xf32> -> vector<1280x128xf32>
    %get3A_81 = arith.constant 0 : index
    %get3A_82 = arith.constant 0 : index
    %get3A_83 = vector.load %arg10[%get3A_81, %get3A_82] : memref<8x128xf32, #tpu.memory_space<vmem>>, vector<1x128xf32>
    %add3A_84 = vector.broadcast %get3A_83 : vector<1x128xf32> to vector<1280x128xf32>
    %add3A_85 = arith.addf %dot_general3A_80, %add3A_84 : vector<1280x128xf32>
    %max3A_86 = arith.constant 0.000000e+00 : f32
    %max3A_87 = vector.broadcast %max3A_86 : f32 to vector<1280x128xf32>
    %max3A_88 = arith.maximumf %add3A_85, %max3A_87 : vector<1280x128xf32>
    %swap3A = arith.constant 0 : index
    %swap3A_89 = arith.constant 0 : index
    %swap3A_90 = vector.load %arg12[%swap3A, %swap3A_89] : memref<1280x128xf32, #tpu.memory_space<vmem>>, vector<1280x128xf32>
    tpu.vector_store %arg12[%swap3A, %swap3A_89], %max3A_88 {strides = array<i32>} : memref<1280x128xf32, #tpu.memory_space<vmem>>, vector<1280x128xf32>,
    %get3A_91 = arith.constant 0 : index
    %get3A_92 = arith.constant 0 : index
    %get3A_93 = vector.load %arg9[%get3A_91, %get3A_92] : memref<256x128xf32, #tpu.memory_space<vmem>>, vector<256x128xf32>
    %dot_general3A_94 = arith.constant dense<0.000000e+00> : vector<1280x128xf32>
    %dot_general3A_95 = tpu.matmul %max3A_75, %get3A_93, %dot_general3A_94 {dimension_numbers = #tpu.dot_dimension_numbers<[1], [0], [0], [1], [0, 0, 1, 1], [], []>, transpose_lhs_hint = false} : vector<1280x256xf32>, vector<256x128xf32>, vector<1280x128xf32> -> vector<1280x128xf32>
    %get3A_96 = arith.constant 0 : index
    %get3A_97 = arith.constant 0 : index
    %get3A_98 = vector.load %arg11[%get3A_96, %get3A_97] : memref<8x128xf32, #tpu.memory_space<vmem>>, vector<1x128xf32>
    %add3A_99 = vector.broadcast %get3A_98 : vector<1x128xf32> to vector<1280x128xf32>
    %add3A_100 = arith.addf %dot_general3A_95, %add3A_99 : vector<1280x128xf32>
    %max3A_101 = arith.constant 0.000000e+00 : f32
    %max3A_102 = vector.broadcast %max3A_101 : f32 to vector<1280x128xf32>
    %max3A_103 = arith.maximumf %add3A_100, %max3A_102 : vector<1280x128xf32>
    %swap3A_104 = arith.constant 0 : index
    %swap3A_105 = arith.constant 0 : index
    %swap3A_106 = vector.load %arg13[%swap3A_104, %swap3A_105] : memref<1280x128xf32, #tpu.memory_space<vmem>>, vector<1280x128xf32>
    tpu.vector_store %arg13[%swap3A_104, %swap3A_105], %max3A_103 {strides = array<i32>} : memref<1280x128xf32, #tpu.memory_space<vmem>>, vector<1280x128xf32>,
    return
  }
  func.func @transform_0(%arg0: i32) -> (i32, i32, i32) {
    %c0_i32 = arith.constant 0 : i32
    %c0_i32_0 = arith.constant 0 : i32
    %c0_i32_1 = arith.constant 0 : i32
    return %arg0, %c0_i32, %c0_i32_0 : i32, i32, i32
  }
  func.func @transform_1(%arg0: i32) -> (i32, i32) {
    %c0_i32 = arith.constant 0 : i32
    %c0_i32_0 = arith.constant 0 : i32
    return %arg0, %c0_i32 : i32, i32
  }
  func.func @transform_2(%arg0: i32) -> (i32, i32) {
    %c0_i32 = arith.constant 0 : i32
    %c0_i32_0 = arith.constant 0 : i32
    return %arg0, %c0_i32 : i32, i32
  }
  func.func @transform_3(%arg0: i32) -> (i32, i32) {
    %c0_i32 = arith.constant 0 : i32
    %c0_i32_0 = arith.constant 0 : i32
    %c0_i32_1 = arith.constant 0 : i32
    return %c0_i32, %c0_i32_0 : i32, i32
  }
  func.func @transform_4(%arg0: i32) -> (i32, i32) {
    %c0_i32 = arith.constant 0 : i32
    %c0_i32_0 = arith.constant 0 : i32
    %c0_i32_1 = arith.constant 0 : i32
    return %c0_i32, %c0_i32_0 : i32, i32
  }
  func.func @transform_5(%arg0: i32) -> (i32, i32) {
    %c0_i32 = arith.constant 0 : i32
    %c0_i32_0 = arith.constant 0 : i32
    %c0_i32_1 = arith.constant 0 : i32
    return %c0_i32, %c0_i32_0 : i32, i32
  }
  func.func @transform_6(%arg0: i32) -> (i32, i32) {
    %c0_i32 = arith.constant 0 : i32
    %c0_i32_0 = arith.constant 0 : i32
    %c0_i32_1 = arith.constant 0 : i32
    return %c0_i32, %c0_i32_0 : i32, i32
  }
  func.func @transform_7(%arg0: i32) -> (i32, i32) {
    %c0_i32 = arith.constant 0 : i32
    %c0_i32_0 = arith.constant 0 : i32
    %c0_i32_1 = arith.constant 0 : i32
    return %c0_i32, %c0_i32_0 : i32, i32
  }
  func.func @transform_8(%arg0: i32) -> (i32, i32) {
    %c0_i32 = arith.constant 0 : i32
    %c0_i32_0 = arith.constant 0 : i32
    %c0_i32_1 = arith.constant 0 : i32
    return %c0_i32, %c0_i32_0 : i32, i32
  }
  func.func @transform_9(%arg0: i32) -> (i32, i32) {
    %c0_i32 = arith.constant 0 : i32
    %c0_i32_0 = arith.constant 0 : i32
    %c0_i32_1 = arith.constant 0 : i32
    return %c0_i32, %c0_i32_0 : i32, i32
  }
  func.func @transform_10(%arg0: i32) -> (i32, i32) {
    %c0_i32 = arith.constant 0 : i32
    %c0_i32_0 = arith.constant 0 : i32
    %c0_i32_1 = arith.constant 0 : i32
    return %c0_i32, %c0_i32_0 : i32, i32
  }
  func.func @transform_11(%arg0: i32) -> (i32, i32) {
    %c0_i32 = arith.constant 0 : i32
    %c0_i32_0 = arith.constant 0 : i32
    return %arg0, %c0_i32 : i32, i32
  }
  func.func @transform_12(%arg0: i32) -> (i32, i32) {
    %c0_i32 = arith.constant 0 : i32
    %c0_i32_0 = arith.constant 0 : i32
    return %arg0, %c0_i32 : i32, i32
  }
}

module attributes {stable_mosaic.version = 14 : i64} {
  func.func @_node_update_kernel(%arg0: i32, %arg1: memref<2000x128xf32, #tpu.memory_space<vmem>>, %arg2: memref<2000x128xf32, #tpu.memory_space<vmem>>, %arg3: memref<2000x128xf32, #tpu.memory_space<vmem>>, %arg4: memref<2000x8xf32, #tpu.memory_space<vmem>>, %arg5: memref<2000x8xf32, #tpu.memory_space<vmem>>, %arg6: memref<128x256xf32, #tpu.memory_space<vmem>>, %arg7: memref<128x256xf32, #tpu.memory_space<vmem>>, %arg8: memref<128x256xf32, #tpu.memory_space<vmem>>, %arg9: memref<8x256xf32, #tpu.memory_space<vmem>>, %arg10: memref<256x128xf32, #tpu.memory_space<vmem>>, %arg11: memref<8x128xf32, #tpu.memory_space<vmem>>, %arg12: memref<128x128xf32, #tpu.memory_space<vmem>>, %arg13: memref<8x128xf32, #tpu.memory_space<vmem>>, %arg14: memref<2000x128xf32, #tpu.memory_space<vmem>>) attributes {dimension_semantics = [#tpu.dimension_semantics<arbitrary>], iteration_bounds = array<i64: 5>, scalar_prefetch = 0 : i64, scratch_operands = 0 : i64, tpu.core_type = #tpu.core_type<tc>, window_params = [{transform_indices = @transform_0, window_bounds = array<i64: 2000, 128>}, {transform_indices = @transform_1, window_bounds = array<i64: 2000, 128>}, {transform_indices = @transform_2, window_bounds = array<i64: 2000, 128>}, {transform_indices = @transform_3, window_bounds = array<i64: 2000, 8>}, {transform_indices = @transform_4, window_bounds = array<i64: 2000, 8>}, {pipeline_mode = #tpu.pipeline_mode<synchronous>, transform_indices = @transform_5, window_bounds = array<i64: 128, 256>}, {pipeline_mode = #tpu.pipeline_mode<synchronous>, transform_indices = @transform_6, window_bounds = array<i64: 128, 256>}, {pipeline_mode = #tpu.pipeline_mode<synchronous>, transform_indices = @transform_7, window_bounds = array<i64: 128, 256>}, {pipeline_mode = #tpu.pipeline_mode<synchronous>, transform_indices = @transform_8, window_bounds = array<i64: 8, 256>}, {pipeline_mode = #tpu.pipeline_mode<synchronous>, transform_indices = @transform_9, window_bounds = array<i64: 256, 128>}, {pipeline_mode = #tpu.pipeline_mode<synchronous>, transform_indices = @transform_10, window_bounds = array<i64: 8, 128>}, {pipeline_mode = #tpu.pipeline_mode<synchronous>, transform_indices = @transform_11, window_bounds = array<i64: 128, 128>}, {pipeline_mode = #tpu.pipeline_mode<synchronous>, transform_indices = @transform_12, window_bounds = array<i64: 8, 128>}, {transform_indices = @transform_13, window_bounds = array<i64: 2000, 128>}]} {
    %get3A = arith.constant 0 : index
    %get3A_0 = arith.constant 0 : index
    %get3A_1 = vector.load %arg1[%get3A, %get3A_0] : memref<2000x128xf32, #tpu.memory_space<vmem>>, vector<2000x128xf32>
    %get3A_2 = arith.constant 0 : index
    %get3A_3 = arith.constant 0 : index
    %get3A_4 = vector.load %arg4[%get3A_2, %get3A_3] : memref<2000x8xf32, #tpu.memory_space<vmem>>, vector<2000x1xf32>
    %get3A_5 = arith.constant 0 : index
    %get3A_6 = arith.constant 0 : index
    %get3A_7 = vector.load %arg5[%get3A_5, %get3A_6] : memref<2000x8xf32, #tpu.memory_space<vmem>>, vector<2000x1xf32>
    %gt3A = arith.constant 0.000000e+00 : f32
    %gt3A_8 = vector.broadcast %gt3A : f32 to vector<2000x1xf32>
    %gt3A_9 = arith.cmpf ogt, %get3A_4, %gt3A_8 : vector<2000x1xf32>
    %div3A = arith.constant 1.000000e+00 : f32
    %div3A_10 = vector.broadcast %div3A : f32 to vector<2000x1xf32>
    %div3A_11 = arith.divf %div3A_10, %get3A_4 : vector<2000x1xf32>
    %jit3A = arith.constant 0.000000e+00 : f32
    %broadcast_in_dim3A = vector.broadcast %jit3A : f32 to vector<2000x1xf32>
    %select_n3A = arith.select %gt3A_9, %div3A_11, %broadcast_in_dim3A : vector<2000x1xi1>, vector<2000x1xf32>
    %get3A_12 = arith.constant 0 : index
    %get3A_13 = arith.constant 0 : index
    %get3A_14 = vector.load %arg2[%get3A_12, %get3A_13] : memref<2000x128xf32, #tpu.memory_space<vmem>>, vector<2000x128xf32>
    %mul3A = vector.broadcast %select_n3A : vector<2000x1xf32> to vector<2000x128xf32>
    %mul3A_15 = arith.mulf %mul3A, %get3A_14 : vector<2000x128xf32>
    %gt3A_16 = arith.constant 0.000000e+00 : f32
    %gt3A_17 = vector.broadcast %gt3A_16 : f32 to vector<2000x1xf32>
    %gt3A_18 = arith.cmpf ogt, %get3A_7, %gt3A_17 : vector<2000x1xf32>
    %div3A_19 = arith.constant 1.000000e+00 : f32
    %div3A_20 = vector.broadcast %div3A_19 : f32 to vector<2000x1xf32>
    %div3A_21 = arith.divf %div3A_20, %get3A_7 : vector<2000x1xf32>
    %jit3A_22 = arith.constant 0.000000e+00 : f32
    %broadcast_in_dim3A_23 = vector.broadcast %jit3A_22 : f32 to vector<2000x1xf32>
    %select_n3A_24 = arith.select %gt3A_18, %div3A_21, %broadcast_in_dim3A_23 : vector<2000x1xi1>, vector<2000x1xf32>
    %get3A_25 = arith.constant 0 : index
    %get3A_26 = arith.constant 0 : index
    %get3A_27 = vector.load %arg3[%get3A_25, %get3A_26] : memref<2000x128xf32, #tpu.memory_space<vmem>>, vector<2000x128xf32>
    %mul3A_28 = vector.broadcast %select_n3A_24 : vector<2000x1xf32> to vector<2000x128xf32>
    %mul3A_29 = arith.mulf %mul3A_28, %get3A_27 : vector<2000x128xf32>
    %get3A_30 = arith.constant 0 : index
    %get3A_31 = arith.constant 0 : index
    %get3A_32 = vector.load %arg6[%get3A_30, %get3A_31] : memref<128x256xf32, #tpu.memory_space<vmem>>, vector<128x256xf32>
    %dot_general3A = arith.constant dense<0.000000e+00> : vector<2000x256xf32>
    %dot_general3A_33 = tpu.matmul %get3A_1, %get3A_32, %dot_general3A {dimension_numbers = #tpu.dot_dimension_numbers<[1], [0], [0], [1], [0, 0, 1, 1], [], []>, transpose_lhs_hint = false} : vector<2000x128xf32>, vector<128x256xf32>, vector<2000x256xf32> -> vector<2000x256xf32>
    %get3A_34 = arith.constant 0 : index
    %get3A_35 = arith.constant 0 : index
    %get3A_36 = vector.load %arg7[%get3A_34, %get3A_35] : memref<128x256xf32, #tpu.memory_space<vmem>>, vector<128x256xf32>
    %dot_general3A_37 = arith.constant dense<0.000000e+00> : vector<2000x256xf32>
    %dot_general3A_38 = tpu.matmul %mul3A_15, %get3A_36, %dot_general3A_37 {dimension_numbers = #tpu.dot_dimension_numbers<[1], [0], [0], [1], [0, 0, 1, 1], [], []>, transpose_lhs_hint = false} : vector<2000x128xf32>, vector<128x256xf32>, vector<2000x256xf32> -> vector<2000x256xf32>
    %add3A = arith.addf %dot_general3A_33, %dot_general3A_38 : vector<2000x256xf32>
    %get3A_39 = arith.constant 0 : index
    %get3A_40 = arith.constant 0 : index
    %get3A_41 = vector.load %arg8[%get3A_39, %get3A_40] : memref<128x256xf32, #tpu.memory_space<vmem>>, vector<128x256xf32>
    %dot_general3A_42 = arith.constant dense<0.000000e+00> : vector<2000x256xf32>
    %dot_general3A_43 = tpu.matmul %mul3A_29, %get3A_41, %dot_general3A_42 {dimension_numbers = #tpu.dot_dimension_numbers<[1], [0], [0], [1], [0, 0, 1, 1], [], []>, transpose_lhs_hint = false} : vector<2000x128xf32>, vector<128x256xf32>, vector<2000x256xf32> -> vector<2000x256xf32>
    %add3A_44 = arith.addf %add3A, %dot_general3A_43 : vector<2000x256xf32>
    %get3A_45 = arith.constant 0 : index
    %get3A_46 = arith.constant 0 : index
    %get3A_47 = vector.load %arg9[%get3A_45, %get3A_46] : memref<8x256xf32, #tpu.memory_space<vmem>>, vector<1x256xf32>
    %add3A_48 = vector.broadcast %get3A_47 : vector<1x256xf32> to vector<2000x256xf32>
    %add3A_49 = arith.addf %add3A_44, %add3A_48 : vector<2000x256xf32>
    %max3A = arith.constant 0.000000e+00 : f32
    %max3A_50 = vector.broadcast %max3A : f32 to vector<2000x256xf32>
    %max3A_51 = arith.maximumf %add3A_49, %max3A_50 : vector<2000x256xf32>
    %get3A_52 = arith.constant 0 : index
    %get3A_53 = arith.constant 0 : index
    %get3A_54 = vector.load %arg10[%get3A_52, %get3A_53] : memref<256x128xf32, #tpu.memory_space<vmem>>, vector<256x128xf32>
    %dot_general3A_55 = arith.constant dense<0.000000e+00> : vector<2000x128xf32>
    %dot_general3A_56 = tpu.matmul %max3A_51, %get3A_54, %dot_general3A_55 {dimension_numbers = #tpu.dot_dimension_numbers<[1], [0], [0], [1], [0, 0, 1, 1], [], []>, transpose_lhs_hint = false} : vector<2000x256xf32>, vector<256x128xf32>, vector<2000x128xf32> -> vector<2000x128xf32>
    %get3A_57 = arith.constant 0 : index
    %get3A_58 = arith.constant 0 : index
    %get3A_59 = vector.load %arg11[%get3A_57, %get3A_58] : memref<8x128xf32, #tpu.memory_space<vmem>>, vector<1x128xf32>
    %add3A_60 = vector.broadcast %get3A_59 : vector<1x128xf32> to vector<2000x128xf32>
    %add3A_61 = arith.addf %dot_general3A_56, %add3A_60 : vector<2000x128xf32>
    %max3A_62 = arith.constant 0.000000e+00 : f32
    %max3A_63 = vector.broadcast %max3A_62 : f32 to vector<2000x128xf32>
    %max3A_64 = arith.maximumf %add3A_61, %max3A_63 : vector<2000x128xf32>
    %get3A_65 = arith.constant 0 : index
    %get3A_66 = arith.constant 0 : index
    %get3A_67 = vector.load %arg12[%get3A_65, %get3A_66] : memref<128x128xf32, #tpu.memory_space<vmem>>, vector<128x128xf32>
    %dot_general3A_68 = arith.constant dense<0.000000e+00> : vector<2000x128xf32>
    %dot_general3A_69 = tpu.matmul %max3A_64, %get3A_67, %dot_general3A_68 {dimension_numbers = #tpu.dot_dimension_numbers<[1], [0], [0], [1], [0, 0, 1, 1], [], []>, transpose_lhs_hint = false} : vector<2000x128xf32>, vector<128x128xf32>, vector<2000x128xf32> -> vector<2000x128xf32>
    %get3A_70 = arith.constant 0 : index
    %get3A_71 = arith.constant 0 : index
    %get3A_72 = vector.load %arg13[%get3A_70, %get3A_71] : memref<8x128xf32, #tpu.memory_space<vmem>>, vector<1x128xf32>
    %add3A_73 = vector.broadcast %get3A_72 : vector<1x128xf32> to vector<2000x128xf32>
    %add3A_74 = arith.addf %dot_general3A_69, %add3A_73 : vector<2000x128xf32>
    %max3A_75 = arith.constant 0.000000e+00 : f32
    %max3A_76 = vector.broadcast %max3A_75 : f32 to vector<2000x128xf32>
    %max3A_77 = arith.maximumf %add3A_74, %max3A_76 : vector<2000x128xf32>
    %add3A_78 = arith.addf %get3A_1, %max3A_77 : vector<2000x128xf32>
    %swap3A = arith.constant 0 : index
    %swap3A_79 = arith.constant 0 : index
    %swap3A_80 = vector.load %arg14[%swap3A, %swap3A_79] : memref<2000x128xf32, #tpu.memory_space<vmem>>, vector<2000x128xf32>
    tpu.vector_store %arg14[%swap3A, %swap3A_79], %add3A_78 {strides = array<i32>} : memref<2000x128xf32, #tpu.memory_space<vmem>>, vector<2000x128xf32>,
    return
  }
  func.func @transform_0(%arg0: i32) -> (i32, i32) {
    %c0_i32 = arith.constant 0 : i32
    %c0_i32_0 = arith.constant 0 : i32
    return %arg0, %c0_i32 : i32, i32
  }
  func.func @transform_1(%arg0: i32) -> (i32, i32) {
    %c0_i32 = arith.constant 0 : i32
    %c0_i32_0 = arith.constant 0 : i32
    return %arg0, %c0_i32 : i32, i32
  }
  func.func @transform_2(%arg0: i32) -> (i32, i32) {
    %c0_i32 = arith.constant 0 : i32
    %c0_i32_0 = arith.constant 0 : i32
    return %arg0, %c0_i32 : i32, i32
  }
  func.func @transform_3(%arg0: i32) -> (i32, i32) {
    %c0_i32 = arith.constant 0 : i32
    %c0_i32_0 = arith.constant 0 : i32
    return %arg0, %c0_i32 : i32, i32
  }
  func.func @transform_4(%arg0: i32) -> (i32, i32) {
    %c0_i32 = arith.constant 0 : i32
    %c0_i32_0 = arith.constant 0 : i32
    return %arg0, %c0_i32 : i32, i32
  }
  func.func @transform_5(%arg0: i32) -> (i32, i32) {
    %c0_i32 = arith.constant 0 : i32
    %c0_i32_0 = arith.constant 0 : i32
    %c0_i32_1 = arith.constant 0 : i32
    return %c0_i32, %c0_i32_0 : i32, i32
  }
  func.func @transform_6(%arg0: i32) -> (i32, i32) {
    %c0_i32 = arith.constant 0 : i32
    %c0_i32_0 = arith.constant 0 : i32
    %c0_i32_1 = arith.constant 0 : i32
    return %c0_i32, %c0_i32_0 : i32, i32
  }
  func.func @transform_7(%arg0: i32) -> (i32, i32) {
    %c0_i32 = arith.constant 0 : i32
    %c0_i32_0 = arith.constant 0 : i32
    %c0_i32_1 = arith.constant 0 : i32
    return %c0_i32, %c0_i32_0 : i32, i32
  }
  func.func @transform_8(%arg0: i32) -> (i32, i32) {
    %c0_i32 = arith.constant 0 : i32
    %c0_i32_0 = arith.constant 0 : i32
    %c0_i32_1 = arith.constant 0 : i32
    return %c0_i32, %c0_i32_0 : i32, i32
  }
  func.func @transform_9(%arg0: i32) -> (i32, i32) {
    %c0_i32 = arith.constant 0 : i32
    %c0_i32_0 = arith.constant 0 : i32
    %c0_i32_1 = arith.constant 0 : i32
    return %c0_i32, %c0_i32_0 : i32, i32
  }
  func.func @transform_10(%arg0: i32) -> (i32, i32) {
    %c0_i32 = arith.constant 0 : i32
    %c0_i32_0 = arith.constant 0 : i32
    %c0_i32_1 = arith.constant 0 : i32
    return %c0_i32, %c0_i32_0 : i32, i32
  }
  func.func @transform_11(%arg0: i32) -> (i32, i32) {
    %c0_i32 = arith.constant 0 : i32
    %c0_i32_0 = arith.constant 0 : i32
    %c0_i32_1 = arith.constant 0 : i32
    return %c0_i32, %c0_i32_0 : i32, i32
  }
  func.func @transform_12(%arg0: i32) -> (i32, i32) {
    %c0_i32 = arith.constant 0 : i32
    %c0_i32_0 = arith.constant 0 : i32
    %c0_i32_1 = arith.constant 0 : i32
    return %c0_i32, %c0_i32_0 : i32, i32
  }
  func.func @transform_13(%arg0: i32) -> (i32, i32) {
    %c0_i32 = arith.constant 0 : i32
    %c0_i32_0 = arith.constant 0 : i32
    return %arg0, %c0_i32 : i32, i32
  }
}

module attributes {stable_mosaic.version = 14 : i64} {
  func.func @_output_kernel(%arg0: i32, %arg1: memref<1x1x2000xi32, #tpu.memory_space<vmem>>, %arg2: memref<2000x128xf32, #tpu.memory_space<vmem>>, %arg3: memref<128x512xf32, #tpu.memory_space<vmem>>, %arg4: memref<8x512xf32, #tpu.memory_space<vmem>>, %arg5: memref<512x1024xf32, #tpu.memory_space<vmem>>, %arg6: memref<8x1024xf32, #tpu.memory_space<vmem>>, %arg7: memref<16x1024xf32, #tpu.memory_space<vmem>>) attributes {dimension_semantics = [#tpu.dimension_semantics<arbitrary>], iteration_bounds = array<i64: 5>, scalar_prefetch = 0 : i64, scratch_operands = 0 : i64, tpu.core_type = #tpu.core_type<tc>, window_params = [{transform_indices = @transform_0, window_bounds = array<i64: 1, 1, 2000>}, {transform_indices = @transform_1, window_bounds = array<i64: 2000, 128>}, {pipeline_mode = #tpu.pipeline_mode<synchronous>, transform_indices = @transform_2, window_bounds = array<i64: 128, 512>}, {pipeline_mode = #tpu.pipeline_mode<synchronous>, transform_indices = @transform_3, window_bounds = array<i64: 8, 512>}, {pipeline_mode = #tpu.pipeline_mode<synchronous>, transform_indices = @transform_4, window_bounds = array<i64: 512, 1024>}, {pipeline_mode = #tpu.pipeline_mode<synchronous>, transform_indices = @transform_5, window_bounds = array<i64: 8, 1024>}, {pipeline_mode = #tpu.pipeline_mode<synchronous>, transform_indices = @transform_6, window_bounds = array<i64: 16, 1024>}]} {
    %eq3A = arith.constant 0 : i32
    %eq3A_0 = arith.cmpi eq, %arg0, %eq3A : i32
    %convert_element_type3A = arith.extui %eq3A_0 : i1 to i32
    %cond3A = arith.constant 0 : i32
    %cond3A_1 = arith.cmpi ne, %convert_element_type3A, %cond3A : i32
    scf.if %cond3A_1 {
      %broadcast_in_dim3A_316 = arith.constant 0xFF800000 : f32
      %broadcast_in_dim3A_317 = vector.broadcast %broadcast_in_dim3A_316 : f32 to vector<16x1024xf32>
      %swap3A_318 = arith.constant 0 : index
      %swap3A_319 = arith.constant 0 : index
      %swap3A_320 = vector.load %arg7[%swap3A_318, %swap3A_319] : memref<16x1024xf32, #tpu.memory_space<vmem>>, vector<16x1024xf32>
      tpu.vector_store %arg7[%swap3A_318, %swap3A_319], %broadcast_in_dim3A_317 {strides = array<i32>} : memref<16x1024xf32, #tpu.memory_space<vmem>>, vector<16x1024xf32>,
    } else {
    }
    %get3A = arith.constant 0 : index
    %get3A_2 = arith.constant 0 : index
    %get3A_3 = vector.load %arg2[%get3A, %get3A_2] : memref<2000x128xf32, #tpu.memory_space<vmem>>, vector<2000x128xf32>
    %get3A_4 = arith.constant 0 : index
    %get3A_5 = arith.constant 0 : index
    %get3A_6 = vector.load %arg3[%get3A_4, %get3A_5] : memref<128x512xf32, #tpu.memory_space<vmem>>, vector<128x512xf32>
    %dot_general3A = arith.constant dense<0.000000e+00> : vector<2000x512xf32>
    %dot_general3A_7 = tpu.matmul %get3A_3, %get3A_6, %dot_general3A {dimension_numbers = #tpu.dot_dimension_numbers<[1], [0], [0], [1], [0, 0, 1, 1], [], []>, transpose_lhs_hint = false} : vector<2000x128xf32>, vector<128x512xf32>, vector<2000x512xf32> -> vector<2000x512xf32>
    %get3A_8 = arith.constant 0 : index
    %get3A_9 = arith.constant 0 : index
    %get3A_10 = vector.load %arg4[%get3A_8, %get3A_9] : memref<8x512xf32, #tpu.memory_space<vmem>>, vector<1x512xf32>
    %add3A = vector.broadcast %get3A_10 : vector<1x512xf32> to vector<2000x512xf32>
    %add3A_11 = arith.addf %dot_general3A_7, %add3A : vector<2000x512xf32>
    %max3A = arith.constant 0.000000e+00 : f32
    %max3A_12 = vector.broadcast %max3A : f32 to vector<2000x512xf32>
    %max3A_13 = arith.maximumf %add3A_11, %max3A_12 : vector<2000x512xf32>
    %get3A_14 = arith.constant 0 : index
    %get3A_15 = arith.constant 0 : index
    %get3A_16 = vector.load %arg5[%get3A_14, %get3A_15] : memref<512x1024xf32, #tpu.memory_space<vmem>>, vector<512x1024xf32>
    %dot_general3A_17 = arith.constant dense<0.000000e+00> : vector<2000x1024xf32>
    %dot_general3A_18 = tpu.matmul %max3A_13, %get3A_16, %dot_general3A_17 {dimension_numbers = #tpu.dot_dimension_numbers<[1], [0], [0], [1], [0, 0, 1, 1], [], []>, transpose_lhs_hint = false} : vector<2000x512xf32>, vector<512x1024xf32>, vector<2000x1024xf32> -> vector<2000x1024xf32>
    %get3A_19 = arith.constant 0 : index
    %get3A_20 = arith.constant 0 : index
    %get3A_21 = vector.load %arg6[%get3A_19, %get3A_20] : memref<8x1024xf32, #tpu.memory_space<vmem>>, vector<1x1024xf32>
    %add3A_22 = vector.broadcast %get3A_21 : vector<1x1024xf32> to vector<2000x1024xf32>
    %add3A_23 = arith.addf %dot_general3A_18, %add3A_22 : vector<2000x1024xf32>
    %max3A_24 = arith.constant 0.000000e+00 : f32
    %max3A_25 = vector.broadcast %max3A_24 : f32 to vector<2000x1024xf32>
    %max3A_26 = arith.maximumf %add3A_23, %max3A_25 : vector<2000x1024xf32>
    %get3A_27 = arith.constant 0 : index
    %get3A_28 = arith.constant 0 : index
    %get3A_29 = arith.constant 0 : index
    %get3A_30 = vector.load %arg1[%get3A_27, %get3A_28, %get3A_29] : memref<1x1x2000xi32, #tpu.memory_space<vmem>>, vector<1x1x2000xi32>
    %get3A_31 = vector.shape_cast %get3A_30 : vector<1x1x2000xi32> to vector<2000xi32>
    %broadcast_in_dim3A = vector.shape_cast %get3A_31 : vector<2000xi32> to vector<2000x1xi32>
    %eq3A_32 = arith.constant 0 : i32
    %eq3A_33 = vector.broadcast %eq3A_32 : i32 to vector<2000x1xi32>
    %eq3A_34 = arith.cmpi eq, %broadcast_in_dim3A, %eq3A_33 : vector<2000x1xi32>
    %jit3A = arith.constant 0xFF800000 : f32
    %broadcast_in_dim3A_35 = vector.shape_cast %eq3A_34 : vector<2000x1xi1> to vector<2000x1xi1>
    %broadcast_in_dim3A_36 = vector.broadcast %broadcast_in_dim3A_35 : vector<2000x1xi1> to vector<2000x1024xi1>
    %broadcast_in_dim3A_37 = vector.broadcast %jit3A : f32 to vector<2000x1024xf32>
    %select_n3A = arith.select %broadcast_in_dim3A_36, %max3A_26, %broadcast_in_dim3A_37 : vector<2000x1024xi1>, vector<2000x1024xf32>
    %reduce_max3A = arith.constant dense<0xFF800000> : vector<1024xf32>
    %reduce_max3A_38 = vector.multi_reduction <maximumf>, %select_n3A, %reduce_max3A [0] : vector<2000x1024xf32> to vector<1024xf32>
    %get3A_39 = arith.constant 0 : index
    %get3A_40 = arith.constant 0 : index
    %get3A_41 = vector.load %arg7[%get3A_39, %get3A_40] : memref<16x1024xf32, #tpu.memory_space<vmem>>, vector<1x1024xf32>
    %broadcast_in_dim3A_42 = vector.shape_cast %reduce_max3A_38 : vector<1024xf32> to vector<1x1024xf32>
    %max3A_43 = arith.maximumf %get3A_41, %broadcast_in_dim3A_42 : vector<1x1024xf32>
    %swap3A = arith.constant 0 : index
    %swap3A_44 = arith.constant 0 : index
    %swap3A_45 = vector.load %arg7[%swap3A, %swap3A_44] : memref<16x1024xf32, #tpu.memory_space<vmem>>, vector<1x1024xf32>
    tpu.vector_store %arg7[%swap3A, %swap3A_44], %max3A_43 {strides = array<i32>} : memref<16x1024xf32, #tpu.memory_space<vmem>>, vector<1x1024xf32>,
    %eq3A_46 = arith.constant 1 : i32
    %eq3A_47 = vector.broadcast %eq3A_46 : i32 to vector<2000x1xi32>
    %eq3A_48 = arith.cmpi eq, %broadcast_in_dim3A, %eq3A_47 : vector<2000x1xi32>
    %jit3A_49 = arith.constant 0xFF800000 : f32
    %broadcast_in_dim3A_50 = vector.shape_cast %eq3A_48 : vector<2000x1xi1> to vector<2000x1xi1>
    %broadcast_in_dim3A_51 = vector.broadcast %broadcast_in_dim3A_50 : vector<2000x1xi1> to vector<2000x1024xi1>
    %broadcast_in_dim3A_52 = vector.broadcast %jit3A_49 : f32 to vector<2000x1024xf32>
    %select_n3A_53 = arith.select %broadcast_in_dim3A_51, %max3A_26, %broadcast_in_dim3A_52 : vector<2000x1024xi1>, vector<2000x1024xf32>
    %reduce_max3A_54 = arith.constant dense<0xFF800000> : vector<1024xf32>
    %reduce_max3A_55 = vector.multi_reduction <maximumf>, %select_n3A_53, %reduce_max3A_54 [0] : vector<2000x1024xf32> to vector<1024xf32>
    %get3A_56 = arith.constant 1 : index
    %get3A_57 = arith.constant 0 : index
    %get3A_58 = vector.load %arg7[%get3A_56, %get3A_57] : memref<16x1024xf32, #tpu.memory_space<vmem>>, vector<1x1024xf32>
    %broadcast_in_dim3A_59 = vector.shape_cast %reduce_max3A_55 : vector<1024xf32> to vector<1x1024xf32>
    %max3A_60 = arith.maximumf %get3A_58, %broadcast_in_dim3A_59 : vector<1x1024xf32>
    %swap3A_61 = arith.constant 1 : index
    %swap3A_62 = arith.constant 0 : index
    %swap3A_63 = vector.load %arg7[%swap3A_61, %swap3A_62] : memref<16x1024xf32, #tpu.memory_space<vmem>>, vector<1x1024xf32>
    tpu.vector_store %arg7[%swap3A_61, %swap3A_62], %max3A_60 {strides = array<i32>} : memref<16x1024xf32, #tpu.memory_space<vmem>>, vector<1x1024xf32>,
    %eq3A_64 = arith.constant 2 : i32
    %eq3A_65 = vector.broadcast %eq3A_64 : i32 to vector<2000x1xi32>
    %eq3A_66 = arith.cmpi eq, %broadcast_in_dim3A, %eq3A_65 : vector<2000x1xi32>
    %jit3A_67 = arith.constant 0xFF800000 : f32
    %broadcast_in_dim3A_68 = vector.shape_cast %eq3A_66 : vector<2000x1xi1> to vector<2000x1xi1>
    %broadcast_in_dim3A_69 = vector.broadcast %broadcast_in_dim3A_68 : vector<2000x1xi1> to vector<2000x1024xi1>
    %broadcast_in_dim3A_70 = vector.broadcast %jit3A_67 : f32 to vector<2000x1024xf32>
    %select_n3A_71 = arith.select %broadcast_in_dim3A_69, %max3A_26, %broadcast_in_dim3A_70 : vector<2000x1024xi1>, vector<2000x1024xf32>
    %reduce_max3A_72 = arith.constant dense<0xFF800000> : vector<1024xf32>
    %reduce_max3A_73 = vector.multi_reduction <maximumf>, %select_n3A_71, %reduce_max3A_72 [0] : vector<2000x1024xf32> to vector<1024xf32>
    %get3A_74 = arith.constant 2 : index
    %get3A_75 = arith.constant 0 : index
    %get3A_76 = vector.load %arg7[%get3A_74, %get3A_75] : memref<16x1024xf32, #tpu.memory_space<vmem>>, vector<1x1024xf32>
    %broadcast_in_dim3A_77 = vector.shape_cast %reduce_max3A_73 : vector<1024xf32> to vector<1x1024xf32>
    %max3A_78 = arith.maximumf %get3A_76, %broadcast_in_dim3A_77 : vector<1x1024xf32>
    %swap3A_79 = arith.constant 2 : index
    %swap3A_80 = arith.constant 0 : index
    %swap3A_81 = vector.load %arg7[%swap3A_79, %swap3A_80] : memref<16x1024xf32, #tpu.memory_space<vmem>>, vector<1x1024xf32>
    tpu.vector_store %arg7[%swap3A_79, %swap3A_80], %max3A_78 {strides = array<i32>} : memref<16x1024xf32, #tpu.memory_space<vmem>>, vector<1x1024xf32>,
    %eq3A_82 = arith.constant 3 : i32
    %eq3A_83 = vector.broadcast %eq3A_82 : i32 to vector<2000x1xi32>
    %eq3A_84 = arith.cmpi eq, %broadcast_in_dim3A, %eq3A_83 : vector<2000x1xi32>
    %jit3A_85 = arith.constant 0xFF800000 : f32
    %broadcast_in_dim3A_86 = vector.shape_cast %eq3A_84 : vector<2000x1xi1> to vector<2000x1xi1>
    %broadcast_in_dim3A_87 = vector.broadcast %broadcast_in_dim3A_86 : vector<2000x1xi1> to vector<2000x1024xi1>
    %broadcast_in_dim3A_88 = vector.broadcast %jit3A_85 : f32 to vector<2000x1024xf32>
    %select_n3A_89 = arith.select %broadcast_in_dim3A_87, %max3A_26, %broadcast_in_dim3A_88 : vector<2000x1024xi1>, vector<2000x1024xf32>
    %reduce_max3A_90 = arith.constant dense<0xFF800000> : vector<1024xf32>
    %reduce_max3A_91 = vector.multi_reduction <maximumf>, %select_n3A_89, %reduce_max3A_90 [0] : vector<2000x1024xf32> to vector<1024xf32>
    %get3A_92 = arith.constant 3 : index
    %get3A_93 = arith.constant 0 : index
    %get3A_94 = vector.load %arg7[%get3A_92, %get3A_93] : memref<16x1024xf32, #tpu.memory_space<vmem>>, vector<1x1024xf32>
    %broadcast_in_dim3A_95 = vector.shape_cast %reduce_max3A_91 : vector<1024xf32> to vector<1x1024xf32>
    %max3A_96 = arith.maximumf %get3A_94, %broadcast_in_dim3A_95 : vector<1x1024xf32>
    %swap3A_97 = arith.constant 3 : index
    %swap3A_98 = arith.constant 0 : index
    %swap3A_99 = vector.load %arg7[%swap3A_97, %swap3A_98] : memref<16x1024xf32, #tpu.memory_space<vmem>>, vector<1x1024xf32>
    tpu.vector_store %arg7[%swap3A_97, %swap3A_98], %max3A_96 {strides = array<i32>} : memref<16x1024xf32, #tpu.memory_space<vmem>>, vector<1x1024xf32>,
    %eq3A_100 = arith.constant 4 : i32
    %eq3A_101 = vector.broadcast %eq3A_100 : i32 to vector<2000x1xi32>
    %eq3A_102 = arith.cmpi eq, %broadcast_in_dim3A, %eq3A_101 : vector<2000x1xi32>
    %jit3A_103 = arith.constant 0xFF800000 : f32
    %broadcast_in_dim3A_104 = vector.shape_cast %eq3A_102 : vector<2000x1xi1> to vector<2000x1xi1>
    %broadcast_in_dim3A_105 = vector.broadcast %broadcast_in_dim3A_104 : vector<2000x1xi1> to vector<2000x1024xi1>
    %broadcast_in_dim3A_106 = vector.broadcast %jit3A_103 : f32 to vector<2000x1024xf32>
    %select_n3A_107 = arith.select %broadcast_in_dim3A_105, %max3A_26, %broadcast_in_dim3A_106 : vector<2000x1024xi1>, vector<2000x1024xf32>
    %reduce_max3A_108 = arith.constant dense<0xFF800000> : vector<1024xf32>
    %reduce_max3A_109 = vector.multi_reduction <maximumf>, %select_n3A_107, %reduce_max3A_108 [0] : vector<2000x1024xf32> to vector<1024xf32>
    %get3A_110 = arith.constant 4 : index
    %get3A_111 = arith.constant 0 : index
    %get3A_112 = vector.load %arg7[%get3A_110, %get3A_111] : memref<16x1024xf32, #tpu.memory_space<vmem>>, vector<1x1024xf32>
    %broadcast_in_dim3A_113 = vector.shape_cast %reduce_max3A_109 : vector<1024xf32> to vector<1x1024xf32>
    %max3A_114 = arith.maximumf %get3A_112, %broadcast_in_dim3A_113 : vector<1x1024xf32>
    %swap3A_115 = arith.constant 4 : index
    %swap3A_116 = arith.constant 0 : index
    %swap3A_117 = vector.load %arg7[%swap3A_115, %swap3A_116] : memref<16x1024xf32, #tpu.memory_space<vmem>>, vector<1x1024xf32>
    tpu.vector_store %arg7[%swap3A_115, %swap3A_116], %max3A_114 {strides = array<i32>} : memref<16x1024xf32, #tpu.memory_space<vmem>>, vector<1x1024xf32>,
    %eq3A_118 = arith.constant 5 : i32
    %eq3A_119 = vector.broadcast %eq3A_118 : i32 to vector<2000x1xi32>
    %eq3A_120 = arith.cmpi eq, %broadcast_in_dim3A, %eq3A_119 : vector<2000x1xi32>
    %jit3A_121 = arith.constant 0xFF800000 : f32
    %broadcast_in_dim3A_122 = vector.shape_cast %eq3A_120 : vector<2000x1xi1> to vector<2000x1xi1>
    %broadcast_in_dim3A_123 = vector.broadcast %broadcast_in_dim3A_122 : vector<2000x1xi1> to vector<2000x1024xi1>
    %broadcast_in_dim3A_124 = vector.broadcast %jit3A_121 : f32 to vector<2000x1024xf32>
    %select_n3A_125 = arith.select %broadcast_in_dim3A_123, %max3A_26, %broadcast_in_dim3A_124 : vector<2000x1024xi1>, vector<2000x1024xf32>
    %reduce_max3A_126 = arith.constant dense<0xFF800000> : vector<1024xf32>
    %reduce_max3A_127 = vector.multi_reduction <maximumf>, %select_n3A_125, %reduce_max3A_126 [0] : vector<2000x1024xf32> to vector<1024xf32>
    %get3A_128 = arith.constant 5 : index
    %get3A_129 = arith.constant 0 : index
    %get3A_130 = vector.load %arg7[%get3A_128, %get3A_129] : memref<16x1024xf32, #tpu.memory_space<vmem>>, vector<1x1024xf32>
    %broadcast_in_dim3A_131 = vector.shape_cast %reduce_max3A_127 : vector<1024xf32> to vector<1x1024xf32>
    %max3A_132 = arith.maximumf %get3A_130, %broadcast_in_dim3A_131 : vector<1x1024xf32>
    %swap3A_133 = arith.constant 5 : index
    %swap3A_134 = arith.constant 0 : index
    %swap3A_135 = vector.load %arg7[%swap3A_133, %swap3A_134] : memref<16x1024xf32, #tpu.memory_space<vmem>>, vector<1x1024xf32>
    tpu.vector_store %arg7[%swap3A_133, %swap3A_134], %max3A_132 {strides = array<i32>} : memref<16x1024xf32, #tpu.memory_space<vmem>>, vector<1x1024xf32>,
    %eq3A_136 = arith.constant 6 : i32
    %eq3A_137 = vector.broadcast %eq3A_136 : i32 to vector<2000x1xi32>
    %eq3A_138 = arith.cmpi eq, %broadcast_in_dim3A, %eq3A_137 : vector<2000x1xi32>
    %jit3A_139 = arith.constant 0xFF800000 : f32
    %broadcast_in_dim3A_140 = vector.shape_cast %eq3A_138 : vector<2000x1xi1> to vector<2000x1xi1>
    %broadcast_in_dim3A_141 = vector.broadcast %broadcast_in_dim3A_140 : vector<2000x1xi1> to vector<2000x1024xi1>
    %broadcast_in_dim3A_142 = vector.broadcast %jit3A_139 : f32 to vector<2000x1024xf32>
    %select_n3A_143 = arith.select %broadcast_in_dim3A_141, %max3A_26, %broadcast_in_dim3A_142 : vector<2000x1024xi1>, vector<2000x1024xf32>
    %reduce_max3A_144 = arith.constant dense<0xFF800000> : vector<1024xf32>
    %reduce_max3A_145 = vector.multi_reduction <maximumf>, %select_n3A_143, %reduce_max3A_144 [0] : vector<2000x1024xf32> to vector<1024xf32>
    %get3A_146 = arith.constant 6 : index
    %get3A_147 = arith.constant 0 : index
    %get3A_148 = vector.load %arg7[%get3A_146, %get3A_147] : memref<16x1024xf32, #tpu.memory_space<vmem>>, vector<1x1024xf32>
    %broadcast_in_dim3A_149 = vector.shape_cast %reduce_max3A_145 : vector<1024xf32> to vector<1x1024xf32>
    %max3A_150 = arith.maximumf %get3A_148, %broadcast_in_dim3A_149 : vector<1x1024xf32>
    %swap3A_151 = arith.constant 6 : index
    %swap3A_152 = arith.constant 0 : index
    %swap3A_153 = vector.load %arg7[%swap3A_151, %swap3A_152] : memref<16x1024xf32, #tpu.memory_space<vmem>>, vector<1x1024xf32>
    tpu.vector_store %arg7[%swap3A_151, %swap3A_152], %max3A_150 {strides = array<i32>} : memref<16x1024xf32, #tpu.memory_space<vmem>>, vector<1x1024xf32>,
    %eq3A_154 = arith.constant 7 : i32
    %eq3A_155 = vector.broadcast %eq3A_154 : i32 to vector<2000x1xi32>
    %eq3A_156 = arith.cmpi eq, %broadcast_in_dim3A, %eq3A_155 : vector<2000x1xi32>
    %jit3A_157 = arith.constant 0xFF800000 : f32
    %broadcast_in_dim3A_158 = vector.shape_cast %eq3A_156 : vector<2000x1xi1> to vector<2000x1xi1>
    %broadcast_in_dim3A_159 = vector.broadcast %broadcast_in_dim3A_158 : vector<2000x1xi1> to vector<2000x1024xi1>
    %broadcast_in_dim3A_160 = vector.broadcast %jit3A_157 : f32 to vector<2000x1024xf32>
    %select_n3A_161 = arith.select %broadcast_in_dim3A_159, %max3A_26, %broadcast_in_dim3A_160 : vector<2000x1024xi1>, vector<2000x1024xf32>
    %reduce_max3A_162 = arith.constant dense<0xFF800000> : vector<1024xf32>
    %reduce_max3A_163 = vector.multi_reduction <maximumf>, %select_n3A_161, %reduce_max3A_162 [0] : vector<2000x1024xf32> to vector<1024xf32>
    %get3A_164 = arith.constant 7 : index
    %get3A_165 = arith.constant 0 : index
    %get3A_166 = vector.load %arg7[%get3A_164, %get3A_165] : memref<16x1024xf32, #tpu.memory_space<vmem>>, vector<1x1024xf32>
    %broadcast_in_dim3A_167 = vector.shape_cast %reduce_max3A_163 : vector<1024xf32> to vector<1x1024xf32>
    %max3A_168 = arith.maximumf %get3A_166, %broadcast_in_dim3A_167 : vector<1x1024xf32>
    %swap3A_169 = arith.constant 7 : index
    %swap3A_170 = arith.constant 0 : index
    %swap3A_171 = vector.load %arg7[%swap3A_169, %swap3A_170] : memref<16x1024xf32, #tpu.memory_space<vmem>>, vector<1x1024xf32>
    tpu.vector_store %arg7[%swap3A_169, %swap3A_170], %max3A_168 {strides = array<i32>} : memref<16x1024xf32, #tpu.memory_space<vmem>>, vector<1x1024xf32>,
    %eq3A_172 = arith.constant 8 : i32
    %eq3A_173 = vector.broadcast %eq3A_172 : i32 to vector<2000x1xi32>
    %eq3A_174 = arith.cmpi eq, %broadcast_in_dim3A, %eq3A_173 : vector<2000x1xi32>
    %jit3A_175 = arith.constant 0xFF800000 : f32
    %broadcast_in_dim3A_176 = vector.shape_cast %eq3A_174 : vector<2000x1xi1> to vector<2000x1xi1>
    %broadcast_in_dim3A_177 = vector.broadcast %broadcast_in_dim3A_176 : vector<2000x1xi1> to vector<2000x1024xi1>
    %broadcast_in_dim3A_178 = vector.broadcast %jit3A_175 : f32 to vector<2000x1024xf32>
    %select_n3A_179 = arith.select %broadcast_in_dim3A_177, %max3A_26, %broadcast_in_dim3A_178 : vector<2000x1024xi1>, vector<2000x1024xf32>
    %reduce_max3A_180 = arith.constant dense<0xFF800000> : vector<1024xf32>
    %reduce_max3A_181 = vector.multi_reduction <maximumf>, %select_n3A_179, %reduce_max3A_180 [0] : vector<2000x1024xf32> to vector<1024xf32>
    %get3A_182 = arith.constant 8 : index
    %get3A_183 = arith.constant 0 : index
    %get3A_184 = vector.load %arg7[%get3A_182, %get3A_183] : memref<16x1024xf32, #tpu.memory_space<vmem>>, vector<1x1024xf32>
    %broadcast_in_dim3A_185 = vector.shape_cast %reduce_max3A_181 : vector<1024xf32> to vector<1x1024xf32>
    %max3A_186 = arith.maximumf %get3A_184, %broadcast_in_dim3A_185 : vector<1x1024xf32>
    %swap3A_187 = arith.constant 8 : index
    %swap3A_188 = arith.constant 0 : index
    %swap3A_189 = vector.load %arg7[%swap3A_187, %swap3A_188] : memref<16x1024xf32, #tpu.memory_space<vmem>>, vector<1x1024xf32>
    tpu.vector_store %arg7[%swap3A_187, %swap3A_188], %max3A_186 {strides = array<i32>} : memref<16x1024xf32, #tpu.memory_space<vmem>>, vector<1x1024xf32>,
    %eq3A_190 = arith.constant 9 : i32
    %eq3A_191 = vector.broadcast %eq3A_190 : i32 to vector<2000x1xi32>
    %eq3A_192 = arith.cmpi eq, %broadcast_in_dim3A, %eq3A_191 : vector<2000x1xi32>
    %jit3A_193 = arith.constant 0xFF800000 : f32
    %broadcast_in_dim3A_194 = vector.shape_cast %eq3A_192 : vector<2000x1xi1> to vector<2000x1xi1>
    %broadcast_in_dim3A_195 = vector.broadcast %broadcast_in_dim3A_194 : vector<2000x1xi1> to vector<2000x1024xi1>
    %broadcast_in_dim3A_196 = vector.broadcast %jit3A_193 : f32 to vector<2000x1024xf32>
    %select_n3A_197 = arith.select %broadcast_in_dim3A_195, %max3A_26, %broadcast_in_dim3A_196 : vector<2000x1024xi1>, vector<2000x1024xf32>
    %reduce_max3A_198 = arith.constant dense<0xFF800000> : vector<1024xf32>
    %reduce_max3A_199 = vector.multi_reduction <maximumf>, %select_n3A_197, %reduce_max3A_198 [0] : vector<2000x1024xf32> to vector<1024xf32>
    %get3A_200 = arith.constant 9 : index
    %get3A_201 = arith.constant 0 : index
    %get3A_202 = vector.load %arg7[%get3A_200, %get3A_201] : memref<16x1024xf32, #tpu.memory_space<vmem>>, vector<1x1024xf32>
    %broadcast_in_dim3A_203 = vector.shape_cast %reduce_max3A_199 : vector<1024xf32> to vector<1x1024xf32>
    %max3A_204 = arith.maximumf %get3A_202, %broadcast_in_dim3A_203 : vector<1x1024xf32>
    %swap3A_205 = arith.constant 9 : index
    %swap3A_206 = arith.constant 0 : index
    %swap3A_207 = vector.load %arg7[%swap3A_205, %swap3A_206] : memref<16x1024xf32, #tpu.memory_space<vmem>>, vector<1x1024xf32>
    tpu.vector_store %arg7[%swap3A_205, %swap3A_206], %max3A_204 {strides = array<i32>} : memref<16x1024xf32, #tpu.memory_space<vmem>>, vector<1x1024xf32>,
    %eq3A_208 = arith.constant 10 : i32
    %eq3A_209 = vector.broadcast %eq3A_208 : i32 to vector<2000x1xi32>
    %eq3A_210 = arith.cmpi eq, %broadcast_in_dim3A, %eq3A_209 : vector<2000x1xi32>
    %jit3A_211 = arith.constant 0xFF800000 : f32
    %broadcast_in_dim3A_212 = vector.shape_cast %eq3A_210 : vector<2000x1xi1> to vector<2000x1xi1>
    %broadcast_in_dim3A_213 = vector.broadcast %broadcast_in_dim3A_212 : vector<2000x1xi1> to vector<2000x1024xi1>
    %broadcast_in_dim3A_214 = vector.broadcast %jit3A_211 : f32 to vector<2000x1024xf32>
    %select_n3A_215 = arith.select %broadcast_in_dim3A_213, %max3A_26, %broadcast_in_dim3A_214 : vector<2000x1024xi1>, vector<2000x1024xf32>
    %reduce_max3A_216 = arith.constant dense<0xFF800000> : vector<1024xf32>
    %reduce_max3A_217 = vector.multi_reduction <maximumf>, %select_n3A_215, %reduce_max3A_216 [0] : vector<2000x1024xf32> to vector<1024xf32>
    %get3A_218 = arith.constant 10 : index
    %get3A_219 = arith.constant 0 : index
    %get3A_220 = vector.load %arg7[%get3A_218, %get3A_219] : memref<16x1024xf32, #tpu.memory_space<vmem>>, vector<1x1024xf32>
    %broadcast_in_dim3A_221 = vector.shape_cast %reduce_max3A_217 : vector<1024xf32> to vector<1x1024xf32>
    %max3A_222 = arith.maximumf %get3A_220, %broadcast_in_dim3A_221 : vector<1x1024xf32>
    %swap3A_223 = arith.constant 10 : index
    %swap3A_224 = arith.constant 0 : index
    %swap3A_225 = vector.load %arg7[%swap3A_223, %swap3A_224] : memref<16x1024xf32, #tpu.memory_space<vmem>>, vector<1x1024xf32>
    tpu.vector_store %arg7[%swap3A_223, %swap3A_224], %max3A_222 {strides = array<i32>} : memref<16x1024xf32, #tpu.memory_space<vmem>>, vector<1x1024xf32>,
    %eq3A_226 = arith.constant 11 : i32
    %eq3A_227 = vector.broadcast %eq3A_226 : i32 to vector<2000x1xi32>
    %eq3A_228 = arith.cmpi eq, %broadcast_in_dim3A, %eq3A_227 : vector<2000x1xi32>
    %jit3A_229 = arith.constant 0xFF800000 : f32
    %broadcast_in_dim3A_230 = vector.shape_cast %eq3A_228 : vector<2000x1xi1> to vector<2000x1xi1>
    %broadcast_in_dim3A_231 = vector.broadcast %broadcast_in_dim3A_230 : vector<2000x1xi1> to vector<2000x1024xi1>
    %broadcast_in_dim3A_232 = vector.broadcast %jit3A_229 : f32 to vector<2000x1024xf32>
    %select_n3A_233 = arith.select %broadcast_in_dim3A_231, %max3A_26, %broadcast_in_dim3A_232 : vector<2000x1024xi1>, vector<2000x1024xf32>
    %reduce_max3A_234 = arith.constant dense<0xFF800000> : vector<1024xf32>
    %reduce_max3A_235 = vector.multi_reduction <maximumf>, %select_n3A_233, %reduce_max3A_234 [0] : vector<2000x1024xf32> to vector<1024xf32>
    %get3A_236 = arith.constant 11 : index
    %get3A_237 = arith.constant 0 : index
    %get3A_238 = vector.load %arg7[%get3A_236, %get3A_237] : memref<16x1024xf32, #tpu.memory_space<vmem>>, vector<1x1024xf32>
    %broadcast_in_dim3A_239 = vector.shape_cast %reduce_max3A_235 : vector<1024xf32> to vector<1x1024xf32>
    %max3A_240 = arith.maximumf %get3A_238, %broadcast_in_dim3A_239 : vector<1x1024xf32>
    %swap3A_241 = arith.constant 11 : index
    %swap3A_242 = arith.constant 0 : index
    %swap3A_243 = vector.load %arg7[%swap3A_241, %swap3A_242] : memref<16x1024xf32, #tpu.memory_space<vmem>>, vector<1x1024xf32>
    tpu.vector_store %arg7[%swap3A_241, %swap3A_242], %max3A_240 {strides = array<i32>} : memref<16x1024xf32, #tpu.memory_space<vmem>>, vector<1x1024xf32>,
    %eq3A_244 = arith.constant 12 : i32
    %eq3A_245 = vector.broadcast %eq3A_244 : i32 to vector<2000x1xi32>
    %eq3A_246 = arith.cmpi eq, %broadcast_in_dim3A, %eq3A_245 : vector<2000x1xi32>
    %jit3A_247 = arith.constant 0xFF800000 : f32
    %broadcast_in_dim3A_248 = vector.shape_cast %eq3A_246 : vector<2000x1xi1> to vector<2000x1xi1>
    %broadcast_in_dim3A_249 = vector.broadcast %broadcast_in_dim3A_248 : vector<2000x1xi1> to vector<2000x1024xi1>
    %broadcast_in_dim3A_250 = vector.broadcast %jit3A_247 : f32 to vector<2000x1024xf32>
    %select_n3A_251 = arith.select %broadcast_in_dim3A_249, %max3A_26, %broadcast_in_dim3A_250 : vector<2000x1024xi1>, vector<2000x1024xf32>
    %reduce_max3A_252 = arith.constant dense<0xFF800000> : vector<1024xf32>
    %reduce_max3A_253 = vector.multi_reduction <maximumf>, %select_n3A_251, %reduce_max3A_252 [0] : vector<2000x1024xf32> to vector<1024xf32>
    %get3A_254 = arith.constant 12 : index
    %get3A_255 = arith.constant 0 : index
    %get3A_256 = vector.load %arg7[%get3A_254, %get3A_255] : memref<16x1024xf32, #tpu.memory_space<vmem>>, vector<1x1024xf32>
    %broadcast_in_dim3A_257 = vector.shape_cast %reduce_max3A_253 : vector<1024xf32> to vector<1x1024xf32>
    %max3A_258 = arith.maximumf %get3A_256, %broadcast_in_dim3A_257 : vector<1x1024xf32>
    %swap3A_259 = arith.constant 12 : index
    %swap3A_260 = arith.constant 0 : index
    %swap3A_261 = vector.load %arg7[%swap3A_259, %swap3A_260] : memref<16x1024xf32, #tpu.memory_space<vmem>>, vector<1x1024xf32>
    tpu.vector_store %arg7[%swap3A_259, %swap3A_260], %max3A_258 {strides = array<i32>} : memref<16x1024xf32, #tpu.memory_space<vmem>>, vector<1x1024xf32>,
    %eq3A_262 = arith.constant 13 : i32
    %eq3A_263 = vector.broadcast %eq3A_262 : i32 to vector<2000x1xi32>
    %eq3A_264 = arith.cmpi eq, %broadcast_in_dim3A, %eq3A_263 : vector<2000x1xi32>
    %jit3A_265 = arith.constant 0xFF800000 : f32
    %broadcast_in_dim3A_266 = vector.shape_cast %eq3A_264 : vector<2000x1xi1> to vector<2000x1xi1>
    %broadcast_in_dim3A_267 = vector.broadcast %broadcast_in_dim3A_266 : vector<2000x1xi1> to vector<2000x1024xi1>
    %broadcast_in_dim3A_268 = vector.broadcast %jit3A_265 : f32 to vector<2000x1024xf32>
    %select_n3A_269 = arith.select %broadcast_in_dim3A_267, %max3A_26, %broadcast_in_dim3A_268 : vector<2000x1024xi1>, vector<2000x1024xf32>
    %reduce_max3A_270 = arith.constant dense<0xFF800000> : vector<1024xf32>
    %reduce_max3A_271 = vector.multi_reduction <maximumf>, %select_n3A_269, %reduce_max3A_270 [0] : vector<2000x1024xf32> to vector<1024xf32>
    %get3A_272 = arith.constant 13 : index
    %get3A_273 = arith.constant 0 : index
    %get3A_274 = vector.load %arg7[%get3A_272, %get3A_273] : memref<16x1024xf32, #tpu.memory_space<vmem>>, vector<1x1024xf32>
    %broadcast_in_dim3A_275 = vector.shape_cast %reduce_max3A_271 : vector<1024xf32> to vector<1x1024xf32>
    %max3A_276 = arith.maximumf %get3A_274, %broadcast_in_dim3A_275 : vector<1x1024xf32>
    %swap3A_277 = arith.constant 13 : index
    %swap3A_278 = arith.constant 0 : index
    %swap3A_279 = vector.load %arg7[%swap3A_277, %swap3A_278] : memref<16x1024xf32, #tpu.memory_space<vmem>>, vector<1x1024xf32>
    tpu.vector_store %arg7[%swap3A_277, %swap3A_278], %max3A_276 {strides = array<i32>} : memref<16x1024xf32, #tpu.memory_space<vmem>>, vector<1x1024xf32>,
    %eq3A_280 = arith.constant 14 : i32
    %eq3A_281 = vector.broadcast %eq3A_280 : i32 to vector<2000x1xi32>
    %eq3A_282 = arith.cmpi eq, %broadcast_in_dim3A, %eq3A_281 : vector<2000x1xi32>
    %jit3A_283 = arith.constant 0xFF800000 : f32
    %broadcast_in_dim3A_284 = vector.shape_cast %eq3A_282 : vector<2000x1xi1> to vector<2000x1xi1>
    %broadcast_in_dim3A_285 = vector.broadcast %broadcast_in_dim3A_284 : vector<2000x1xi1> to vector<2000x1024xi1>
    %broadcast_in_dim3A_286 = vector.broadcast %jit3A_283 : f32 to vector<2000x1024xf32>
    %select_n3A_287 = arith.select %broadcast_in_dim3A_285, %max3A_26, %broadcast_in_dim3A_286 : vector<2000x1024xi1>, vector<2000x1024xf32>
    %reduce_max3A_288 = arith.constant dense<0xFF800000> : vector<1024xf32>
    %reduce_max3A_289 = vector.multi_reduction <maximumf>, %select_n3A_287, %reduce_max3A_288 [0] : vector<2000x1024xf32> to vector<1024xf32>
    %get3A_290 = arith.constant 14 : index
    %get3A_291 = arith.constant 0 : index
    %get3A_292 = vector.load %arg7[%get3A_290, %get3A_291] : memref<16x1024xf32, #tpu.memory_space<vmem>>, vector<1x1024xf32>
    %broadcast_in_dim3A_293 = vector.shape_cast %reduce_max3A_289 : vector<1024xf32> to vector<1x1024xf32>
    %max3A_294 = arith.maximumf %get3A_292, %broadcast_in_dim3A_293 : vector<1x1024xf32>
    %swap3A_295 = arith.constant 14 : index
    %swap3A_296 = arith.constant 0 : index
    %swap3A_297 = vector.load %arg7[%swap3A_295, %swap3A_296] : memref<16x1024xf32, #tpu.memory_space<vmem>>, vector<1x1024xf32>
    tpu.vector_store %arg7[%swap3A_295, %swap3A_296], %max3A_294 {strides = array<i32>} : memref<16x1024xf32, #tpu.memory_space<vmem>>, vector<1x1024xf32>,
    %eq3A_298 = arith.constant 15 : i32
    %eq3A_299 = vector.broadcast %eq3A_298 : i32 to vector<2000x1xi32>
    %eq3A_300 = arith.cmpi eq, %broadcast_in_dim3A, %eq3A_299 : vector<2000x1xi32>
    %jit3A_301 = arith.constant 0xFF800000 : f32
    %broadcast_in_dim3A_302 = vector.shape_cast %eq3A_300 : vector<2000x1xi1> to vector<2000x1xi1>
    %broadcast_in_dim3A_303 = vector.broadcast %broadcast_in_dim3A_302 : vector<2000x1xi1> to vector<2000x1024xi1>
    %broadcast_in_dim3A_304 = vector.broadcast %jit3A_301 : f32 to vector<2000x1024xf32>
    %select_n3A_305 = arith.select %broadcast_in_dim3A_303, %max3A_26, %broadcast_in_dim3A_304 : vector<2000x1024xi1>, vector<2000x1024xf32>
    %reduce_max3A_306 = arith.constant dense<0xFF800000> : vector<1024xf32>
    %reduce_max3A_307 = vector.multi_reduction <maximumf>, %select_n3A_305, %reduce_max3A_306 [0] : vector<2000x1024xf32> to vector<1024xf32>
    %get3A_308 = arith.constant 15 : index
    %get3A_309 = arith.constant 0 : index
    %get3A_310 = vector.load %arg7[%get3A_308, %get3A_309] : memref<16x1024xf32, #tpu.memory_space<vmem>>, vector<1x1024xf32>
    %broadcast_in_dim3A_311 = vector.shape_cast %reduce_max3A_307 : vector<1024xf32> to vector<1x1024xf32>
    %max3A_312 = arith.maximumf %get3A_310, %broadcast_in_dim3A_311 : vector<1x1024xf32>
    %swap3A_313 = arith.constant 15 : index
    %swap3A_314 = arith.constant 0 : index
    %swap3A_315 = vector.load %arg7[%swap3A_313, %swap3A_314] : memref<16x1024xf32, #tpu.memory_space<vmem>>, vector<1x1024xf32>
    tpu.vector_store %arg7[%swap3A_313, %swap3A_314], %max3A_312 {strides = array<i32>} : memref<16x1024xf32, #tpu.memory_space<vmem>>, vector<1x1024xf32>,
    return
  }
  func.func @transform_0(%arg0: i32) -> (i32, i32, i32) {
    %c0_i32 = arith.constant 0 : i32
    %c0_i32_0 = arith.constant 0 : i32
    %c0_i32_1 = arith.constant 0 : i32
    return %arg0, %c0_i32, %c0_i32_0 : i32, i32, i32
  }
  func.func @transform_1(%arg0: i32) -> (i32, i32) {
    %c0_i32 = arith.constant 0 : i32
    %c0_i32_0 = arith.constant 0 : i32
    return %arg0, %c0_i32 : i32, i32
  }
  func.func @transform_2(%arg0: i32) -> (i32, i32) {
    %c0_i32 = arith.constant 0 : i32
    %c0_i32_0 = arith.constant 0 : i32
    %c0_i32_1 = arith.constant 0 : i32
    return %c0_i32, %c0_i32_0 : i32, i32
  }
  func.func @transform_3(%arg0: i32) -> (i32, i32) {
    %c0_i32 = arith.constant 0 : i32
    %c0_i32_0 = arith.constant 0 : i32
    %c0_i32_1 = arith.constant 0 : i32
    return %c0_i32, %c0_i32_0 : i32, i32
  }
  func.func @transform_4(%arg0: i32) -> (i32, i32) {
    %c0_i32 = arith.constant 0 : i32
    %c0_i32_0 = arith.constant 0 : i32
    %c0_i32_1 = arith.constant 0 : i32
    return %c0_i32, %c0_i32_0 : i32, i32
  }
  func.func @transform_5(%arg0: i32) -> (i32, i32) {
    %c0_i32 = arith.constant 0 : i32
    %c0_i32_0 = arith.constant 0 : i32
    %c0_i32_1 = arith.constant 0 : i32
    return %c0_i32, %c0_i32_0 : i32, i32
  }
  func.func @transform_6(%arg0: i32) -> (i32, i32) {
    %c0_i32 = arith.constant 0 : i32
    %c0_i32_0 = arith.constant 0 : i32
    %c0_i32_1 = arith.constant 0 : i32
    return %c0_i32, %c0_i32_0 : i32, i32
  }
}

</mosaic_0001>

<sc_bundles>
// kernel: kernel.13.cloned.1.call-start
scs
__scs_entry_jumppad:
0x0: {  	(pc) =	sbr.rel $0x88, $3  }
0x1: {  	(tag) =	ssettag $0x0;
	lr =	simm.s32 $0x1  }
0x2: {  	[smem:$0x3F85] =	sst lr;
	_ =	strace $0xD0000000  }
0x3: {  	_ = 	snop  }
0x4: {  	_ = 	snop  }
0x5: {  	_ = 	snop  }
0x6: {  	_ = 	snop  }
0x7: {  	_ = 	snop  }
__scs_overlays_trampoline_lowered:
0x8: {  	[smem:$0x3F94] =	sst s0  }
0x9: {  	[smem:$0x3F95] =	sst s1  }
0xa: {  	[smem:$0x3F96] =	sst s2  }
0xb: {  	[smem:$0x3F97] =	sst s3  }
0xc: {  	[smem:$0x3F98] =	sst s4  }
0xd: {  	[smem:$0x3F99] =	sst s5  }
0xe: {  	[smem:$0x3F9A] =	sst s6  }
0xf: {  	[smem:$0x3F9B] =	sst s7  }
0x10: {  	[smem:$0x3F9C] =	sst s8  }
0x11: {  	[smem:$0x3F9D] =	sst s9;
	s0 =	simm.s32 @!p0 $0x0  }
0x12: {  	s1 =	sld [smem:$0x3F83];
	s0 =	simm.s32 @p0 $0x1  }
0x13: {  	[smem:$0x3F9E] =	sst s0;
	s0 =	simm.s32 @!p1 $0x0  }
0x14: {  	s2 =	sld [smem:$0x3F82];
	s0 =	simm.s32 @p1 $0x1  }
0x15: {  	[smem:$0x3F9F] =	sst s0;
	s0 =	simm.s32 @!p2 $0x0  }
0x16: {  	s3 =	sld [smem:$0x3FDB];
	s0 =	simm.s32 @p2 $0x1  }
0x17: {  	s4 =	simm.s32 $0x1BF5;
	[smem:$0x3FA1] =	sst s0  }
0x18: {  	s0 =	sld [smem:$0x3F84];
	_ =	swait.ge [sflag:s4], $0x0  }
0x19: {  	s7 =	sld [smem:$0x3F85]  }
0x1a: {  	s8 =	sadd.s32 $0xFFFFE003, lr  }
0x1b: {  	s9 =	sadd.s32 $0xFFFFFEF7, lr;
	s5 =	simm.s32 $0xFFFFFFFF;
	p2 =	slt.u32 s8, $0xFFFFF086  }
0x1c: {  	p1 =	slt.u32 s9, $0xF7A;
	s5 =	simm.s32 @!p2 $0x0  }
0x1d: {  	s5 =	simm.s32 @p1 $0x1;
	p0 =	seq.s32 s7, s2  }
0x1e: {  	s7 =	smul.u32 @!p0 $0xF7A, s2;
	p2 =	seq.s32 @!p0 s5, $0x0  }
0x1f: {  	s9 =	smul.u32 $0xF7A, s1;
	s8 =	simm.s32 @!p0 $0x1BF5;
	p2 =	por !p2, p0  }
0x20: {  	[sflag:s8] =	ssyncset.s32 @!p0 $0xFFFFF086;
	s6 =	sadd.s32 @!p0 s3, s7;
	s7 =	simm.s32 @!p0 $0x108  }
0x21: {  	s3 =	sadd.s32 s3, s9;
	s6 =	sadd.s32 @!p0 $0x88, s6;
	s7 =	simm.s32 @p2 $0x1082  }
0x22: {  	[simem:s7], [sflag:s8] =	dma.local @!p0 [hbm:s6], $0xF7A  }
0x23: {  	s9 =	sor.u32 $0xD0000000, s2;
	s6 =	simm.s32 $0x108;
	_ =	swait.ge @!p0 [sflag:s8], $0x0  }
0x24: {  	s3 =	sadd.s32 $0x88, s3;
	s6 =	simm.s32 @!p1 $0x1082;
	[sflag:s4] =	ssyncset.s32 $0xFFFFF086  }
0x25: {  	[simem:s6], [sflag:s4] =	dma.local [hbm:s3], $0xF7A  }
0x26: {  	[smem:$0x3F85] =	sst s1;
	(tag) =	ssettag s2;
	_ =	strace s9  }
0x27: {  	s1 =	sld [smem:$0x3F95]  }
0x28: {  	s2 =	sld [smem:$0x3F96]  }
0x29: {  	s4 =	sld [smem:$0x3F98]  }
0x2a: {  	p0 =	seq.s32 s5, $0x0;
	s5 =	sld [smem:$0x3F99]  }
0x2b: {  	s6 =	sld [smem:$0x3F9A]  }
0x2c: {  	s7 =	sld [smem:$0x3F9B]  }
0x2d: {  	s3 =	simm.s32 $0x108;
	s8 =	sld [smem:$0x3F9C]  }
0x2e: {  	s3 =	simm.s32 @!p0 $0x1082;
	s9 =	sld [smem:$0x3F9D]  }
0x2f: {  	lr =	sadd.s32 s0, s3;
	s0 =	sld [smem:$0x3F94]  }
0x30: {  	s3 =	sld [smem:$0x3F97]  }
0x31: {  	[smem:$0x3FA0] =	sst s10  }
0x32: {  	s10 =	sld [smem:$0x3F9E];
	_ =	sdelay $0x3  }
0x33: {  	p0 =	seq.s32 s10, $0x1;
	s10 =	sld [smem:$0x3FA0];
	_ =	sdelay $0x3  }
0x34: {  	[smem:$0x3FA0] =	sst s10  }
0x35: {  	s10 =	sld [smem:$0x3F9F];
	_ =	sdelay $0x3  }
0x36: {  	p1 =	seq.s32 s10, $0x1;
	s10 =	sld [smem:$0x3FA0];
	_ =	sdelay $0x3  }
0x37: {  	[smem:$0x3FA0] =	sst s10  }
0x38: {  	s10 =	sld [smem:$0x3FA1]  }
0x39: {  	_ = 	snop;
	(pc) =	sbr.ind lr, $3  }
0x3a: {  	_ = 	snop  }
0x3b: {  	_ = 	snop  }
0x3c: {  	p2 =	seq.s32 s10, $0x1;
	s10 =	sld [smem:$0x3FA0]  }
0x3d: {  	_ =	shalt  }
0x3e: {  	_ =	shalt  }
0x3f: {  	_ =	shalt  }
0x40: {  	_ =	shalt  }
0x41: {  	_ =	shalt  }
0x42: {  	_ =	shalt  }
0x43: {  	_ =	shalt  }
0x44: {  	_ =	shalt  }
0x45: {  	_ =	shalt  }
0x46: {  	_ =	shalt  }
0x47: {  	_ =	shalt  }
0x48: {  	_ =	shalt  }
0x49: {  	_ =	shalt  }
0x4a: {  	_ =	shalt  }
0x4b: {  	_ =	shalt  }
0x4c: {  	_ =	shalt  }
0x4d: {  	_ =	shalt  }
0x4e: {  	_ =	shalt  }
0x4f: {  	_ =	shalt  }
0x50: {  	_ =	shalt  }
0x51: {  	_ =	shalt  }
0x52: {  	_ =	shalt  }
0x53: {  	_ =	shalt  }
0x54: {  	_ =	shalt  }
0x55: {  	_ =	shalt  }
0x56: {  	_ =	shalt  }
0x57: {  	_ =	shalt  }
0x58: {  	_ =	shalt  }
0x59: {  	_ =	shalt  }
0x5a: {  	_ =	shalt  }
0x5b: {  	_ =	shalt  }
0x5c: {  	_ =	shalt  }
0x5d: {  	_ =	shalt  }
0x5e: {  	_ =	shalt  }
0x5f: {  	_ =	shalt  }
0x60: {  	_ =	shalt  }
0x61: {  	_ =	shalt  }
0x62: {  	_ =	shalt  }
0x63: {  	_ =	shalt  }
0x64: {  	_ =	shalt  }
0x65: {  	_ =	shalt  }
0x66: {  	_ =	shalt  }
0x67: {  	_ =	shalt  }
0x68: {  	_ =	shalt  }
0x69: {  	_ =	shalt  }
0x6a: {  	_ =	shalt  }
0x6b: {  	_ =	shalt  }
0x6c: {  	_ =	shalt  }
0x6d: {  	_ =	shalt  }
0x6e: {  	_ =	shalt  }
0x6f: {  	_ =	shalt  }
0x70: {  	_ =	shalt  }
0x71: {  	_ =	shalt  }
0x72: {  	_ =	shalt  }
0x73: {  	_ =	shalt  }
0x74: {  	_ =	shalt  }
0x75: {  	_ =	shalt  }
0x76: {  	_ =	shalt  }
0x77: {  	_ =	shalt  }
0x78: {  	_ =	shalt  }
0x79: {  	_ =	shalt  }
0x7a: {  	_ =	shalt  }
0x7b: {  	_ =	shalt  }
0x7c: {  	_ =	shalt  }
0x7d: {  	_ =	shalt  }
0x7e: {  	_ =	shalt  }
0x7f: {  	_ =	shalt  }
0x80: {  	_ =	shalt  }
0x81: {  	_ =	shalt  }
0x82: {  	_ =	shalt  }
0x83: {  	_ =	shalt  }
0x84: {  	_ =	shalt  }
0x85: {  	_ =	shalt  }
0x86: {  	_ =	shalt  }
0x87: {  	_ =	shalt  }
.Lfunc_end0:
.L_simem_size_0:
called_computation_lowered:
.L_overlay_start_0:
0x88: {  	s2 =	sld [smem:$0x3FD9]  }
0x89: {  	s3 =	sld [smem:$0x3FFE];
	_ =	sdelay $0x1  }
0x8a: {  	s1 =	srdreg.scid  }
0x8b: {  	s0 =	sand.u32 $0x1, s1  }
0x8c: {  	s17 =	sshll.u32 s0, $0xA;
	s2 =	sadd.s32 s3, s2  }
0x8d: {  	s2 =	sadd.s32 s2, s17  }
0x8e: {  	[smem:$0x3FAC] =	sst s2  }
0x8f: {  	_ = 	snop  }
0x90: {  	s2 =	sld [smem:$0x3FD0];
	(tm) =	ssettm $0x1  }
0x91: {  	s18 =	sld [smem:$0x3FFB];
	_ =	sdelay $0x3  }
0x92: {  	_ =	strace s18  }
0x93: {  	s3 =	sld [smem:$0x3FFC];
	_ =	sdelay $0x3  }
0x94: {  	_ =	strace s3  }
0x95: {  	s3 =	sld [smem:$0x3FFD];
	_ =	sdelay $0x3  }
0x96: {  	_ =	strace s3  }
0x97: {  	_ =	strace $0x8FFFFFFF  }
0x98: {  	s19 =	sld [smem:$0x3FDB];
	_ =	sdelay $0x1  }
0x99: {  	s4 =	simm.s32 $_scs_section_size  }
0x9a: {  	s5 =	simm.s32 $_size__tile_overlayer_lowered;
	s6 =	simm.s32 $_tile_overlayer_lowered  }
0x9b: {  	s22 =	simm.s32 $0x1BFF;
	s21 =	sshll.u32 s6, $0x1;
	s3 =	sadd.s32 s4, s19  }
0x9c: {  	s7 =	simm.s32 $0x0;
	s20 =	sshll.u32 s5, $0x1;
	s5 =	sadd.s32 s21, s3  }
0x9d: {  	[timem:s7], [sflag:s22] =	dma.local [hbm:s5], s20  }
0x9e: {  	_ =	swait.ge [sflag:s22], s20  }
0x9f: {  	s4 =	ssub.s32 $0x0, s20;
	[sflag:s22] =	ssyncset.done $0x0  }
0xa0: {  	[sflag:s22] =	ssyncadd.s32 s4;
	_ =	sdelay $0x1  }
0xa1: {  	s23 =	simm.s32 $0x1B8B  }
0xa2: {  	_ =	swait.ge [sflag:s23], $0x1  }
0xa3: {  	[sflag:s23] =	ssyncset.done $0x0  }
0xa4: {  	s25 =	simm.s32 $0x1B8E;
	s24 =	sld [smem:$0x3FFE];
	[sflag:s23] =	ssyncadd.s32 $0xFFFFFFFF  }
0xa5: {  	s26 =	simm.s32 $execute0_lowered;
	[smem:$0x3FD2] =	sst s25  }
0xa6: {  	s5 =	sshll.u32 s26, $0x1;
	_ =	strace $0x80000046;
	[dreg:$0x1] =	wrdreg $0xFFFFFFFF  }
0xa7: {  	s28 =	simm.s32 $_size_execute0_lowered;
	s3 =	sadd.s32 s3, s5;
	[dreg:$0x0] =	wrdreg $0x0  }
0xa8: {  	s5 =	sshll.u32 s28, $0x1;
	[dreg:$0x2] =	wrdreg s3  }
0xa9: {  	[dreg:$0x3] =	wrdreg s5  }
0xaa: {  	[dreg:$0x4] =	wrdreg $0xC0  }
0xab: {  	_ =	task [dreg:s7], $0x5FFFF  }
0xac: {  	[dreg:$0x1] =	wrdreg $0xFFFFFFFF  }
0xad: {  	[dreg:$0x0] =	wrdreg $0x60  }
0xae: {  	[dreg:$0x2] =	wrdreg s24  }
0xaf: {  	[dreg:$0x3] =	wrdreg s2  }
0xb0: {  	[dreg:$0x4] =	wrdreg $0x9  }
0xb1: {  	_ =	task.clear_ibuf [dreg:s7], $0x5FFFF;
	_ =	strace $0x90000046  }
0xb2: {  	s29 =	simm.s32 $0x9;
	_ =	strace $0x80000048  }
0xb3: {  	_ =	swait.ge [sflag:s29], $0x1  }
0xb4: {  	[sflag:s29] =	ssyncadd.s32 $0xFFFFFFFF  }
0xb5: {  	_ =	strace $0x90000048  }
0xb6: {  	_ =	sfence  }
0xb7: {  	s30 =	sld [smem:$0x0];
	_ =	sdelay $0x2  }
0xb8: {  	s31 =	sshll.u32 s1, $0xD;
	s1 =	sshrl.u32 s1, $0x2  }
0xb9: {  	s3 =	sand.u32 $0x4000, s31;
	s1 =	sadd.s32 s1, s30  }
0xba: {  	s0 =	sor.u32 s3, s0;
	s1 =	sshll.u32 s1, $0x11  }
0xbb: {  	s0 =	sor.u32 s1, s0  }
0xbc: {  	s0 =	sadd.s32 $0x8F2B, s0  }
0xbd: {  	[sflag:s0] =	ssyncadd.remote.s32 $0x1  }
0xbe: {  	_ =	sfence.sel $0xFFFF  }
0xbf: {  	[dreg:$0x0] =	wrdreg $0xFFFFFFFF;
	(pc) =	sbr.abs _section_cstart, $3  }
0xc0: {  	[dreg:$0x1] =	wrdreg $0xFFFFFFFF  }
0xc1: {  	_ =	task.clear_ibuf [dreg:s7], $0x2FFFF;
	_ =	strace $0x9FFFFFFF  }
0xc2: {  	(tm) =	ssettm $0x7FFFFFFF  }
0xc3: {  	_ =	shalt  }
tec
execute0_lowered:
.L_overlay_start_1:
0x0: {  	(tag) =	ssettag $0x1  }
0x1: {  	s4 =	rddreg [dreg:$0x0]  }
0x2: {  	s6 =	rddreg [dreg:$0x1]  }
0x3: {  	s0 =	rddreg [dreg:$0x2];
	s1 =	simm.s32 $0x0;
	s2 =	srdreg.scid  }
0x4: {  	s10 =	simm.s32 $0x1;
	s11 =	simm.s32 $0x0;
	[smem:$0x7FF] =	sst s1  }
0x5: {  	s5 =	sand.u32 $0x1, s2;
	s2 =	stileid.u32;
	s3 =	sadd.s32 $0xC000, s4  }
.Ltmp0:
0x6: {  	_ =	strace $0x80000047;
	s7 =	ssub.s32 $0x2, s5;
	(pc) =	sbr.rel .LBB2_1-.Ltmp0, $4  }
0x7: {  	s8 =	sshll.u32 s2, $0xB;
	p0 =	seq.s32 s5, $0x1;
	s31 =	sshll.u32 s2, $0x4  }
0x8: {  	s9 =	sshrl.u32 s7, $0x1;
	s8 =	sadd.s32 s8, s4;
	s6 =	sadd.s32 s31, s6  }
0x9: {  	s30 =	ssub.s32 s7, s9;
	s5 =	sadd.s32 $0x50000, s8;
	s7 =	sadd.s32 $0x10000, s8  }
0xa: {  	s8 =	simm.s32 $0x2;
	s9 =	simm.s32 $0x80;
	s4 =	smax.u32 s30, $0x1  }
.LBB2_7:
0xb: {  	s13 =	sadd.s32 s13, s6;
	[sflag:s8] =	ssyncadd.s32 $0xFFFFC000  }
0xc: {  	[tilespmem:s1], [sflag:$0x2] =	stream.linear.gather [hbm4b:s13+s1], $0x80, $0x38;
	[tilespmem:$0x4080] =	vst v63  }
0xd: {  	_ =	swait.ge [sflag:s8], $0x80  }
0xe: {  	[sflag:s8] =	ssyncset.done $0x0  }
0xf: {  	[sflag:s8] =	ssyncadd.s32 $0xFFFFFF80  }
0x10: {  	[tilespmem:s9], [sflag:$0x1] =	stream.indirect.gather [hbm4b:s3+s9], $0x80, s1, s9, $0xb8;
	[tilespmem:$0x4080] =	vst v63  }
0x11: {  	_ =	swait.ge [sflag:s10], $0x4000  }
0x12: {  	[sflag:s10] =	ssyncset.done $0x0  }
0x13: {  	[sflag:s10] =	ssyncadd.s32 $0xFFFFC000  }
0x14: {  	[hbm4b:s12+s1] =	stream.linear.scatter [tilespmem:s9], [sflag:$0x2], $0x4000, $0x38;
	[tilespmem:$0x4080] =	vst v63  }
0x15: {  	_ =	swait.ge [sflag:s8], $0x4000  }
0x16: {  	[sflag:s8] =	ssyncset.done $0x0  }
0x17: {  	[sflag:s8] =	ssyncadd.s32 $0xFFFFC000  }
.LBB2_8:
0x18: {  	s11 =	sadd.s32 $0x1, s11  }
0x19: {  	p1 =	sne.s32 s11, s4  }
.Ltmp1:
0x1a: {  	_ = 	snop;
	(pc) =	sbr.rel @!p1 .LBB2_9-.Ltmp1, $1  }
0x1b: {  	_ =	sdelay $0x3  }
.LBB2_1:
.Ltmp2:
0x1c: {  	(pc) =	sbr.rel @!p0 .LBB2_2-.Ltmp2, $2  }
0x1d: {  	_ =	sdelay $0x2  }
0x1e: {  	s12 =	sadd.s32 $0x0, s6  }
0x1f: {  	[tilespmem:s1], [sflag:$0x2] =	stream.linear.gather [hbm4b:s12+s1], $0x80, $0x38;
	[tilespmem:$0x4080] =	vst v63  }
0x20: {  	_ =	swait.ge [sflag:s8], $0x80  }
0x21: {  	[sflag:s8] =	ssyncset.done $0x0  }
0x22: {  	[sflag:s8] =	ssyncadd.s32 $0xFFFFFF80  }
0x23: {  	[tilespmem:s9], [sflag:$0x1] =	stream.indirect.gather [hbm4b:s3+s9], $0x80, s1, s9, $0xb8;
	[tilespmem:$0x4080] =	vst v63  }
0x24: {  	_ =	swait.ge [sflag:s10], $0x4000  }
0x25: {  	[sflag:s10] =	ssyncset.done $0x0  }
0x26: {  	[sflag:s10] =	ssyncadd.s32 $0xFFFFC000  }
0x27: {  	[hbm4b:s7+s1] =	stream.linear.scatter [tilespmem:s9], [sflag:$0x2], $0x4000, $0x38;
	[tilespmem:$0x4080] =	vst v63  }
0x28: {  	s13 =	simm.s32 $0x100;
	_ =	swait.ge [sflag:s8], $0x4000  }
0x29: {  	s14 =	simm.s32 $0x200;
	s12 =	sadd.s32 $0x8000, s7;
	[sflag:s8] =	ssyncset.done $0x0  }
.LBB2_6:
0x2a: {  	s15 =	sadd.s32 s13, s6  }
0x2b: {  	[sflag:s8] =	ssyncadd.s32 $0xFFFFC000;
	s13 =	smov.u32 s14;
	s16 =	sadd.s32 $0x100, s14  }
0x2c: {  	[tilespmem:s1], [sflag:$0x2] =	stream.linear.gather [hbm4b:s15+s1], $0x80, $0x38;
	[tilespmem:$0x4080] =	vst v63  }
0x2d: {  	p1 =	sne.s32 s14, $0x700;
	_ =	swait.ge [sflag:s8], $0x80  }
0x2e: {  	[sflag:s8] =	ssyncset.done $0x0  }
0x2f: {  	[sflag:s8] =	ssyncadd.s32 $0xFFFFFF80  }
0x30: {  	[tilespmem:s9], [sflag:$0x1] =	stream.indirect.gather [hbm4b:s3+s9], $0x80, s1, s9, $0xb8;
	[tilespmem:$0x4080] =	vst v63  }
0x31: {  	_ =	swait.ge [sflag:s10], $0x4000  }
.Ltmp3:
0x32: {  	[sflag:s10] =	ssyncset.done $0x0;
	(pc) =	sbr.rel @p1 .LBB2_6-.Ltmp3, $4  }
0x33: {  	[sflag:s10] =	ssyncadd.s32 $0xFFFFC000  }
0x34: {  	[hbm4b:s12+s1] =	stream.linear.scatter [tilespmem:s9], [sflag:$0x2], $0x4000, $0x38;
	[tilespmem:$0x4080] =	vst v63  }
0x35: {  	_ =	swait.ge [sflag:s8], $0x4000  }
0x36: {  	s14 =	smov.u32 s16;
	s12 =	sadd.s32 $0x8000, s12;
	[sflag:s8] =	ssyncset.done $0x0  }
.Ltmp4:
0x37: {  	_ = 	snop;
	(pc) =	sbr.rel .LBB2_7-.Ltmp4, $1  }
0x38: {  	_ =	sdelay $0x3  }
.LBB2_2:
0x39: {  	[tilespmem:s1], [sflag:$0x2] =	stream.linear.gather [hbm4b:s12+s1], $0x80, $0x38;
	[tilespmem:$0x4080] =	vst v63  }
0x3a: {  	_ =	swait.ge [sflag:s8], $0x80  }
0x3b: {  	[sflag:s8] =	ssyncset.done $0x0  }
0x3c: {  	[sflag:s8] =	ssyncadd.s32 $0xFFFFFF80  }
0x3d: {  	[tilespmem:s9], [sflag:$0x1] =	stream.indirect.gather [hbm4b:s3+s9], $0x80, s1, s9, $0xb8;
	[tilespmem:$0x4080] =	vst v63  }
0x3e: {  	_ =	swait.ge [sflag:s10], $0x4000  }
0x3f: {  	[sflag:s10] =	ssyncset.done $0x0  }
0x40: {  	[sflag:s10] =	ssyncadd.s32 $0xFFFFC000  }
0x41: {  	[hbm4b:s5+s1] =	stream.linear.scatter [tilespmem:s9], [sflag:$0x2], $0x4000, $0x38;
	[tilespmem:$0x4080] =	vst v63  }
0x42: {  	s13 =	simm.s32 $0x100;
	_ =	swait.ge [sflag:s8], $0x4000  }
0x43: {  	s14 =	simm.s32 $0x200;
	s12 =	sadd.s32 $0x8000, s5;
	[sflag:s8] =	ssyncset.done $0x0  }
.LBB2_3:
0x44: {  	s15 =	sadd.s32 s13, s6  }
0x45: {  	[sflag:s8] =	ssyncadd.s32 $0xFFFFC000;
	s13 =	smov.u32 s14;
	s16 =	sadd.s32 $0x100, s14  }
0x46: {  	[tilespmem:s1], [sflag:$0x2] =	stream.linear.gather [hbm4b:s15+s1], $0x80, $0x38;
	[tilespmem:$0x4080] =	vst v63  }
0x47: {  	p1 =	seq.s32 s14, $0x700;
	_ =	swait.ge [sflag:s8], $0x80  }
0x48: {  	[sflag:s8] =	ssyncset.done $0x0  }
0x49: {  	[sflag:s8] =	ssyncadd.s32 $0xFFFFFF80  }
0x4a: {  	[tilespmem:s9], [sflag:$0x1] =	stream.indirect.gather [hbm4b:s3+s9], $0x80, s1, s9, $0xb8;
	[tilespmem:$0x4080] =	vst v63  }
0x4b: {  	_ =	swait.ge [sflag:s10], $0x4000  }
.Ltmp5:
0x4c: {  	[sflag:s10] =	ssyncset.done $0x0;
	(pc) =	sbr.rel @!p1 .LBB2_3-.Ltmp5, $4  }
0x4d: {  	[sflag:s10] =	ssyncadd.s32 $0xFFFFC000  }
0x4e: {  	[hbm4b:s12+s1] =	stream.linear.scatter [tilespmem:s9], [sflag:$0x2], $0x4000, $0x38;
	[tilespmem:$0x4080] =	vst v63  }
0x4f: {  	_ =	swait.ge [sflag:s8], $0x4000  }
0x50: {  	s14 =	smov.u32 s16;
	s12 =	sadd.s32 $0x8000, s12;
	[sflag:s8] =	ssyncset.done $0x0  }
0x51: {  	s13 =	sadd.s32 s13, s6;
	[sflag:s8] =	ssyncadd.s32 $0xFFFFC000  }
0x52: {  	[tilespmem:s1], [sflag:$0x2] =	stream.linear.gather [hbm4b:s13+s1], $0x80, $0x38;
	[tilespmem:$0x4080] =	vst v63  }
0x53: {  	_ =	swait.ge [sflag:s8], $0x80  }
0x54: {  	[sflag:s8] =	ssyncset.done $0x0  }
0x55: {  	[sflag:s8] =	ssyncadd.s32 $0xFFFFFF80  }
0x56: {  	[tilespmem:s9], [sflag:$0x1] =	stream.indirect.gather [hbm4b:s3+s9], $0x80, s1, s9, $0xb8;
	[tilespmem:$0x4080] =	vst v63  }
0x57: {  	_ =	swait.ge [sflag:s10], $0x4000  }
0x58: {  	[sflag:s10] =	ssyncset.done $0x0  }
.Ltmp6:
0x59: {  	[sflag:s10] =	ssyncadd.s32 $0xFFFFC000;
	(pc) =	sbr.rel .LBB2_8-.Ltmp6, $4  }
0x5a: {  	[hbm4b:s12+s1] =	stream.linear.scatter [tilespmem:s9], [sflag:$0x2], $0x4000, $0x38;
	[tilespmem:$0x4080] =	vst v63  }
0x5b: {  	_ =	swait.ge [sflag:s8], $0x4000  }
0x5c: {  	[sflag:s8] =	ssyncset.done $0x0  }
0x5d: {  	[sflag:s8] =	ssyncadd.s32 $0xFFFFC000  }
.LBB2_9:
0x5e: {  	_ =	sfence.sel $0x180000  }
0x5f: {  	[bflag:$0x0] =	sbarrier.arrive $0xFFFF  }
0x60: {  	p0 =	sne.s32 s2, $0x0;
	_ =	strace $0x90000047  }
0x61: {  	s0 =	sadd.s32 @!p0 $0x100000, s0;
	[bflag:$0x2] =	sbarrier.arrive $0xFFFF  }
0x62: {  	[sflag:s0] =	ssyncadd.tile.s32 @!p0 $0x1;
	_ =	shalt  }
.Lfunc_end2:
_tile_overlayer_lowered:
.L_overlay_start_2:
0x63: {  	(tag) =	ssettag $0x2  }
0x64: {  	s0 =	rddreg [dreg:$0x0];
	s2 =	stileid.u32  }
0x65: {  	s1 =	rddreg [dreg:$0x1];
	p0 =	sne.s32 s2, $0x0  }
0x66: {  	s3 =	rddreg [dreg:$0x2];
	[bflag:$0x3] =	sbarrier.arrive $0xFFFF;
	s2 =	simm.s32 @!p0 $0x1C02  }
0x67: {  	[timem:s3], [sflag:s2] =	dma.local @!p0 [hbm:s0], s1  }
0x68: {  	s0 =	simm.s32 @!p0 $0x2  }
0x69: {  	_ =	swait.ge @!p0 [sflag:s0], s1  }
0x6a: {  	s1 =	ssub.s32 @!p0 $0x0, s1;
	[sflag:s0] =	ssyncset.done @!p0 $0x0  }
0x6b: {  	[sflag:s0] =	ssyncadd.s32 @!p0 s1  }
0x6c: {  	[bflag:$0x3] =	sbarrier.arrive $0xFFFF  }
0x6d: {  	_ =	shalt  }

// kernel: kernel.16.cloned.1.call-start
scs
__scs_entry_jumppad:
0x0: {  	(pc) =	sbr.rel $0x88, $3  }
0x1: {  	(tag) =	ssettag $0x0;
	lr =	simm.s32 $0x1  }
0x2: {  	[smem:$0x3F85] =	sst lr;
	_ =	strace $0xD0000000  }
0x3: {  	_ = 	snop  }
0x4: {  	_ = 	snop  }
0x5: {  	_ = 	snop  }
0x6: {  	_ = 	snop  }
0x7: {  	_ = 	snop  }
__scs_overlays_trampoline_lowered:
0x8: {  	[smem:$0x3F94] =	sst s0  }
0x9: {  	[smem:$0x3F95] =	sst s1  }
0xa: {  	[smem:$0x3F96] =	sst s2  }
0xb: {  	[smem:$0x3F97] =	sst s3  }
0xc: {  	[smem:$0x3F98] =	sst s4  }
0xd: {  	[smem:$0x3F99] =	sst s5  }
0xe: {  	[smem:$0x3F9A] =	sst s6  }
0xf: {  	[smem:$0x3F9B] =	sst s7  }
0x10: {  	[smem:$0x3F9C] =	sst s8  }
0x11: {  	[smem:$0x3F9D] =	sst s9;
	s0 =	simm.s32 @!p0 $0x0  }
0x12: {  	s1 =	sld [smem:$0x3F83];
	s0 =	simm.s32 @p0 $0x1  }
0x13: {  	[smem:$0x3F9E] =	sst s0;
	s0 =	simm.s32 @!p1 $0x0  }
0x14: {  	s2 =	sld [smem:$0x3F82];
	s0 =	simm.s32 @p1 $0x1  }
0x15: {  	[smem:$0x3F9F] =	sst s0;
	s0 =	simm.s32 @!p2 $0x0  }
0x16: {  	s3 =	sld [smem:$0x3FDB];
	s0 =	simm.s32 @p2 $0x1  }
0x17: {  	s4 =	simm.s32 $0x1BF5;
	[smem:$0x3FA1] =	sst s0  }
0x18: {  	s0 =	sld [smem:$0x3F84];
	_ =	swait.ge [sflag:s4], $0x0  }
0x19: {  	s7 =	sld [smem:$0x3F85]  }
0x1a: {  	s8 =	sadd.s32 $0xFFFFE003, lr  }
0x1b: {  	s9 =	sadd.s32 $0xFFFFFEF7, lr;
	s5 =	simm.s32 $0xFFFFFFFF;
	p2 =	slt.u32 s8, $0xFFFFF086  }
0x1c: {  	p1 =	slt.u32 s9, $0xF7A;
	s5 =	simm.s32 @!p2 $0x0  }
0x1d: {  	s5 =	simm.s32 @p1 $0x1;
	p0 =	seq.s32 s7, s2  }
0x1e: {  	s7 =	smul.u32 @!p0 $0xF7A, s2;
	p2 =	seq.s32 @!p0 s5, $0x0  }
0x1f: {  	s9 =	smul.u32 $0xF7A, s1;
	s8 =	simm.s32 @!p0 $0x1BF5;
	p2 =	por !p2, p0  }
0x20: {  	[sflag:s8] =	ssyncset.s32 @!p0 $0xFFFFF086;
	s6 =	sadd.s32 @!p0 s3, s7;
	s7 =	simm.s32 @!p0 $0x108  }
0x21: {  	s3 =	sadd.s32 s3, s9;
	s6 =	sadd.s32 @!p0 $0x88, s6;
	s7 =	simm.s32 @p2 $0x1082  }
0x22: {  	[simem:s7], [sflag:s8] =	dma.local @!p0 [hbm:s6], $0xF7A  }
0x23: {  	s9 =	sor.u32 $0xD0000000, s2;
	s6 =	simm.s32 $0x108;
	_ =	swait.ge @!p0 [sflag:s8], $0x0  }
0x24: {  	s3 =	sadd.s32 $0x88, s3;
	s6 =	simm.s32 @!p1 $0x1082;
	[sflag:s4] =	ssyncset.s32 $0xFFFFF086  }
0x25: {  	[simem:s6], [sflag:s4] =	dma.local [hbm:s3], $0xF7A  }
0x26: {  	[smem:$0x3F85] =	sst s1;
	(tag) =	ssettag s2;
	_ =	strace s9  }
0x27: {  	s1 =	sld [smem:$0x3F95]  }
0x28: {  	s2 =	sld [smem:$0x3F96]  }
0x29: {  	s4 =	sld [smem:$0x3F98]  }
0x2a: {  	p0 =	seq.s32 s5, $0x0;
	s5 =	sld [smem:$0x3F99]  }
0x2b: {  	s6 =	sld [smem:$0x3F9A]  }
0x2c: {  	s7 =	sld [smem:$0x3F9B]  }
0x2d: {  	s3 =	simm.s32 $0x108;
	s8 =	sld [smem:$0x3F9C]  }
0x2e: {  	s3 =	simm.s32 @!p0 $0x1082;
	s9 =	sld [smem:$0x3F9D]  }
0x2f: {  	lr =	sadd.s32 s0, s3;
	s0 =	sld [smem:$0x3F94]  }
0x30: {  	s3 =	sld [smem:$0x3F97]  }
0x31: {  	[smem:$0x3FA0] =	sst s10  }
0x32: {  	s10 =	sld [smem:$0x3F9E];
	_ =	sdelay $0x3  }
0x33: {  	p0 =	seq.s32 s10, $0x1;
	s10 =	sld [smem:$0x3FA0];
	_ =	sdelay $0x3  }
0x34: {  	[smem:$0x3FA0] =	sst s10  }
0x35: {  	s10 =	sld [smem:$0x3F9F];
	_ =	sdelay $0x3  }
0x36: {  	p1 =	seq.s32 s10, $0x1;
	s10 =	sld [smem:$0x3FA0];
	_ =	sdelay $0x3  }
0x37: {  	[smem:$0x3FA0] =	sst s10  }
0x38: {  	s10 =	sld [smem:$0x3FA1]  }
0x39: {  	_ = 	snop;
	(pc) =	sbr.ind lr, $3  }
0x3a: {  	_ = 	snop  }
0x3b: {  	_ = 	snop  }
0x3c: {  	p2 =	seq.s32 s10, $0x1;
	s10 =	sld [smem:$0x3FA0]  }
0x3d: {  	_ =	shalt  }
0x3e: {  	_ =	shalt  }
0x3f: {  	_ =	shalt  }
0x40: {  	_ =	shalt  }
0x41: {  	_ =	shalt  }
0x42: {  	_ =	shalt  }
0x43: {  	_ =	shalt  }
0x44: {  	_ =	shalt  }
0x45: {  	_ =	shalt  }
0x46: {  	_ =	shalt  }
0x47: {  	_ =	shalt  }
0x48: {  	_ =	shalt  }
0x49: {  	_ =	shalt  }
0x4a: {  	_ =	shalt  }
0x4b: {  	_ =	shalt  }
0x4c: {  	_ =	shalt  }
0x4d: {  	_ =	shalt  }
0x4e: {  	_ =	shalt  }
0x4f: {  	_ =	shalt  }
0x50: {  	_ =	shalt  }
0x51: {  	_ =	shalt  }
0x52: {  	_ =	shalt  }
0x53: {  	_ =	shalt  }
0x54: {  	_ =	shalt  }
0x55: {  	_ =	shalt  }
0x56: {  	_ =	shalt  }
0x57: {  	_ =	shalt  }
0x58: {  	_ =	shalt  }
0x59: {  	_ =	shalt  }
0x5a: {  	_ =	shalt  }
0x5b: {  	_ =	shalt  }
0x5c: {  	_ =	shalt  }
0x5d: {  	_ =	shalt  }
0x5e: {  	_ =	shalt  }
0x5f: {  	_ =	shalt  }
0x60: {  	_ =	shalt  }
0x61: {  	_ =	shalt  }
0x62: {  	_ =	shalt  }
0x63: {  	_ =	shalt  }
0x64: {  	_ =	shalt  }
0x65: {  	_ =	shalt  }
0x66: {  	_ =	shalt  }
0x67: {  	_ =	shalt  }
0x68: {  	_ =	shalt  }
0x69: {  	_ =	shalt  }
0x6a: {  	_ =	shalt  }
0x6b: {  	_ =	shalt  }
0x6c: {  	_ =	shalt  }
0x6d: {  	_ =	shalt  }
0x6e: {  	_ =	shalt  }
0x6f: {  	_ =	shalt  }
0x70: {  	_ =	shalt  }
0x71: {  	_ =	shalt  }
0x72: {  	_ =	shalt  }
0x73: {  	_ =	shalt  }
0x74: {  	_ =	shalt  }
0x75: {  	_ =	shalt  }
0x76: {  	_ =	shalt  }
0x77: {  	_ =	shalt  }
0x78: {  	_ =	shalt  }
0x79: {  	_ =	shalt  }
0x7a: {  	_ =	shalt  }
0x7b: {  	_ =	shalt  }
0x7c: {  	_ =	shalt  }
0x7d: {  	_ =	shalt  }
0x7e: {  	_ =	shalt  }
0x7f: {  	_ =	shalt  }
0x80: {  	_ =	shalt  }
0x81: {  	_ =	shalt  }
0x82: {  	_ =	shalt  }
0x83: {  	_ =	shalt  }
0x84: {  	_ =	shalt  }
0x85: {  	_ =	shalt  }
0x86: {  	_ =	shalt  }
0x87: {  	_ =	shalt  }
.Lfunc_end0:
.L_simem_size_0:
called_computation.1_lowered:
.L_overlay_start_0:
0x88: {  	s2 =	sld [smem:$0x3FD9]  }
0x89: {  	s3 =	sld [smem:$0x3FFE];
	_ =	sdelay $0x1  }
0x8a: {  	s1 =	srdreg.scid  }
0x8b: {  	s0 =	sand.u32 $0x1, s1  }
0x8c: {  	s17 =	sshll.u32 s0, $0xA;
	s2 =	sadd.s32 s3, s2  }
0x8d: {  	s2 =	sadd.s32 s2, s17  }
0x8e: {  	[smem:$0x3FAC] =	sst s2  }
0x8f: {  	_ = 	snop  }
0x90: {  	(tm) =	ssettm $0x1  }
0x91: {  	s18 =	sld [smem:$0x3FFB];
	_ =	sdelay $0x3  }
0x92: {  	_ =	strace s18  }
0x93: {  	s2 =	sld [smem:$0x3FFC];
	_ =	sdelay $0x3  }
0x94: {  	_ =	strace s2  }
0x95: {  	s2 =	sld [smem:$0x3FFD];
	_ =	sdelay $0x3  }
0x96: {  	_ =	strace s2  }
0x97: {  	_ =	strace $0x8FFFFFFF  }
0x98: {  	s19 =	sld [smem:$0x3FDB];
	_ =	sdelay $0x1  }
0x99: {  	s20 =	simm.s32 $_scs_section_size  }
0x9a: {  	s4 =	simm.s32 $_size__tile_overlayer_lowered;
	s5 =	simm.s32 $_tile_overlayer_lowered  }
0x9b: {  	s6 =	simm.s32 $0x1BFF;
	s21 =	sshll.u32 s5, $0x1;
	s3 =	sadd.s32 s20, s19  }
0x9c: {  	s22 =	simm.s32 $0x0;
	s4 =	sshll.u32 s4, $0x1;
	s5 =	sadd.s32 s21, s3  }
0x9d: {  	[timem:s22], [sflag:s6] =	dma.local [hbm:s5], s4  }
0x9e: {  	_ =	swait.ge [sflag:s6], s4  }
0x9f: {  	s4 =	ssub.s32 $0x0, s4;
	[sflag:s6] =	ssyncset.done $0x0  }
0xa0: {  	[sflag:s6] =	ssyncadd.s32 s4;
	_ =	sdelay $0x1  }
0xa1: {  	s23 =	simm.s32 $0x1B8B  }
0xa2: {  	_ =	swait.ge [sflag:s23], $0x1  }
0xa3: {  	[sflag:s23] =	ssyncset.done $0x0  }
0xa4: {  	[sflag:s23] =	ssyncadd.s32 $0xFFFFFFFF  }
0xa5: {  	s4 =	sld [smem:$0x0]  }
0xa6: {  	s5 =	sand.u32 $0xFFFFFFFE, s1  }
0xa7: {  	p0 =	sne.s32 s1, s5  }
0xa8: {  	s5 =	sshll.u32 @p0 s5, $0xE  }
0xa9: {  	s5 =	sadd.s32 @p0 $0x11B8D, s5;
	s6 =	sshll.u32 @p0 s4, $0x11  }
0xaa: {  	s5 =	sor.u32 @p0 s6, s5  }
0xab: {  	[sflag:s5] =	ssyncadd.remote.s32 @p0 $0x1;
	_ =	sdelay $0x1  }
0xac: {  	s5 =	simm.s32 @p0 $0x1B8D  }
0xad: {  	_ =	swait.eq @p0 [sflag:s5], $0x1  }
0xae: {  	[sflag:s5] =	ssyncadd.s32 @p0 $0xFFFFFFFF  }
0xaf: {  	s6 =	sshll.u32 @!p0 s1, $0xE  }
0xb0: {  	s6 =	sor.u32 @!p0 $0x4000, s6;
	s5 =	simm.s32 @!p0 $0x1B8D  }
0xb1: {  	s4 =	sshll.u32 @!p0 s4, $0x11;
	s6 =	sadd.s32 @!p0 $0x11B8D, s6;
	_ =	swait.eq @!p0 [sflag:s5], $0x1  }
0xb2: {  	s4 =	sor.u32 @!p0 s4, s6;
	[sflag:s5] =	ssyncadd.s32 @!p0 $0xFFFFFFFF  }
0xb3: {  	s25 =	simm.s32 $0x1B8E;
	s24 =	sld [smem:$0x3FFE];
	[sflag:s4] =	ssyncadd.remote.s32 @!p0 $0x1  }
0xb4: {  	s26 =	simm.s32 $execute0_lowered;
	[smem:$0x3FD2] =	sst s25  }
0xb5: {  	s5 =	sshll.u32 s26, $0x1;
	_ =	strace $0x8000004C;
	[dreg:$0x1] =	wrdreg $0xFFFFFFFF  }
0xb6: {  	s28 =	simm.s32 $_size_execute0_lowered;
	s3 =	sadd.s32 s3, s5;
	[dreg:$0x0] =	wrdreg $0x0  }
0xb7: {  	s5 =	sshll.u32 s28, $0x1;
	[dreg:$0x2] =	wrdreg s3  }
0xb8: {  	[dreg:$0x3] =	wrdreg s5  }
0xb9: {  	[dreg:$0x4] =	wrdreg $0xC0  }
0xba: {  	_ =	task [dreg:s22], $0x5FFFF  }
0xbb: {  	[dreg:$0x1] =	wrdreg $0xFFFFFFFF  }
0xbc: {  	[dreg:$0x0] =	wrdreg $0x60  }
0xbd: {  	[dreg:$0x2] =	wrdreg s24  }
0xbe: {  	[dreg:$0x3] =	wrdreg $0x40800  }
0xbf: {  	[dreg:$0x4] =	wrdreg $0x9  }
0xc0: {  	_ =	task.clear_ibuf [dreg:s22], $0x5FFFF;
	_ =	strace $0x9000004C  }
0xc1: {  	s29 =	simm.s32 $0x9;
	_ =	strace $0x8000004E  }
0xc2: {  	_ =	swait.ge [sflag:s29], $0x1  }
0xc3: {  	[sflag:s29] =	ssyncadd.s32 $0xFFFFFFFF  }
0xc4: {  	_ =	strace $0x9000004E  }
0xc5: {  	_ =	sfence  }
0xc6: {  	s30 =	sld [smem:$0x0];
	_ =	sdelay $0x2  }
0xc7: {  	s31 =	sshll.u32 s1, $0xD;
	s1 =	sshrl.u32 s1, $0x2  }
0xc8: {  	s4 =	sand.u32 $0x4000, s31;
	s1 =	sadd.s32 s1, s30  }
0xc9: {  	s0 =	sor.u32 s4, s0;
	s1 =	sshll.u32 s1, $0x11  }
0xca: {  	s0 =	sor.u32 s1, s0  }
0xcb: {  	s0 =	sadd.s32 $0x8F2B, s0  }
0xcc: {  	[sflag:s0] =	ssyncadd.remote.s32 $0x1  }
0xcd: {  	_ =	sfence.sel $0xFFFF  }
0xce: {  	[dreg:$0x0] =	wrdreg $0xFFFFFFFF;
	(pc) =	sbr.abs _section_cstart, $3  }
0xcf: {  	[dreg:$0x1] =	wrdreg $0xFFFFFFFF  }
0xd0: {  	_ =	task.clear_ibuf [dreg:s22], $0x2FFFF;
	_ =	strace $0x9FFFFFFF  }
0xd1: {  	(tm) =	ssettm $0x7FFFFFFF  }
tec
execute0_lowered:
.L_overlay_start_1:
0x0: {  	(tag) =	ssettag $0x1  }
0x1: {  	s5 =	rddreg [dreg:$0x0]  }
0x2: {  	s2 =	rddreg [dreg:$0x1]  }
0x3: {  	s0 =	rddreg [dreg:$0x2];
	s3 =	simm.s32 $0x0;
	s1 =	stileid.u32  }
0x4: {  	s30 =	srdreg.scid;
	s17 =	simm.s32 $0x1;
	s20 =	simm.s32 $0x0  }
0x5: {  	[smem:$0x7FF] =	sst s3;
	s4 =	sshll.u32 s1, $0xB;
	s6 =	sshll.u32 s1, $0x4  }
0x6: {  	s16 =	sand.u32 $0x1, s30;
	s7 =	smul.u32 $0x50000, s1;
	s18 =	sshll.u32 s1, $0x6  }
0x7: {  	_ =	strace $0x8000004D;
	s13 =	sadd.s32 s4, s5;
	s15 =	sadd.s32 s6, s5  }
0x8: {  	s4 =	sadd.s32 $0x33200, s5;
	s31 =	ssub.s32 $0x2, s16;
	s5 =	sadd.s32 $0x5B200, s5  }
0x9: {  	p0 =	sne.s32 s16, $0x0;
	s16 =	simm.s32 $0x80;
	s18 =	sor.u32 $0x1C01, s18  }
.Ltmp0:
0xa: {  	s8 =	sshrl.u32 s31, $0x1;
	s7 =	sshrl.u32 s7, $0x2;
	(pc) =	sbr.rel .LBB2_1-.Ltmp0, $4  }
0xb: {  	s13 =	sadd.s32 $0xAB8000, s13;
	s14 =	sadd.s32 $0xA4000, s15;
	s15 =	sadd.s32 $0xAE000, s15  }
0xc: {  	s8 =	ssub.s32 s31, s8;
	s6 =	sadd.s32 s7, s2;
	s7 =	smul.u32 $0x2800, s1  }
0xd: {  	s8 =	smax.u32 s8, $0x1;
	s9 =	sadd.s32 $0x4000, s6;
	s10 =	sadd.s32 $0x8000, s6  }
0xe: {  	v0 =	vimm.f32 $0.0e+00;
	s11 =	sadd.s32 $0xC000, s6;
	s12 =	sadd.s32 $0x10000, s6;
	s19 =	sshrl.u32 s6, $0x3  }
.LBB2_9:
0xf: {  	s22 =	sadd.s32 s22, s14;
	[sflag:s17] =	ssyncadd.s32 $0xFFFFC000  }
0x10: {  	[tilespmem:s3], [sflag:$0x1] =	stream.linear.gather [hbm4b:s22+s3], $0x80, $0x38;
	[tilespmem:$0x18080] =	vst v63  }
0x11: {  	_ =	swait.ge [sflag:s17], $0x80  }
0x12: {  	[sflag:s17] =	ssyncset.done $0x0  }
0x13: {  	[sflag:s17] =	ssyncadd.s32 $0xFFFFFF80  }
0x14: {  	[tilespmem:s16], [sflag:$0x1] =	stream.linear.gather [hbm4b:s21+s3], $0x4000, $0x38;
	[tilespmem:$0x18080] =	vst v63  }
0x15: {  	_ =	swait.ge [sflag:s17], $0x4000  }
0x16: {  	[sflag:s17] =	ssyncset.done $0x0  }
0x17: {  	[sflag:s17] =	ssyncadd.s32 $0xFFFFC000  }
0x18: {  	[spmem:s2] =	stream.indirect.scatter.add.f32 [tilespmem:s16], [sflag:$0x1], $0x80, s3, s16, $0xb8;
	[tilespmem:$0x18080] =	vst v63  }
0x19: {  	_ =	swait.ge [sflag:s17], $0x4000  }
0x1a: {  	[sflag:s17] =	ssyncset.done $0x0  }
0x1b: {  	s21 =	smov.u32 s5;
	[sflag:s17] =	ssyncadd.s32 $0xFFFFC000  }
.LBB2_10:
0x1c: {  	s20 =	sadd.s32 $0x1, s20  }
0x1d: {  	p1 =	sne.s32 s20, s8  }
.Ltmp1:
0x1e: {  	s21 =	sadd.s32 s21, s7;
	[bflag:$0x0] =	sbarrier.arrive $0xFFFF;
	(pc) =	sbr.rel @!p1 .LBB2_11-.Ltmp1, $4  }
0x1f: {  	[hbm:s21], [sflag:s18] =	dma.local [spmem:s19], $0x2800  }
0x20: {  	_ =	swait.ge [sflag:s17], $0x2800  }
0x21: {  	[sflag:s17] =	ssyncset.done $0x0  }
0x22: {  	[sflag:s17] =	ssyncadd.s32 $0xFFFFD800  }
.LBB2_1:
0x23: {  	s21 =	simm.s32 $0x0;
	s22 =	simm.s32 $0x200  }
.LBB2_2:
0x24: {  	p1 =	sne.s32 s22, $0xFE00;
	[tilespmem:s21+$0xF0] =	vst v0  }
0x25: {  	[tilespmem:s21+$0x80] =	vst v0  }
0x26: {  	[tilespmem:s21+$0x90] =	vst v0  }
.Ltmp2:
0x27: {  	[tilespmem:s21+$0xA0] =	vst v0;
	(pc) =	sbr.rel @p1 .LBB2_2-.Ltmp2, $4  }
0x28: {  	[tilespmem:s21+$0xB0] =	vst v0  }
0x29: {  	[tilespmem:s21+$0xC0] =	vst v0  }
0x2a: {  	[tilespmem:s21+$0xD0] =	vst v0  }
0x2b: {  	[tilespmem:s21+$0xE0] =	vst v0;
	s21 =	sshra.s32 s22, $0x2;
	s22 =	sadd.s32 $0x200, s22  }
0x2c: {  	[tilespmem:s21+$0xF0] =	vst v0  }
0x2d: {  	[tilespmem:s21+$0x80] =	vst v0  }
0x2e: {  	[tilespmem:s21+$0x90] =	vst v0  }
0x2f: {  	[tilespmem:s21+$0xA0] =	vst v0  }
0x30: {  	[tilespmem:s21+$0xB0] =	vst v0  }
0x31: {  	[tilespmem:s21+$0xC0] =	vst v0  }
0x32: {  	[tilespmem:s21+$0xD0] =	vst v0  }
0x33: {  	[tilespmem:s21+$0xE0] =	vst v0  }
0x34: {  	[spmem:s6] =	stream.linear.scatter [tilespmem:s16], [sflag:$0x1], $0x4000, $0x38;
	[tilespmem:$0x18080] =	vst v63  }
0x35: {  	_ =	swait.ge [sflag:s17], $0x4000  }
0x36: {  	[sflag:s17] =	ssyncset.done $0x0  }
0x37: {  	[sflag:s17] =	ssyncadd.s32 $0xFFFFC000  }
0x38: {  	[spmem:s9] =	stream.linear.scatter [tilespmem:s16], [sflag:$0x1], $0x4000, $0x38;
	[tilespmem:$0x18080] =	vst v63  }
0x39: {  	_ =	swait.ge [sflag:s17], $0x4000  }
0x3a: {  	[sflag:s17] =	ssyncset.done $0x0  }
0x3b: {  	[sflag:s17] =	ssyncadd.s32 $0xFFFFC000  }
0x3c: {  	[spmem:s10] =	stream.linear.scatter [tilespmem:s16], [sflag:$0x1], $0x4000, $0x38;
	[tilespmem:$0x18080] =	vst v63  }
0x3d: {  	_ =	swait.ge [sflag:s17], $0x4000  }
0x3e: {  	[sflag:s17] =	ssyncset.done $0x0  }
0x3f: {  	[sflag:s17] =	ssyncadd.s32 $0xFFFFC000  }
0x40: {  	[spmem:s11] =	stream.linear.scatter [tilespmem:s16], [sflag:$0x1], $0x4000, $0x38;
	[tilespmem:$0x18080] =	vst v63  }
0x41: {  	_ =	swait.ge [sflag:s17], $0x4000  }
0x42: {  	[sflag:s17] =	ssyncset.done $0x0  }
0x43: {  	[sflag:s17] =	ssyncadd.s32 $0xFFFFC000  }
0x44: {  	[spmem:s12] =	stream.linear.scatter [tilespmem:s16], [sflag:$0x1], $0x4000, $0x38;
	[tilespmem:$0x18080] =	vst v63  }
.Ltmp3:
0x45: {  	_ =	swait.ge [sflag:s17], $0x4000;
	(pc) =	sbr.rel @p0 .LBB2_7-.Ltmp3, $3  }
0x46: {  	[sflag:s17] =	ssyncset.done $0x0  }
0x47: {  	[sflag:s17] =	ssyncadd.s32 $0xFFFFC000  }
0x48: {  	[bflag:$0x0] =	sbarrier.arrive $0xFFFF;
	_ =	sdelay $0x1  }
0x49: {  	s21 =	sadd.s32 $0x0, s15  }
0x4a: {  	[tilespmem:s3], [sflag:$0x1] =	stream.linear.gather [hbm4b:s21+s3], $0x80, $0x38;
	[tilespmem:$0x18080] =	vst v63  }
0x4b: {  	_ =	swait.ge [sflag:s17], $0x80  }
0x4c: {  	[sflag:s17] =	ssyncset.done $0x0  }
0x4d: {  	[sflag:s17] =	ssyncadd.s32 $0xFFFFFF80  }
0x4e: {  	[tilespmem:s16], [sflag:$0x1] =	stream.linear.gather [hbm4b:s13+s3], $0x4000, $0x38;
	[tilespmem:$0x18080] =	vst v63  }
0x4f: {  	_ =	swait.ge [sflag:s17], $0x4000  }
0x50: {  	[sflag:s17] =	ssyncset.done $0x0  }
0x51: {  	[sflag:s17] =	ssyncadd.s32 $0xFFFFC000  }
0x52: {  	[spmem:s2] =	stream.indirect.scatter.add.f32 [tilespmem:s16], [sflag:$0x1], $0x80, s3, s16, $0xb8;
	[tilespmem:$0x18080] =	vst v63  }
0x53: {  	s22 =	simm.s32 $0x100;
	_ =	swait.ge [sflag:s17], $0x4000  }
0x54: {  	s23 =	simm.s32 $0x200;
	s21 =	sadd.s32 $0x8000, s13;
	[sflag:s17] =	ssyncset.done $0x0  }
.LBB2_5:
0x55: {  	s24 =	sadd.s32 s22, s15  }
0x56: {  	[sflag:s17] =	ssyncadd.s32 $0xFFFFC000;
	s22 =	smov.u32 s23;
	s25 =	sadd.s32 $0x100, s23  }
0x57: {  	[tilespmem:s3], [sflag:$0x1] =	stream.linear.gather [hbm4b:s24+s3], $0x80, $0x38;
	[tilespmem:$0x18080] =	vst v63  }
0x58: {  	p1 =	seq.s32 s23, $0x9F00;
	_ =	swait.ge [sflag:s17], $0x80  }
0x59: {  	[sflag:s17] =	ssyncset.done $0x0  }
0x5a: {  	[sflag:s17] =	ssyncadd.s32 $0xFFFFFF80  }
0x5b: {  	[tilespmem:s16], [sflag:$0x1] =	stream.linear.gather [hbm4b:s21+s3], $0x4000, $0x38;
	[tilespmem:$0x18080] =	vst v63  }
0x5c: {  	_ =	swait.ge [sflag:s17], $0x4000  }
.Ltmp4:
0x5d: {  	[sflag:s17] =	ssyncset.done $0x0;
	(pc) =	sbr.rel @!p1 .LBB2_5-.Ltmp4, $4  }
0x5e: {  	[sflag:s17] =	ssyncadd.s32 $0xFFFFC000  }
0x5f: {  	[spmem:s2] =	stream.indirect.scatter.add.f32 [tilespmem:s16], [sflag:$0x1], $0x80, s3, s16, $0xb8;
	[tilespmem:$0x18080] =	vst v63  }
0x60: {  	_ =	swait.ge [sflag:s17], $0x4000  }
0x61: {  	s23 =	smov.u32 s25;
	s21 =	sadd.s32 $0x8000, s21;
	[sflag:s17] =	ssyncset.done $0x0  }
0x62: {  	s22 =	sadd.s32 s22, s15;
	[sflag:s17] =	ssyncadd.s32 $0xFFFFC000  }
0x63: {  	[tilespmem:s3], [sflag:$0x1] =	stream.linear.gather [hbm4b:s22+s3], $0x80, $0x38;
	[tilespmem:$0x18080] =	vst v63  }
0x64: {  	_ =	swait.ge [sflag:s17], $0x80  }
0x65: {  	[sflag:s17] =	ssyncset.done $0x0  }
0x66: {  	[sflag:s17] =	ssyncadd.s32 $0xFFFFFF80  }
0x67: {  	[tilespmem:s16], [sflag:$0x1] =	stream.linear.gather [hbm4b:s21+s3], $0x4000, $0x38;
	[tilespmem:$0x18080] =	vst v63  }
0x68: {  	_ =	swait.ge [sflag:s17], $0x4000  }
0x69: {  	[sflag:s17] =	ssyncset.done $0x0  }
.Ltmp5:
0x6a: {  	[sflag:s17] =	ssyncadd.s32 $0xFFFFC000;
	(pc) =	sbr.rel .LBB2_10-.Ltmp5, $4  }
0x6b: {  	[spmem:s2] =	stream.indirect.scatter.add.f32 [tilespmem:s16], [sflag:$0x1], $0x80, s3, s16, $0xb8;
	[tilespmem:$0x18080] =	vst v63  }
0x6c: {  	_ =	swait.ge [sflag:s17], $0x4000  }
0x6d: {  	[sflag:s17] =	ssyncset.done $0x0  }
0x6e: {  	s21 =	smov.u32 s4;
	[sflag:s17] =	ssyncadd.s32 $0xFFFFC000  }
.LBB2_7:
0x6f: {  	s21 =	sadd.s32 $0x0, s14  }
0x70: {  	[tilespmem:s3], [sflag:$0x1] =	stream.linear.gather [hbm4b:s21+s3], $0x80, $0x38;
	[tilespmem:$0x18080] =	vst v63  }
0x71: {  	_ =	swait.ge [sflag:s17], $0x80  }
0x72: {  	[sflag:s17] =	ssyncset.done $0x0  }
0x73: {  	[sflag:s17] =	ssyncadd.s32 $0xFFFFFF80  }
0x74: {  	[tilespmem:s16], [sflag:$0x1] =	stream.linear.gather [hbm4b:s13+s3], $0x4000, $0x38;
	[tilespmem:$0x18080] =	vst v63  }
0x75: {  	_ =	swait.ge [sflag:s17], $0x4000  }
0x76: {  	[sflag:s17] =	ssyncset.done $0x0  }
0x77: {  	[sflag:s17] =	ssyncadd.s32 $0xFFFFC000  }
0x78: {  	[spmem:s2] =	stream.indirect.scatter.add.f32 [tilespmem:s16], [sflag:$0x1], $0x80, s3, s16, $0xb8;
	[tilespmem:$0x18080] =	vst v63  }
0x79: {  	s22 =	simm.s32 $0x100;
	_ =	swait.ge [sflag:s17], $0x4000  }
0x7a: {  	s23 =	simm.s32 $0x200;
	s21 =	sadd.s32 $0x8000, s13;
	[sflag:s17] =	ssyncset.done $0x0  }
.LBB2_8:
0x7b: {  	s24 =	sadd.s32 s22, s14  }
0x7c: {  	[sflag:s17] =	ssyncadd.s32 $0xFFFFC000;
	s22 =	smov.u32 s23;
	s25 =	sadd.s32 $0x100, s23  }
0x7d: {  	[tilespmem:s3], [sflag:$0x1] =	stream.linear.gather [hbm4b:s24+s3], $0x80, $0x38;
	[tilespmem:$0x18080] =	vst v63  }
0x7e: {  	p1 =	sne.s32 s23, $0x9F00;
	_ =	swait.ge [sflag:s17], $0x80  }
0x7f: {  	[sflag:s17] =	ssyncset.done $0x0  }
0x80: {  	[sflag:s17] =	ssyncadd.s32 $0xFFFFFF80  }
0x81: {  	[tilespmem:s16], [sflag:$0x1] =	stream.linear.gather [hbm4b:s21+s3], $0x4000, $0x38;
	[tilespmem:$0x18080] =	vst v63  }
0x82: {  	_ =	swait.ge [sflag:s17], $0x4000  }
.Ltmp6:
0x83: {  	[sflag:s17] =	ssyncset.done $0x0;
	(pc) =	sbr.rel @p1 .LBB2_8-.Ltmp6, $4  }
0x84: {  	[sflag:s17] =	ssyncadd.s32 $0xFFFFC000  }
0x85: {  	[spmem:s2] =	stream.indirect.scatter.add.f32 [tilespmem:s16], [sflag:$0x1], $0x80, s3, s16, $0xb8;
	[tilespmem:$0x18080] =	vst v63  }
0x86: {  	_ =	swait.ge [sflag:s17], $0x4000  }
0x87: {  	s23 =	smov.u32 s25;
	s21 =	sadd.s32 $0x8000, s21;
	[sflag:s17] =	ssyncset.done $0x0  }
.Ltmp7:
0x88: {  	_ = 	snop;
	(pc) =	sbr.rel .LBB2_9-.Ltmp7, $1  }
0x89: {  	_ =	sdelay $0x3  }
.LBB2_11:
0x8a: {  	_ =	sfence.sel $0x180000  }
0x8b: {  	[bflag:$0x0] =	sbarrier.arrive $0xFFFF  }
0x8c: {  	p0 =	sne.s32 s1, $0x0;
	_ =	strace $0x9000004D  }
0x8d: {  	s0 =	sadd.s32 @!p0 $0x100000, s0;
	[bflag:$0x2] =	sbarrier.arrive $0xFFFF  }
0x8e: {  	[sflag:s0] =	ssyncadd.tile.s32 @!p0 $0x1;
	_ =	shalt  }
.Lfunc_end2:
_tile_overlayer_lowered:
.L_overlay_start_2:
0x8f: {  	(tag) =	ssettag $0x2  }
0x90: {  	s0 =	rddreg [dreg:$0x0];
	s2 =	stileid.u32  }
0x91: {  	s1 =	rddreg [dreg:$0x1];
	p0 =	sne.s32 s2, $0x0  }
0x92: {  	s3 =	rddreg [dreg:$0x2];
	[bflag:$0x3] =	sbarrier.arrive $0xFFFF;
	s2 =	simm.s32 @!p0 $0x1C01  }
0x93: {  	[timem:s3], [sflag:s2] =	dma.local @!p0 [hbm:s0], s1  }
0x94: {  	s0 =	simm.s32 @!p0 $0x1  }
0x95: {  	_ =	swait.ge @!p0 [sflag:s0], s1  }
0x96: {  	s1 =	ssub.s32 @!p0 $0x0, s1;
	[sflag:s0] =	ssyncset.done @!p0 $0x0  }
0x97: {  	[sflag:s0] =	ssyncadd.s32 @!p0 s1  }
0x98: {  	[bflag:$0x3] =	sbarrier.arrive $0xFFFF  }
0x99: {  	_ =	shalt  }

// kernel: kernel.19.cloned.1.call-start
scs
__scs_entry_jumppad:
0x0: {  	(pc) =	sbr.rel $0x88, $3  }
0x1: {  	(tag) =	ssettag $0x0;
	lr =	simm.s32 $0x1  }
0x2: {  	[smem:$0x3F85] =	sst lr;
	_ =	strace $0xD0000000  }
0x3: {  	_ = 	snop  }
0x4: {  	_ = 	snop  }
0x5: {  	_ = 	snop  }
0x6: {  	_ = 	snop  }
0x7: {  	_ = 	snop  }
__scs_overlays_trampoline_lowered:
0x8: {  	[smem:$0x3F94] =	sst s0  }
0x9: {  	[smem:$0x3F95] =	sst s1  }
0xa: {  	[smem:$0x3F96] =	sst s2  }
0xb: {  	[smem:$0x3F97] =	sst s3  }
0xc: {  	[smem:$0x3F98] =	sst s4  }
0xd: {  	[smem:$0x3F99] =	sst s5  }
0xe: {  	[smem:$0x3F9A] =	sst s6  }
0xf: {  	[smem:$0x3F9B] =	sst s7  }
0x10: {  	[smem:$0x3F9C] =	sst s8  }
0x11: {  	[smem:$0x3F9D] =	sst s9;
	s0 =	simm.s32 @!p0 $0x0  }
0x12: {  	s1 =	sld [smem:$0x3F83];
	s0 =	simm.s32 @p0 $0x1  }
0x13: {  	[smem:$0x3F9E] =	sst s0;
	s0 =	simm.s32 @!p1 $0x0  }
0x14: {  	s2 =	sld [smem:$0x3F82];
	s0 =	simm.s32 @p1 $0x1  }
0x15: {  	[smem:$0x3F9F] =	sst s0;
	s0 =	simm.s32 @!p2 $0x0  }
0x16: {  	s3 =	sld [smem:$0x3FDB];
	s0 =	simm.s32 @p2 $0x1  }
0x17: {  	s4 =	simm.s32 $0x1BF5;
	[smem:$0x3FA1] =	sst s0  }
0x18: {  	s0 =	sld [smem:$0x3F84];
	_ =	swait.ge [sflag:s4], $0x0  }
0x19: {  	s7 =	sld [smem:$0x3F85]  }
0x1a: {  	s8 =	sadd.s32 $0xFFFFE003, lr  }
0x1b: {  	s9 =	sadd.s32 $0xFFFFFEF7, lr;
	s5 =	simm.s32 $0xFFFFFFFF;
	p2 =	slt.u32 s8, $0xFFFFF086  }
0x1c: {  	p1 =	slt.u32 s9, $0xF7A;
	s5 =	simm.s32 @!p2 $0x0  }
0x1d: {  	s5 =	simm.s32 @p1 $0x1;
	p0 =	seq.s32 s7, s2  }
0x1e: {  	s7 =	smul.u32 @!p0 $0xF7A, s2;
	p2 =	seq.s32 @!p0 s5, $0x0  }
0x1f: {  	s9 =	smul.u32 $0xF7A, s1;
	s8 =	simm.s32 @!p0 $0x1BF5;
	p2 =	por !p2, p0  }
0x20: {  	[sflag:s8] =	ssyncset.s32 @!p0 $0xFFFFF086;
	s6 =	sadd.s32 @!p0 s3, s7;
	s7 =	simm.s32 @!p0 $0x108  }
0x21: {  	s3 =	sadd.s32 s3, s9;
	s6 =	sadd.s32 @!p0 $0x88, s6;
	s7 =	simm.s32 @p2 $0x1082  }
0x22: {  	[simem:s7], [sflag:s8] =	dma.local @!p0 [hbm:s6], $0xF7A  }
0x23: {  	s9 =	sor.u32 $0xD0000000, s2;
	s6 =	simm.s32 $0x108;
	_ =	swait.ge @!p0 [sflag:s8], $0x0  }
0x24: {  	s3 =	sadd.s32 $0x88, s3;
	s6 =	simm.s32 @!p1 $0x1082;
	[sflag:s4] =	ssyncset.s32 $0xFFFFF086  }
0x25: {  	[simem:s6], [sflag:s4] =	dma.local [hbm:s3], $0xF7A  }
0x26: {  	[smem:$0x3F85] =	sst s1;
	(tag) =	ssettag s2;
	_ =	strace s9  }
0x27: {  	s1 =	sld [smem:$0x3F95]  }
0x28: {  	s2 =	sld [smem:$0x3F96]  }
0x29: {  	s4 =	sld [smem:$0x3F98]  }
0x2a: {  	p0 =	seq.s32 s5, $0x0;
	s5 =	sld [smem:$0x3F99]  }
0x2b: {  	s6 =	sld [smem:$0x3F9A]  }
0x2c: {  	s7 =	sld [smem:$0x3F9B]  }
0x2d: {  	s3 =	simm.s32 $0x108;
	s8 =	sld [smem:$0x3F9C]  }
0x2e: {  	s3 =	simm.s32 @!p0 $0x1082;
	s9 =	sld [smem:$0x3F9D]  }
0x2f: {  	lr =	sadd.s32 s0, s3;
	s0 =	sld [smem:$0x3F94]  }
0x30: {  	s3 =	sld [smem:$0x3F97]  }
0x31: {  	[smem:$0x3FA0] =	sst s10  }
0x32: {  	s10 =	sld [smem:$0x3F9E];
	_ =	sdelay $0x3  }
0x33: {  	p0 =	seq.s32 s10, $0x1;
	s10 =	sld [smem:$0x3FA0];
	_ =	sdelay $0x3  }
0x34: {  	[smem:$0x3FA0] =	sst s10  }
0x35: {  	s10 =	sld [smem:$0x3F9F];
	_ =	sdelay $0x3  }
0x36: {  	p1 =	seq.s32 s10, $0x1;
	s10 =	sld [smem:$0x3FA0];
	_ =	sdelay $0x3  }
0x37: {  	[smem:$0x3FA0] =	sst s10  }
0x38: {  	s10 =	sld [smem:$0x3FA1]  }
0x39: {  	_ = 	snop;
	(pc) =	sbr.ind lr, $3  }
0x3a: {  	_ = 	snop  }
0x3b: {  	_ = 	snop  }
0x3c: {  	p2 =	seq.s32 s10, $0x1;
	s10 =	sld [smem:$0x3FA0]  }
0x3d: {  	_ =	shalt  }
0x3e: {  	_ =	shalt  }
0x3f: {  	_ =	shalt  }
0x40: {  	_ =	shalt  }
0x41: {  	_ =	shalt  }
0x42: {  	_ =	shalt  }
0x43: {  	_ =	shalt  }
0x44: {  	_ =	shalt  }
0x45: {  	_ =	shalt  }
0x46: {  	_ =	shalt  }
0x47: {  	_ =	shalt  }
0x48: {  	_ =	shalt  }
0x49: {  	_ =	shalt  }
0x4a: {  	_ =	shalt  }
0x4b: {  	_ =	shalt  }
0x4c: {  	_ =	shalt  }
0x4d: {  	_ =	shalt  }
0x4e: {  	_ =	shalt  }
0x4f: {  	_ =	shalt  }
0x50: {  	_ =	shalt  }
0x51: {  	_ =	shalt  }
0x52: {  	_ =	shalt  }
0x53: {  	_ =	shalt  }
0x54: {  	_ =	shalt  }
0x55: {  	_ =	shalt  }
0x56: {  	_ =	shalt  }
0x57: {  	_ =	shalt  }
0x58: {  	_ =	shalt  }
0x59: {  	_ =	shalt  }
0x5a: {  	_ =	shalt  }
0x5b: {  	_ =	shalt  }
0x5c: {  	_ =	shalt  }
0x5d: {  	_ =	shalt  }
0x5e: {  	_ =	shalt  }
0x5f: {  	_ =	shalt  }
0x60: {  	_ =	shalt  }
0x61: {  	_ =	shalt  }
0x62: {  	_ =	shalt  }
0x63: {  	_ =	shalt  }
0x64: {  	_ =	shalt  }
0x65: {  	_ =	shalt  }
0x66: {  	_ =	shalt  }
0x67: {  	_ =	shalt  }
0x68: {  	_ =	shalt  }
0x69: {  	_ =	shalt  }
0x6a: {  	_ =	shalt  }
0x6b: {  	_ =	shalt  }
0x6c: {  	_ =	shalt  }
0x6d: {  	_ =	shalt  }
0x6e: {  	_ =	shalt  }
0x6f: {  	_ =	shalt  }
0x70: {  	_ =	shalt  }
0x71: {  	_ =	shalt  }
0x72: {  	_ =	shalt  }
0x73: {  	_ =	shalt  }
0x74: {  	_ =	shalt  }
0x75: {  	_ =	shalt  }
0x76: {  	_ =	shalt  }
0x77: {  	_ =	shalt  }
0x78: {  	_ =	shalt  }
0x79: {  	_ =	shalt  }
0x7a: {  	_ =	shalt  }
0x7b: {  	_ =	shalt  }
0x7c: {  	_ =	shalt  }
0x7d: {  	_ =	shalt  }
0x7e: {  	_ =	shalt  }
0x7f: {  	_ =	shalt  }
0x80: {  	_ =	shalt  }
0x81: {  	_ =	shalt  }
0x82: {  	_ =	shalt  }
0x83: {  	_ =	shalt  }
0x84: {  	_ =	shalt  }
0x85: {  	_ =	shalt  }
0x86: {  	_ =	shalt  }
0x87: {  	_ =	shalt  }
.Lfunc_end0:
.L_simem_size_0:
called_computation.2_lowered:
.L_overlay_start_0:
0x88: {  	s2 =	sld [smem:$0x3FD9]  }
0x89: {  	s3 =	sld [smem:$0x3FFE];
	_ =	sdelay $0x1  }
0x8a: {  	s1 =	srdreg.scid  }
0x8b: {  	s0 =	sand.u32 $0x1, s1  }
0x8c: {  	s16 =	sshll.u32 s0, $0xA;
	s2 =	sadd.s32 s3, s2  }
0x8d: {  	s2 =	sadd.s32 s2, s16  }
0x8e: {  	[smem:$0x3FAC] =	sst s2  }
0x8f: {  	_ = 	snop  }
0x90: {  	(tm) =	ssettm $0x1  }
0x91: {  	s17 =	sld [smem:$0x3FFB];
	_ =	sdelay $0x3  }
0x92: {  	_ =	strace s17  }
0x93: {  	s2 =	sld [smem:$0x3FFC];
	_ =	sdelay $0x3  }
0x94: {  	_ =	strace s2  }
0x95: {  	s2 =	sld [smem:$0x3FFD];
	_ =	sdelay $0x3  }
0x96: {  	_ =	strace s2  }
0x97: {  	_ =	strace $0x8FFFFFFF  }
0x98: {  	s18 =	sld [smem:$0x3FDB];
	_ =	sdelay $0x1  }
0x99: {  	s19 =	simm.s32 $_scs_section_size  }
0x9a: {  	s4 =	simm.s32 $_size__tile_overlayer_lowered;
	s5 =	simm.s32 $_tile_overlayer_lowered  }
0x9b: {  	s22 =	simm.s32 $0x1BFF;
	s21 =	sshll.u32 s5, $0x1;
	s2 =	sadd.s32 s19, s18  }
0x9c: {  	s6 =	simm.s32 $0x0;
	s20 =	sshll.u32 s4, $0x1;
	s4 =	sadd.s32 s21, s2  }
0x9d: {  	[timem:s6], [sflag:s22] =	dma.local [hbm:s4], s20  }
0x9e: {  	_ =	swait.ge [sflag:s22], s20  }
0x9f: {  	s3 =	ssub.s32 $0x0, s20;
	[sflag:s22] =	ssyncset.done $0x0  }
0xa0: {  	[sflag:s22] =	ssyncadd.s32 s3;
	_ =	sdelay $0x1  }
0xa1: {  	s23 =	simm.s32 $0x1B8B  }
0xa2: {  	_ =	swait.ge [sflag:s23], $0x1  }
0xa3: {  	[sflag:s23] =	ssyncset.done $0x0  }
0xa4: {  	s25 =	simm.s32 $0x1B8E;
	s24 =	sld [smem:$0x3FFE];
	[sflag:s23] =	ssyncadd.s32 $0xFFFFFFFF  }
0xa5: {  	s26 =	simm.s32 $execute0_lowered;
	[smem:$0x3FD2] =	sst s25  }
0xa6: {  	s4 =	sshll.u32 s26, $0x1;
	_ =	strace $0x80000049;
	[dreg:$0x1] =	wrdreg $0xFFFFFFFF  }
0xa7: {  	s28 =	simm.s32 $_size_execute0_lowered;
	s2 =	sadd.s32 s2, s4;
	[dreg:$0x0] =	wrdreg $0x0  }
0xa8: {  	s4 =	sshll.u32 s28, $0x1;
	[dreg:$0x2] =	wrdreg s2  }
0xa9: {  	[dreg:$0x3] =	wrdreg s4  }
0xaa: {  	[dreg:$0x4] =	wrdreg $0xC0  }
0xab: {  	_ =	task [dreg:s6], $0x5FFFF  }
0xac: {  	[dreg:$0x1] =	wrdreg $0xFFFFFFFF  }
0xad: {  	[dreg:$0x0] =	wrdreg $0x60  }
0xae: {  	[dreg:$0x2] =	wrdreg s24  }
0xaf: {  	[dreg:$0x3] =	wrdreg $0xA  }
0xb0: {  	_ =	task.clear_ibuf [dreg:s6], $0x4FFFF;
	_ =	strace $0x90000049  }
0xb1: {  	s29 =	simm.s32 $0xA;
	_ =	strace $0x8000004B  }
0xb2: {  	_ =	swait.ge [sflag:s29], $0x1  }
0xb3: {  	[sflag:s29] =	ssyncadd.s32 $0xFFFFFFFF  }
0xb4: {  	_ =	strace $0x9000004B  }
0xb5: {  	_ =	sfence  }
0xb6: {  	s30 =	sld [smem:$0x0];
	_ =	sdelay $0x2  }
0xb7: {  	s31 =	sshll.u32 s1, $0xD;
	s1 =	sshrl.u32 s1, $0x2  }
0xb8: {  	s3 =	sand.u32 $0x4000, s31;
	s1 =	sadd.s32 s1, s30  }
0xb9: {  	s0 =	sor.u32 s3, s0;
	s1 =	sshll.u32 s1, $0x11  }
0xba: {  	s0 =	sor.u32 s1, s0  }
0xbb: {  	s0 =	sadd.s32 $0x8F2B, s0  }
0xbc: {  	[sflag:s0] =	ssyncadd.remote.s32 $0x1  }
0xbd: {  	_ =	sfence.sel $0xFFFF  }
0xbe: {  	[dreg:$0x0] =	wrdreg $0xFFFFFFFF;
	(pc) =	sbr.abs _section_cstart, $3  }
0xbf: {  	[dreg:$0x1] =	wrdreg $0xFFFFFFFF  }
0xc0: {  	_ =	task.clear_ibuf [dreg:s6], $0x2FFFF;
	_ =	strace $0x9FFFFFFF  }
0xc1: {  	(tm) =	ssettm $0x7FFFFFFF  }
tec
execute0_lowered:
.L_overlay_start_1:
0x0: {  	(tag) =	ssettag $0x1  }
0x1: {  	s4 =	rddreg [dreg:$0x0]  }
0x2: {  	s0 =	rddreg [dreg:$0x1];
	s2 =	simm.s32 $0x0  }
0x3: {  	s3 =	srdreg.scid;
	s1 =	stileid.u32;
	s11 =	simm.s32 $0x1  }
0x4: {  	s12 =	simm.s32 $0x0;
	[smem:$0x7FF] =	sst s2;
	s5 =	sand.u32 $0x1, s3  }
0x5: {  	s3 =	sadd.s32 $0xC000, s4;
	s6 =	sshll.u32 s1, $0x4;
	s30 =	sshll.u32 s1, $0xB  }
.Ltmp0:
0x6: {  	_ =	strace $0x8000004A;
	s7 =	ssub.s32 $0x2, s5;
	(pc) =	sbr.rel .LBB2_1-.Ltmp0, $4  }
0x7: {  	s8 =	sadd.s32 s6, s4;
	s10 =	sadd.s32 s30, s4;
	p0 =	seq.s32 s5, $0x1  }
0x8: {  	s9 =	sshrl.u32 s7, $0x1;
	s5 =	sadd.s32 $0xB8000, s10;
	s6 =	sadd.s32 $0x9A000, s8  }
0x9: {  	s8 =	sadd.s32 $0x90000, s8;
	s31 =	ssub.s32 s7, s9;
	s7 =	sadd.s32 $0x5B8000, s10  }
0xa: {  	s9 =	simm.s32 $0x2;
	s10 =	simm.s32 $0x80;
	s4 =	smax.u32 s31, $0x1  }
.LBB2_7:
0xb: {  	s14 =	sadd.s32 s14, s8;
	[sflag:s9] =	ssyncadd.s32 $0xFFFFC000  }
0xc: {  	[tilespmem:s2], [sflag:$0x2] =	stream.linear.gather [hbm4b:s14+s2], $0x80, $0x38;
	[tilespmem:$0x4080] =	vst v63  }
0xd: {  	_ =	swait.ge [sflag:s9], $0x80  }
0xe: {  	[sflag:s9] =	ssyncset.done $0x0  }
0xf: {  	[sflag:s9] =	ssyncadd.s32 $0xFFFFFF80  }
0x10: {  	[tilespmem:s10], [sflag:$0x1] =	stream.indirect.gather [hbm4b:s3+s10], $0x80, s2, s10, $0xb8;
	[tilespmem:$0x4080] =	vst v63  }
0x11: {  	_ =	swait.ge [sflag:s11], $0x4000  }
0x12: {  	[sflag:s11] =	ssyncset.done $0x0  }
0x13: {  	[sflag:s11] =	ssyncadd.s32 $0xFFFFC000  }
0x14: {  	[hbm4b:s13+s2] =	stream.linear.scatter [tilespmem:s10], [sflag:$0x2], $0x4000, $0x38;
	[tilespmem:$0x4080] =	vst v63  }
0x15: {  	_ =	swait.ge [sflag:s9], $0x4000  }
0x16: {  	[sflag:s9] =	ssyncset.done $0x0  }
0x17: {  	[sflag:s9] =	ssyncadd.s32 $0xFFFFC000  }
.LBB2_8:
0x18: {  	s12 =	sadd.s32 $0x1, s12  }
0x19: {  	p1 =	sne.s32 s12, s4  }
.Ltmp1:
0x1a: {  	_ = 	snop;
	(pc) =	sbr.rel @!p1 .LBB2_9-.Ltmp1, $1  }
0x1b: {  	_ =	sdelay $0x3  }
.LBB2_1:
.Ltmp2:
0x1c: {  	(pc) =	sbr.rel @!p0 .LBB2_2-.Ltmp2, $1  }
0x1d: {  	_ =	sdelay $0x3  }
0x1e: {  	s13 =	sadd.s32 $0x0, s8  }
0x1f: {  	[tilespmem:s2], [sflag:$0x2] =	stream.linear.gather [hbm4b:s13+s2], $0x80, $0x38;
	[tilespmem:$0x4080] =	vst v63  }
0x20: {  	_ =	swait.ge [sflag:s9], $0x80  }
0x21: {  	[sflag:s9] =	ssyncset.done $0x0  }
0x22: {  	[sflag:s9] =	ssyncadd.s32 $0xFFFFFF80  }
0x23: {  	[tilespmem:s10], [sflag:$0x1] =	stream.indirect.gather [hbm4b:s3+s10], $0x80, s2, s10, $0xb8;
	[tilespmem:$0x4080] =	vst v63  }
0x24: {  	_ =	swait.ge [sflag:s11], $0x4000  }
0x25: {  	[sflag:s11] =	ssyncset.done $0x0  }
0x26: {  	[sflag:s11] =	ssyncadd.s32 $0xFFFFC000  }
0x27: {  	[hbm4b:s7+s2] =	stream.linear.scatter [tilespmem:s10], [sflag:$0x2], $0x4000, $0x38;
	[tilespmem:$0x4080] =	vst v63  }
0x28: {  	s14 =	simm.s32 $0x100;
	_ =	swait.ge [sflag:s9], $0x4000  }
0x29: {  	s15 =	simm.s32 $0x200;
	s13 =	sadd.s32 $0x8000, s7;
	[sflag:s9] =	ssyncset.done $0x0  }
.LBB2_6:
0x2a: {  	s16 =	sadd.s32 s14, s8  }
0x2b: {  	[sflag:s9] =	ssyncadd.s32 $0xFFFFC000;
	s14 =	smov.u32 s15;
	s17 =	sadd.s32 $0x100, s15  }
0x2c: {  	[tilespmem:s2], [sflag:$0x2] =	stream.linear.gather [hbm4b:s16+s2], $0x80, $0x38;
	[tilespmem:$0x4080] =	vst v63  }
0x2d: {  	p1 =	sne.s32 s15, $0x9F00;
	_ =	swait.ge [sflag:s9], $0x80  }
0x2e: {  	[sflag:s9] =	ssyncset.done $0x0  }
0x2f: {  	[sflag:s9] =	ssyncadd.s32 $0xFFFFFF80  }
0x30: {  	[tilespmem:s10], [sflag:$0x1] =	stream.indirect.gather [hbm4b:s3+s10], $0x80, s2, s10, $0xb8;
	[tilespmem:$0x4080] =	vst v63  }
0x31: {  	_ =	swait.ge [sflag:s11], $0x4000  }
.Ltmp3:
0x32: {  	[sflag:s11] =	ssyncset.done $0x0;
	(pc) =	sbr.rel @p1 .LBB2_6-.Ltmp3, $4  }
0x33: {  	[sflag:s11] =	ssyncadd.s32 $0xFFFFC000  }
0x34: {  	[hbm4b:s13+s2] =	stream.linear.scatter [tilespmem:s10], [sflag:$0x2], $0x4000, $0x38;
	[tilespmem:$0x4080] =	vst v63  }
0x35: {  	_ =	swait.ge [sflag:s9], $0x4000  }
0x36: {  	s15 =	smov.u32 s17;
	s13 =	sadd.s32 $0x8000, s13;
	[sflag:s9] =	ssyncset.done $0x0  }
.Ltmp4:
0x37: {  	_ = 	snop;
	(pc) =	sbr.rel .LBB2_7-.Ltmp4, $1  }
0x38: {  	_ =	sdelay $0x3  }
.LBB2_2:
0x39: {  	s13 =	sadd.s32 $0x0, s6  }
0x3a: {  	[tilespmem:s2], [sflag:$0x2] =	stream.linear.gather [hbm4b:s13+s2], $0x80, $0x38;
	[tilespmem:$0x4080] =	vst v63  }
0x3b: {  	_ =	swait.ge [sflag:s9], $0x80  }
0x3c: {  	[sflag:s9] =	ssyncset.done $0x0  }
0x3d: {  	[sflag:s9] =	ssyncadd.s32 $0xFFFFFF80  }
0x3e: {  	[tilespmem:s10], [sflag:$0x1] =	stream.indirect.gather [hbm4b:s3+s10], $0x80, s2, s10, $0xb8;
	[tilespmem:$0x4080] =	vst v63  }
0x3f: {  	_ =	swait.ge [sflag:s11], $0x4000  }
0x40: {  	[sflag:s11] =	ssyncset.done $0x0  }
0x41: {  	[sflag:s11] =	ssyncadd.s32 $0xFFFFC000  }
0x42: {  	[hbm4b:s5+s2] =	stream.linear.scatter [tilespmem:s10], [sflag:$0x2], $0x4000, $0x38;
	[tilespmem:$0x4080] =	vst v63  }
0x43: {  	s14 =	simm.s32 $0x100;
	_ =	swait.ge [sflag:s9], $0x4000  }
0x44: {  	s15 =	simm.s32 $0x200;
	s13 =	sadd.s32 $0x8000, s5;
	[sflag:s9] =	ssyncset.done $0x0  }
.LBB2_3:
0x45: {  	s16 =	sadd.s32 s14, s6  }
0x46: {  	[sflag:s9] =	ssyncadd.s32 $0xFFFFC000;
	s14 =	smov.u32 s15;
	s17 =	sadd.s32 $0x100, s15  }
0x47: {  	[tilespmem:s2], [sflag:$0x2] =	stream.linear.gather [hbm4b:s16+s2], $0x80, $0x38;
	[tilespmem:$0x4080] =	vst v63  }
0x48: {  	p1 =	seq.s32 s15, $0x9F00;
	_ =	swait.ge [sflag:s9], $0x80  }
0x49: {  	[sflag:s9] =	ssyncset.done $0x0  }
0x4a: {  	[sflag:s9] =	ssyncadd.s32 $0xFFFFFF80  }
0x4b: {  	[tilespmem:s10], [sflag:$0x1] =	stream.indirect.gather [hbm4b:s3+s10], $0x80, s2, s10, $0xb8;
	[tilespmem:$0x4080] =	vst v63  }
0x4c: {  	_ =	swait.ge [sflag:s11], $0x4000  }
.Ltmp5:
0x4d: {  	[sflag:s11] =	ssyncset.done $0x0;
	(pc) =	sbr.rel @!p1 .LBB2_3-.Ltmp5, $4  }
0x4e: {  	[sflag:s11] =	ssyncadd.s32 $0xFFFFC000  }
0x4f: {  	[hbm4b:s13+s2] =	stream.linear.scatter [tilespmem:s10], [sflag:$0x2], $0x4000, $0x38;
	[tilespmem:$0x4080] =	vst v63  }
0x50: {  	_ =	swait.ge [sflag:s9], $0x4000  }
0x51: {  	s15 =	smov.u32 s17;
	s13 =	sadd.s32 $0x8000, s13;
	[sflag:s9] =	ssyncset.done $0x0  }
0x52: {  	s14 =	sadd.s32 s14, s6;
	[sflag:s9] =	ssyncadd.s32 $0xFFFFC000  }
0x53: {  	[tilespmem:s2], [sflag:$0x2] =	stream.linear.gather [hbm4b:s14+s2], $0x80, $0x38;
	[tilespmem:$0x4080] =	vst v63  }
0x54: {  	_ =	swait.ge [sflag:s9], $0x80  }
0x55: {  	[sflag:s9] =	ssyncset.done $0x0  }
0x56: {  	[sflag:s9] =	ssyncadd.s32 $0xFFFFFF80  }
0x57: {  	[tilespmem:s10], [sflag:$0x1] =	stream.indirect.gather [hbm4b:s3+s10], $0x80, s2, s10, $0xb8;
	[tilespmem:$0x4080] =	vst v63  }
0x58: {  	_ =	swait.ge [sflag:s11], $0x4000  }
0x59: {  	[sflag:s11] =	ssyncset.done $0x0  }
.Ltmp6:
0x5a: {  	[sflag:s11] =	ssyncadd.s32 $0xFFFFC000;
	(pc) =	sbr.rel .LBB2_8-.Ltmp6, $4  }
0x5b: {  	[hbm4b:s13+s2] =	stream.linear.scatter [tilespmem:s10], [sflag:$0x2], $0x4000, $0x38;
	[tilespmem:$0x4080] =	vst v63  }
0x5c: {  	_ =	swait.ge [sflag:s9], $0x4000  }
0x5d: {  	[sflag:s9] =	ssyncset.done $0x0  }
0x5e: {  	[sflag:s9] =	ssyncadd.s32 $0xFFFFC000  }
.LBB2_9:
0x5f: {  	_ =	sfence.sel $0x180000  }
0x60: {  	[bflag:$0x0] =	sbarrier.arrive $0xFFFF  }
0x61: {  	p0 =	sne.s32 s1, $0x0;
	_ =	strace $0x9000004A  }
0x62: {  	s0 =	sadd.s32 @!p0 $0x100000, s0;
	[bflag:$0x2] =	sbarrier.arrive $0xFFFF  }
0x63: {  	[sflag:s0] =	ssyncadd.tile.s32 @!p0 $0x1;
	_ =	shalt  }
.Lfunc_end2:
_tile_overlayer_lowered:
.L_overlay_start_2:
0x64: {  	(tag) =	ssettag $0x2  }
0x65: {  	s0 =	rddreg [dreg:$0x0];
	s2 =	stileid.u32  }
0x66: {  	s1 =	rddreg [dreg:$0x1];
	p0 =	sne.s32 s2, $0x0  }
0x67: {  	s3 =	rddreg [dreg:$0x2];
	[bflag:$0x3] =	sbarrier.arrive $0xFFFF;
	s2 =	simm.s32 @!p0 $0x1C02  }
0x68: {  	[timem:s3], [sflag:s2] =	dma.local @!p0 [hbm:s0], s1  }
0x69: {  	s0 =	simm.s32 @!p0 $0x2  }
0x6a: {  	_ =	swait.ge @!p0 [sflag:s0], s1  }
0x6b: {  	s1 =	ssub.s32 @!p0 $0x0, s1;
	[sflag:s0] =	ssyncset.done @!p0 $0x0  }
0x6c: {  	[sflag:s0] =	ssyncadd.s32 @!p0 s1  }
0x6d: {  	[bflag:$0x3] =	sbarrier.arrive $0xFFFF  }
0x6e: {  	_ =	shalt  }

// kernel: kernel.22.cloned.1.call-start
scs
__scs_entry_jumppad:
0x0: {  	(pc) =	sbr.rel $0x88, $3  }
0x1: {  	(tag) =	ssettag $0x0;
	lr =	simm.s32 $0x1  }
0x2: {  	[smem:$0x3F85] =	sst lr;
	_ =	strace $0xD0000000  }
0x3: {  	_ = 	snop  }
0x4: {  	_ = 	snop  }
0x5: {  	_ = 	snop  }
0x6: {  	_ = 	snop  }
0x7: {  	_ = 	snop  }
__scs_overlays_trampoline_lowered:
0x8: {  	[smem:$0x3F94] =	sst s0  }
0x9: {  	[smem:$0x3F95] =	sst s1  }
0xa: {  	[smem:$0x3F96] =	sst s2  }
0xb: {  	[smem:$0x3F97] =	sst s3  }
0xc: {  	[smem:$0x3F98] =	sst s4  }
0xd: {  	[smem:$0x3F99] =	sst s5  }
0xe: {  	[smem:$0x3F9A] =	sst s6  }
0xf: {  	[smem:$0x3F9B] =	sst s7  }
0x10: {  	[smem:$0x3F9C] =	sst s8  }
0x11: {  	[smem:$0x3F9D] =	sst s9;
	s0 =	simm.s32 @!p0 $0x0  }
0x12: {  	s1 =	sld [smem:$0x3F83];
	s0 =	simm.s32 @p0 $0x1  }
0x13: {  	[smem:$0x3F9E] =	sst s0;
	s0 =	simm.s32 @!p1 $0x0  }
0x14: {  	s2 =	sld [smem:$0x3F82];
	s0 =	simm.s32 @p1 $0x1  }
0x15: {  	[smem:$0x3F9F] =	sst s0;
	s0 =	simm.s32 @!p2 $0x0  }
0x16: {  	s3 =	sld [smem:$0x3FDB];
	s0 =	simm.s32 @p2 $0x1  }
0x17: {  	s4 =	simm.s32 $0x1BF5;
	[smem:$0x3FA1] =	sst s0  }
0x18: {  	s0 =	sld [smem:$0x3F84];
	_ =	swait.ge [sflag:s4], $0x0  }
0x19: {  	s7 =	sld [smem:$0x3F85]  }
0x1a: {  	s8 =	sadd.s32 $0xFFFFE003, lr  }
0x1b: {  	s9 =	sadd.s32 $0xFFFFFEF7, lr;
	s5 =	simm.s32 $0xFFFFFFFF;
	p2 =	slt.u32 s8, $0xFFFFF086  }
0x1c: {  	p1 =	slt.u32 s9, $0xF7A;
	s5 =	simm.s32 @!p2 $0x0  }
0x1d: {  	s5 =	simm.s32 @p1 $0x1;
	p0 =	seq.s32 s7, s2  }
0x1e: {  	s7 =	smul.u32 @!p0 $0xF7A, s2;
	p2 =	seq.s32 @!p0 s5, $0x0  }
0x1f: {  	s9 =	smul.u32 $0xF7A, s1;
	s8 =	simm.s32 @!p0 $0x1BF5;
	p2 =	por !p2, p0  }
0x20: {  	[sflag:s8] =	ssyncset.s32 @!p0 $0xFFFFF086;
	s6 =	sadd.s32 @!p0 s3, s7;
	s7 =	simm.s32 @!p0 $0x108  }
0x21: {  	s3 =	sadd.s32 s3, s9;
	s6 =	sadd.s32 @!p0 $0x88, s6;
	s7 =	simm.s32 @p2 $0x1082  }
0x22: {  	[simem:s7], [sflag:s8] =	dma.local @!p0 [hbm:s6], $0xF7A  }
0x23: {  	s9 =	sor.u32 $0xD0000000, s2;
	s6 =	simm.s32 $0x108;
	_ =	swait.ge @!p0 [sflag:s8], $0x0  }
0x24: {  	s3 =	sadd.s32 $0x88, s3;
	s6 =	simm.s32 @!p1 $0x1082;
	[sflag:s4] =	ssyncset.s32 $0xFFFFF086  }
0x25: {  	[simem:s6], [sflag:s4] =	dma.local [hbm:s3], $0xF7A  }
0x26: {  	[smem:$0x3F85] =	sst s1;
	(tag) =	ssettag s2;
	_ =	strace s9  }
0x27: {  	s1 =	sld [smem:$0x3F95]  }
0x28: {  	s2 =	sld [smem:$0x3F96]  }
0x29: {  	s4 =	sld [smem:$0x3F98]  }
0x2a: {  	p0 =	seq.s32 s5, $0x0;
	s5 =	sld [smem:$0x3F99]  }
0x2b: {  	s6 =	sld [smem:$0x3F9A]  }
0x2c: {  	s7 =	sld [smem:$0x3F9B]  }
0x2d: {  	s3 =	simm.s32 $0x108;
	s8 =	sld [smem:$0x3F9C]  }
0x2e: {  	s3 =	simm.s32 @!p0 $0x1082;
	s9 =	sld [smem:$0x3F9D]  }
0x2f: {  	lr =	sadd.s32 s0, s3;
	s0 =	sld [smem:$0x3F94]  }
0x30: {  	s3 =	sld [smem:$0x3F97]  }
0x31: {  	[smem:$0x3FA0] =	sst s10  }
0x32: {  	s10 =	sld [smem:$0x3F9E];
	_ =	sdelay $0x3  }
0x33: {  	p0 =	seq.s32 s10, $0x1;
	s10 =	sld [smem:$0x3FA0];
	_ =	sdelay $0x3  }
0x34: {  	[smem:$0x3FA0] =	sst s10  }
0x35: {  	s10 =	sld [smem:$0x3F9F];
	_ =	sdelay $0x3  }
0x36: {  	p1 =	seq.s32 s10, $0x1;
	s10 =	sld [smem:$0x3FA0];
	_ =	sdelay $0x3  }
0x37: {  	[smem:$0x3FA0] =	sst s10  }
0x38: {  	s10 =	sld [smem:$0x3FA1]  }
0x39: {  	_ = 	snop;
	(pc) =	sbr.ind lr, $3  }
0x3a: {  	_ = 	snop  }
0x3b: {  	_ = 	snop  }
0x3c: {  	p2 =	seq.s32 s10, $0x1;
	s10 =	sld [smem:$0x3FA0]  }
0x3d: {  	_ =	shalt  }
0x3e: {  	_ =	shalt  }
0x3f: {  	_ =	shalt  }
0x40: {  	_ =	shalt  }
0x41: {  	_ =	shalt  }
0x42: {  	_ =	shalt  }
0x43: {  	_ =	shalt  }
0x44: {  	_ =	shalt  }
0x45: {  	_ =	shalt  }
0x46: {  	_ =	shalt  }
0x47: {  	_ =	shalt  }
0x48: {  	_ =	shalt  }
0x49: {  	_ =	shalt  }
0x4a: {  	_ =	shalt  }
0x4b: {  	_ =	shalt  }
0x4c: {  	_ =	shalt  }
0x4d: {  	_ =	shalt  }
0x4e: {  	_ =	shalt  }
0x4f: {  	_ =	shalt  }
0x50: {  	_ =	shalt  }
0x51: {  	_ =	shalt  }
0x52: {  	_ =	shalt  }
0x53: {  	_ =	shalt  }
0x54: {  	_ =	shalt  }
0x55: {  	_ =	shalt  }
0x56: {  	_ =	shalt  }
0x57: {  	_ =	shalt  }
0x58: {  	_ =	shalt  }
0x59: {  	_ =	shalt  }
0x5a: {  	_ =	shalt  }
0x5b: {  	_ =	shalt  }
0x5c: {  	_ =	shalt  }
0x5d: {  	_ =	shalt  }
0x5e: {  	_ =	shalt  }
0x5f: {  	_ =	shalt  }
0x60: {  	_ =	shalt  }
0x61: {  	_ =	shalt  }
0x62: {  	_ =	shalt  }
0x63: {  	_ =	shalt  }
0x64: {  	_ =	shalt  }
0x65: {  	_ =	shalt  }
0x66: {  	_ =	shalt  }
0x67: {  	_ =	shalt  }
0x68: {  	_ =	shalt  }
0x69: {  	_ =	shalt  }
0x6a: {  	_ =	shalt  }
0x6b: {  	_ =	shalt  }
0x6c: {  	_ =	shalt  }
0x6d: {  	_ =	shalt  }
0x6e: {  	_ =	shalt  }
0x6f: {  	_ =	shalt  }
0x70: {  	_ =	shalt  }
0x71: {  	_ =	shalt  }
0x72: {  	_ =	shalt  }
0x73: {  	_ =	shalt  }
0x74: {  	_ =	shalt  }
0x75: {  	_ =	shalt  }
0x76: {  	_ =	shalt  }
0x77: {  	_ =	shalt  }
0x78: {  	_ =	shalt  }
0x79: {  	_ =	shalt  }
0x7a: {  	_ =	shalt  }
0x7b: {  	_ =	shalt  }
0x7c: {  	_ =	shalt  }
0x7d: {  	_ =	shalt  }
0x7e: {  	_ =	shalt  }
0x7f: {  	_ =	shalt  }
0x80: {  	_ =	shalt  }
0x81: {  	_ =	shalt  }
0x82: {  	_ =	shalt  }
0x83: {  	_ =	shalt  }
0x84: {  	_ =	shalt  }
0x85: {  	_ =	shalt  }
0x86: {  	_ =	shalt  }
0x87: {  	_ =	shalt  }
.Lfunc_end0:
.L_simem_size_0:
called_computation.3_lowered:
.L_overlay_start_0:
0x88: {  	s2 =	sld [smem:$0x3FD9]  }
0x89: {  	s3 =	sld [smem:$0x3FFE];
	_ =	sdelay $0x1  }
0x8a: {  	s1 =	srdreg.scid  }
0x8b: {  	s0 =	sand.u32 $0x1, s1  }
0x8c: {  	s17 =	sshll.u32 s0, $0xA;
	s2 =	sadd.s32 s3, s2  }
0x8d: {  	s2 =	sadd.s32 s2, s17  }
0x8e: {  	[smem:$0x3FAC] =	sst s2  }
0x8f: {  	_ = 	snop  }
0x90: {  	(tm) =	ssettm $0x1  }
0x91: {  	s18 =	sld [smem:$0x3FFB];
	_ =	sdelay $0x3  }
0x92: {  	_ =	strace s18  }
0x93: {  	s2 =	sld [smem:$0x3FFC];
	_ =	sdelay $0x3  }
0x94: {  	_ =	strace s2  }
0x95: {  	s2 =	sld [smem:$0x3FFD];
	_ =	sdelay $0x3  }
0x96: {  	_ =	strace s2  }
0x97: {  	_ =	strace $0x8FFFFFFF  }
0x98: {  	s19 =	sld [smem:$0x3FDB];
	_ =	sdelay $0x1  }
0x99: {  	s20 =	simm.s32 $_scs_section_size  }
0x9a: {  	s4 =	simm.s32 $_size__tile_overlayer_lowered;
	s5 =	simm.s32 $_tile_overlayer_lowered  }
0x9b: {  	s6 =	simm.s32 $0x1BFF;
	s21 =	sshll.u32 s5, $0x1;
	s3 =	sadd.s32 s20, s19  }
0x9c: {  	s22 =	simm.s32 $0x0;
	s4 =	sshll.u32 s4, $0x1;
	s5 =	sadd.s32 s21, s3  }
0x9d: {  	[timem:s22], [sflag:s6] =	dma.local [hbm:s5], s4  }
0x9e: {  	_ =	swait.ge [sflag:s6], s4  }
0x9f: {  	s4 =	ssub.s32 $0x0, s4;
	[sflag:s6] =	ssyncset.done $0x0  }
0xa0: {  	[sflag:s6] =	ssyncadd.s32 s4;
	_ =	sdelay $0x1  }
0xa1: {  	s23 =	simm.s32 $0x1B8B  }
0xa2: {  	_ =	swait.ge [sflag:s23], $0x1  }
0xa3: {  	[sflag:s23] =	ssyncset.done $0x0  }
0xa4: {  	[sflag:s23] =	ssyncadd.s32 $0xFFFFFFFF  }
0xa5: {  	s4 =	sld [smem:$0x0]  }
0xa6: {  	s5 =	sand.u32 $0xFFFFFFFE, s1  }
0xa7: {  	p0 =	sne.s32 s1, s5  }
0xa8: {  	s5 =	sshll.u32 @p0 s5, $0xE  }
0xa9: {  	s5 =	sadd.s32 @p0 $0x11B8D, s5;
	s6 =	sshll.u32 @p0 s4, $0x11  }
0xaa: {  	s5 =	sor.u32 @p0 s6, s5  }
0xab: {  	[sflag:s5] =	ssyncadd.remote.s32 @p0 $0x1;
	_ =	sdelay $0x1  }
0xac: {  	s5 =	simm.s32 @p0 $0x1B8D  }
0xad: {  	_ =	swait.eq @p0 [sflag:s5], $0x1  }
0xae: {  	[sflag:s5] =	ssyncadd.s32 @p0 $0xFFFFFFFF  }
0xaf: {  	s6 =	sshll.u32 @!p0 s1, $0xE  }
0xb0: {  	s6 =	sor.u32 @!p0 $0x4000, s6;
	s5 =	simm.s32 @!p0 $0x1B8D  }
0xb1: {  	s4 =	sshll.u32 @!p0 s4, $0x11;
	s6 =	sadd.s32 @!p0 $0x11B8D, s6;
	_ =	swait.eq @!p0 [sflag:s5], $0x1  }
0xb2: {  	s4 =	sor.u32 @!p0 s4, s6;
	[sflag:s5] =	ssyncadd.s32 @!p0 $0xFFFFFFFF  }
0xb3: {  	s25 =	simm.s32 $0x1B8E;
	s24 =	sld [smem:$0x3FFE];
	[sflag:s4] =	ssyncadd.remote.s32 @!p0 $0x1  }
0xb4: {  	s26 =	simm.s32 $execute0_lowered;
	[smem:$0x3FD2] =	sst s25  }
0xb5: {  	s5 =	sshll.u32 s26, $0x1;
	_ =	strace $0x8000004F;
	[dreg:$0x1] =	wrdreg $0xFFFFFFFF  }
0xb6: {  	s28 =	simm.s32 $_size_execute0_lowered;
	s3 =	sadd.s32 s3, s5;
	[dreg:$0x0] =	wrdreg $0x0  }
0xb7: {  	s5 =	sshll.u32 s28, $0x1;
	[dreg:$0x2] =	wrdreg s3  }
0xb8: {  	[dreg:$0x3] =	wrdreg s5  }
0xb9: {  	[dreg:$0x4] =	wrdreg $0xC0  }
0xba: {  	_ =	task [dreg:s22], $0x5FFFF  }
0xbb: {  	[dreg:$0x1] =	wrdreg $0xFFFFFFFF  }
0xbc: {  	[dreg:$0x0] =	wrdreg $0x60  }
0xbd: {  	[dreg:$0x2] =	wrdreg s24  }
0xbe: {  	[dreg:$0x3] =	wrdreg $0x40800  }
0xbf: {  	[dreg:$0x4] =	wrdreg $0xA  }
0xc0: {  	_ =	task.clear_ibuf [dreg:s22], $0x5FFFF;
	_ =	strace $0x9000004F  }
0xc1: {  	s29 =	simm.s32 $0xA;
	_ =	strace $0x80000051  }
0xc2: {  	_ =	swait.ge [sflag:s29], $0x1  }
0xc3: {  	[sflag:s29] =	ssyncadd.s32 $0xFFFFFFFF  }
0xc4: {  	_ =	strace $0x90000051  }
0xc5: {  	_ =	sfence  }
0xc6: {  	s30 =	sld [smem:$0x0];
	_ =	sdelay $0x2  }
0xc7: {  	s31 =	sshll.u32 s1, $0xD;
	s1 =	sshrl.u32 s1, $0x2  }
0xc8: {  	s4 =	sand.u32 $0x4000, s31;
	s1 =	sadd.s32 s1, s30  }
0xc9: {  	s0 =	sor.u32 s4, s0;
	s1 =	sshll.u32 s1, $0x11  }
0xca: {  	s0 =	sor.u32 s1, s0  }
0xcb: {  	s0 =	sadd.s32 $0x8F2B, s0  }
0xcc: {  	[sflag:s0] =	ssyncadd.remote.s32 $0x1  }
0xcd: {  	_ =	sfence.sel $0xFFFF  }
0xce: {  	[dreg:$0x0] =	wrdreg $0xFFFFFFFF;
	(pc) =	sbr.abs _section_cstart, $3  }
0xcf: {  	[dreg:$0x1] =	wrdreg $0xFFFFFFFF  }
0xd0: {  	_ =	task.clear_ibuf [dreg:s22], $0x2FFFF;
	_ =	strace $0x9FFFFFFF  }
0xd1: {  	(tm) =	ssettm $0x7FFFFFFF  }
tec
execute0_lowered:
.L_overlay_start_1:
0x0: {  	(tag) =	ssettag $0x1  }
0x1: {  	s5 =	rddreg [dreg:$0x0]  }
0x2: {  	s2 =	rddreg [dreg:$0x1]  }
0x3: {  	s0 =	rddreg [dreg:$0x2]  }
0x4: {  	s3 =	simm.s32 $0x0;
	s1 =	stileid.u32;
	s6 =	srdreg.scid  }
0x5: {  	s18 =	simm.s32 $0x1;
	s21 =	simm.s32 $0x0;
	[smem:$0x7FF] =	sst s3  }
0x6: {  	s4 =	sshll.u32 s1, $0xB;
	s17 =	sand.u32 $0x1, s6;
	s30 =	sshll.u32 s1, $0x4  }
0x7: {  	s7 =	smul.u32 $0x50000, s1;
	s19 =	sshll.u32 s1, $0x6;
	_ =	strace $0x80000050  }
0x8: {  	s15 =	sadd.s32 s4, s5;
	s6 =	ssub.s32 $0x2, s17;
	s16 =	sadd.s32 s30, s5  }
0x9: {  	s4 =	sadd.s32 $0xB8000, s5;
	s5 =	sadd.s32 $0xE0000, s5;
	p0 =	sne.s32 s17, $0x0  }
0xa: {  	s17 =	simm.s32 $0x80;
	s31 =	sshrl.u32 s7, $0x2;
	s7 =	smul.u32 $0x2800, s1  }
.Ltmp0:
0xb: {  	s19 =	sor.u32 $0x1C01, s19;
	s8 =	sshrl.u32 s6, $0x1;
	(pc) =	sbr.rel .LBB2_1-.Ltmp0, $4  }
0xc: {  	s13 =	sadd.s32 $0x14BA000, s15;
	s14 =	sadd.s32 $0xA4000, s16;
	s15 =	sadd.s32 $0xFBA000, s15  }
0xd: {  	s16 =	sadd.s32 $0xAE000, s16;
	s8 =	ssub.s32 s6, s8;
	s6 =	sadd.s32 s31, s2  }
0xe: {  	s8 =	smax.u32 s8, $0x1;
	s9 =	sadd.s32 $0x4000, s6;
	s10 =	sadd.s32 $0x8000, s6  }
0xf: {  	v0 =	vimm.f32 $0.0e+00;
	s11 =	sadd.s32 $0xC000, s6;
	s12 =	sadd.s32 $0x10000, s6;
	s20 =	sshrl.u32 s6, $0x3  }
.LBB2_9:
0x10: {  	s23 =	sadd.s32 s23, s14;
	[sflag:s18] =	ssyncadd.s32 $0xFFFFC000  }
0x11: {  	[tilespmem:s3], [sflag:$0x1] =	stream.linear.gather [hbm4b:s23+s3], $0x80, $0x38;
	[tilespmem:$0x18080] =	vst v63  }
0x12: {  	_ =	swait.ge [sflag:s18], $0x80  }
0x13: {  	[sflag:s18] =	ssyncset.done $0x0  }
0x14: {  	[sflag:s18] =	ssyncadd.s32 $0xFFFFFF80  }
0x15: {  	[tilespmem:s17], [sflag:$0x1] =	stream.linear.gather [hbm4b:s22+s3], $0x4000, $0x38;
	[tilespmem:$0x18080] =	vst v63  }
0x16: {  	_ =	swait.ge [sflag:s18], $0x4000  }
0x17: {  	[sflag:s18] =	ssyncset.done $0x0  }
0x18: {  	[sflag:s18] =	ssyncadd.s32 $0xFFFFC000  }
0x19: {  	[spmem:s2] =	stream.indirect.scatter.add.f32 [tilespmem:s17], [sflag:$0x1], $0x80, s3, s17, $0xb8;
	[tilespmem:$0x18080] =	vst v63  }
0x1a: {  	_ =	swait.ge [sflag:s18], $0x4000  }
0x1b: {  	[sflag:s18] =	ssyncset.done $0x0  }
0x1c: {  	s22 =	smov.u32 s5;
	[sflag:s18] =	ssyncadd.s32 $0xFFFFC000  }
.LBB2_10:
0x1d: {  	s21 =	sadd.s32 $0x1, s21  }
0x1e: {  	p1 =	sne.s32 s21, s8  }
.Ltmp1:
0x1f: {  	s22 =	sadd.s32 s22, s7;
	[bflag:$0x0] =	sbarrier.arrive $0xFFFF;
	(pc) =	sbr.rel @!p1 .LBB2_11-.Ltmp1, $4  }
0x20: {  	[hbm:s22], [sflag:s19] =	dma.local [spmem:s20], $0x2800  }
0x21: {  	_ =	swait.ge [sflag:s18], $0x2800  }
0x22: {  	[sflag:s18] =	ssyncset.done $0x0  }
0x23: {  	[sflag:s18] =	ssyncadd.s32 $0xFFFFD800  }
.LBB2_1:
0x24: {  	s22 =	simm.s32 $0x0;
	s23 =	simm.s32 $0x200  }
.LBB2_2:
0x25: {  	p1 =	sne.s32 s23, $0xFE00;
	[tilespmem:s22+$0xF0] =	vst v0  }
0x26: {  	[tilespmem:s22+$0x80] =	vst v0  }
0x27: {  	[tilespmem:s22+$0x90] =	vst v0  }
.Ltmp2:
0x28: {  	[tilespmem:s22+$0xA0] =	vst v0;
	(pc) =	sbr.rel @p1 .LBB2_2-.Ltmp2, $4  }
0x29: {  	[tilespmem:s22+$0xB0] =	vst v0  }
0x2a: {  	[tilespmem:s22+$0xC0] =	vst v0  }
0x2b: {  	[tilespmem:s22+$0xD0] =	vst v0  }
0x2c: {  	[tilespmem:s22+$0xE0] =	vst v0;
	s22 =	sshra.s32 s23, $0x2;
	s23 =	sadd.s32 $0x200, s23  }
0x2d: {  	[tilespmem:s22+$0xF0] =	vst v0  }
0x2e: {  	[tilespmem:s22+$0x80] =	vst v0  }
0x2f: {  	[tilespmem:s22+$0x90] =	vst v0  }
0x30: {  	[tilespmem:s22+$0xA0] =	vst v0  }
0x31: {  	[tilespmem:s22+$0xB0] =	vst v0  }
0x32: {  	[tilespmem:s22+$0xC0] =	vst v0  }
0x33: {  	[tilespmem:s22+$0xD0] =	vst v0  }
0x34: {  	[tilespmem:s22+$0xE0] =	vst v0  }
0x35: {  	[spmem:s6] =	stream.linear.scatter [tilespmem:s17], [sflag:$0x1], $0x4000, $0x38;
	[tilespmem:$0x18080] =	vst v63  }
0x36: {  	_ =	swait.ge [sflag:s18], $0x4000  }
0x37: {  	[sflag:s18] =	ssyncset.done $0x0  }
0x38: {  	[sflag:s18] =	ssyncadd.s32 $0xFFFFC000  }
0x39: {  	[spmem:s9] =	stream.linear.scatter [tilespmem:s17], [sflag:$0x1], $0x4000, $0x38;
	[tilespmem:$0x18080] =	vst v63  }
0x3a: {  	_ =	swait.ge [sflag:s18], $0x4000  }
0x3b: {  	[sflag:s18] =	ssyncset.done $0x0  }
0x3c: {  	[sflag:s18] =	ssyncadd.s32 $0xFFFFC000  }
0x3d: {  	[spmem:s10] =	stream.linear.scatter [tilespmem:s17], [sflag:$0x1], $0x4000, $0x38;
	[tilespmem:$0x18080] =	vst v63  }
0x3e: {  	_ =	swait.ge [sflag:s18], $0x4000  }
0x3f: {  	[sflag:s18] =	ssyncset.done $0x0  }
0x40: {  	[sflag:s18] =	ssyncadd.s32 $0xFFFFC000  }
0x41: {  	[spmem:s11] =	stream.linear.scatter [tilespmem:s17], [sflag:$0x1], $0x4000, $0x38;
	[tilespmem:$0x18080] =	vst v63  }
0x42: {  	_ =	swait.ge [sflag:s18], $0x4000  }
0x43: {  	[sflag:s18] =	ssyncset.done $0x0  }
0x44: {  	[sflag:s18] =	ssyncadd.s32 $0xFFFFC000  }
0x45: {  	[spmem:s12] =	stream.linear.scatter [tilespmem:s17], [sflag:$0x1], $0x4000, $0x38;
	[tilespmem:$0x18080] =	vst v63  }
.Ltmp3:
0x46: {  	_ =	swait.ge [sflag:s18], $0x4000;
	(pc) =	sbr.rel @p0 .LBB2_7-.Ltmp3, $3  }
0x47: {  	[sflag:s18] =	ssyncset.done $0x0  }
0x48: {  	[sflag:s18] =	ssyncadd.s32 $0xFFFFC000  }
0x49: {  	[bflag:$0x0] =	sbarrier.arrive $0xFFFF;
	_ =	sdelay $0x1  }
0x4a: {  	s22 =	sadd.s32 $0x0, s16  }
0x4b: {  	[tilespmem:s3], [sflag:$0x1] =	stream.linear.gather [hbm4b:s22+s3], $0x80, $0x38;
	[tilespmem:$0x18080] =	vst v63  }
0x4c: {  	_ =	swait.ge [sflag:s18], $0x80  }
0x4d: {  	[sflag:s18] =	ssyncset.done $0x0  }
0x4e: {  	[sflag:s18] =	ssyncadd.s32 $0xFFFFFF80  }
0x4f: {  	[tilespmem:s17], [sflag:$0x1] =	stream.linear.gather [hbm4b:s15+s3], $0x4000, $0x38;
	[tilespmem:$0x18080] =	vst v63  }
0x50: {  	_ =	swait.ge [sflag:s18], $0x4000  }
0x51: {  	[sflag:s18] =	ssyncset.done $0x0  }
0x52: {  	[sflag:s18] =	ssyncadd.s32 $0xFFFFC000  }
0x53: {  	[spmem:s2] =	stream.indirect.scatter.add.f32 [tilespmem:s17], [sflag:$0x1], $0x80, s3, s17, $0xb8;
	[tilespmem:$0x18080] =	vst v63  }
0x54: {  	s23 =	simm.s32 $0x100;
	_ =	swait.ge [sflag:s18], $0x4000  }
0x55: {  	s24 =	simm.s32 $0x200;
	s22 =	sadd.s32 $0x8000, s15;
	[sflag:s18] =	ssyncset.done $0x0  }
.LBB2_5:
0x56: {  	s25 =	sadd.s32 s23, s16  }
0x57: {  	[sflag:s18] =	ssyncadd.s32 $0xFFFFC000;
	s23 =	smov.u32 s24;
	s26 =	sadd.s32 $0x100, s24  }
0x58: {  	[tilespmem:s3], [sflag:$0x1] =	stream.linear.gather [hbm4b:s25+s3], $0x80, $0x38;
	[tilespmem:$0x18080] =	vst v63  }
0x59: {  	p1 =	seq.s32 s24, $0x9F00;
	_ =	swait.ge [sflag:s18], $0x80  }
0x5a: {  	[sflag:s18] =	ssyncset.done $0x0  }
0x5b: {  	[sflag:s18] =	ssyncadd.s32 $0xFFFFFF80  }
0x5c: {  	[tilespmem:s17], [sflag:$0x1] =	stream.linear.gather [hbm4b:s22+s3], $0x4000, $0x38;
	[tilespmem:$0x18080] =	vst v63  }
0x5d: {  	_ =	swait.ge [sflag:s18], $0x4000  }
.Ltmp4:
0x5e: {  	[sflag:s18] =	ssyncset.done $0x0;
	(pc) =	sbr.rel @!p1 .LBB2_5-.Ltmp4, $4  }
0x5f: {  	[sflag:s18] =	ssyncadd.s32 $0xFFFFC000  }
0x60: {  	[spmem:s2] =	stream.indirect.scatter.add.f32 [tilespmem:s17], [sflag:$0x1], $0x80, s3, s17, $0xb8;
	[tilespmem:$0x18080] =	vst v63  }
0x61: {  	_ =	swait.ge [sflag:s18], $0x4000  }
0x62: {  	s24 =	smov.u32 s26;
	s22 =	sadd.s32 $0x8000, s22;
	[sflag:s18] =	ssyncset.done $0x0  }
0x63: {  	s23 =	sadd.s32 s23, s16;
	[sflag:s18] =	ssyncadd.s32 $0xFFFFC000  }
0x64: {  	[tilespmem:s3], [sflag:$0x1] =	stream.linear.gather [hbm4b:s23+s3], $0x80, $0x38;
	[tilespmem:$0x18080] =	vst v63  }
0x65: {  	_ =	swait.ge [sflag:s18], $0x80  }
0x66: {  	[sflag:s18] =	ssyncset.done $0x0  }
0x67: {  	[sflag:s18] =	ssyncadd.s32 $0xFFFFFF80  }
0x68: {  	[tilespmem:s17], [sflag:$0x1] =	stream.linear.gather [hbm4b:s22+s3], $0x4000, $0x38;
	[tilespmem:$0x18080] =	vst v63  }
0x69: {  	_ =	swait.ge [sflag:s18], $0x4000  }
0x6a: {  	[sflag:s18] =	ssyncset.done $0x0  }
.Ltmp5:
0x6b: {  	[sflag:s18] =	ssyncadd.s32 $0xFFFFC000;
	(pc) =	sbr.rel .LBB2_10-.Ltmp5, $4  }
0x6c: {  	[spmem:s2] =	stream.indirect.scatter.add.f32 [tilespmem:s17], [sflag:$0x1], $0x80, s3, s17, $0xb8;
	[tilespmem:$0x18080] =	vst v63  }
0x6d: {  	_ =	swait.ge [sflag:s18], $0x4000  }
0x6e: {  	[sflag:s18] =	ssyncset.done $0x0  }
0x6f: {  	s22 =	smov.u32 s4;
	[sflag:s18] =	ssyncadd.s32 $0xFFFFC000  }
.LBB2_7:
0x70: {  	s22 =	sadd.s32 $0x0, s14  }
0x71: {  	[tilespmem:s3], [sflag:$0x1] =	stream.linear.gather [hbm4b:s22+s3], $0x80, $0x38;
	[tilespmem:$0x18080] =	vst v63  }
0x72: {  	_ =	swait.ge [sflag:s18], $0x80  }
0x73: {  	[sflag:s18] =	ssyncset.done $0x0  }
0x74: {  	[sflag:s18] =	ssyncadd.s32 $0xFFFFFF80  }
0x75: {  	[tilespmem:s17], [sflag:$0x1] =	stream.linear.gather [hbm4b:s13+s3], $0x4000, $0x38;
	[tilespmem:$0x18080] =	vst v63  }
0x76: {  	_ =	swait.ge [sflag:s18], $0x4000  }
0x77: {  	[sflag:s18] =	ssyncset.done $0x0  }
0x78: {  	[sflag:s18] =	ssyncadd.s32 $0xFFFFC000  }
0x79: {  	[spmem:s2] =	stream.indirect.scatter.add.f32 [tilespmem:s17], [sflag:$0x1], $0x80, s3, s17, $0xb8;
	[tilespmem:$0x18080] =	vst v63  }
0x7a: {  	s23 =	simm.s32 $0x100;
	_ =	swait.ge [sflag:s18], $0x4000  }
0x7b: {  	s24 =	simm.s32 $0x200;
	s22 =	sadd.s32 $0x8000, s13;
	[sflag:s18] =	ssyncset.done $0x0  }
.LBB2_8:
0x7c: {  	s25 =	sadd.s32 s23, s14  }
0x7d: {  	[sflag:s18] =	ssyncadd.s32 $0xFFFFC000;
	s23 =	smov.u32 s24;
	s26 =	sadd.s32 $0x100, s24  }
0x7e: {  	[tilespmem:s3], [sflag:$0x1] =	stream.linear.gather [hbm4b:s25+s3], $0x80, $0x38;
	[tilespmem:$0x18080] =	vst v63  }
0x7f: {  	p1 =	sne.s32 s24, $0x9F00;
	_ =	swait.ge [sflag:s18], $0x80  }
0x80: {  	[sflag:s18] =	ssyncset.done $0x0  }
0x81: {  	[sflag:s18] =	ssyncadd.s32 $0xFFFFFF80  }
0x82: {  	[tilespmem:s17], [sflag:$0x1] =	stream.linear.gather [hbm4b:s22+s3], $0x4000, $0x38;
	[tilespmem:$0x18080] =	vst v63  }
0x83: {  	_ =	swait.ge [sflag:s18], $0x4000  }
.Ltmp6:
0x84: {  	[sflag:s18] =	ssyncset.done $0x0;
	(pc) =	sbr.rel @p1 .LBB2_8-.Ltmp6, $4  }
0x85: {  	[sflag:s18] =	ssyncadd.s32 $0xFFFFC000  }
0x86: {  	[spmem:s2] =	stream.indirect.scatter.add.f32 [tilespmem:s17], [sflag:$0x1], $0x80, s3, s17, $0xb8;
	[tilespmem:$0x18080] =	vst v63  }
0x87: {  	_ =	swait.ge [sflag:s18], $0x4000  }
0x88: {  	s24 =	smov.u32 s26;
	s22 =	sadd.s32 $0x8000, s22;
	[sflag:s18] =	ssyncset.done $0x0  }
.Ltmp7:
0x89: {  	_ = 	snop;
	(pc) =	sbr.rel .LBB2_9-.Ltmp7, $1  }
0x8a: {  	_ =	sdelay $0x3  }
.LBB2_11:
0x8b: {  	_ =	sfence.sel $0x180000  }
0x8c: {  	[bflag:$0x0] =	sbarrier.arrive $0xFFFF  }
0x8d: {  	p0 =	sne.s32 s1, $0x0;
	_ =	strace $0x90000050  }
0x8e: {  	s0 =	sadd.s32 @!p0 $0x100000, s0;
	[bflag:$0x2] =	sbarrier.arrive $0xFFFF  }
0x8f: {  	[sflag:s0] =	ssyncadd.tile.s32 @!p0 $0x1;
	_ =	shalt  }
.Lfunc_end2:
_tile_overlayer_lowered:
.L_overlay_start_2:
0x90: {  	(tag) =	ssettag $0x2  }
0x91: {  	s0 =	rddreg [dreg:$0x0];
	s2 =	stileid.u32  }
0x92: {  	s1 =	rddreg [dreg:$0x1];
	p0 =	sne.s32 s2, $0x0  }
0x93: {  	s3 =	rddreg [dreg:$0x2];
	[bflag:$0x3] =	sbarrier.arrive $0xFFFF;
	s2 =	simm.s32 @!p0 $0x1C01  }
0x94: {  	[timem:s3], [sflag:s2] =	dma.local @!p0 [hbm:s0], s1  }
0x95: {  	s0 =	simm.s32 @!p0 $0x1  }
0x96: {  	_ =	swait.ge @!p0 [sflag:s0], s1  }
0x97: {  	s1 =	ssub.s32 @!p0 $0x0, s1;
	[sflag:s0] =	ssyncset.done @!p0 $0x0  }
0x98: {  	[sflag:s0] =	ssyncadd.s32 @!p0 s1  }
0x99: {  	[bflag:$0x3] =	sbarrier.arrive $0xFFFF  }
0x9a: {  	_ =	shalt  }

// kernel: kernel.25.cloned.1.call-start
scs
__scs_entry_jumppad:
0x0: {  	(pc) =	sbr.rel $0x88, $3  }
0x1: {  	(tag) =	ssettag $0x0;
	lr =	simm.s32 $0x1  }
0x2: {  	[smem:$0x3F85] =	sst lr;
	_ =	strace $0xD0000000  }
0x3: {  	_ = 	snop  }
0x4: {  	_ = 	snop  }
0x5: {  	_ = 	snop  }
0x6: {  	_ = 	snop  }
0x7: {  	_ = 	snop  }
__scs_overlays_trampoline_lowered:
0x8: {  	[smem:$0x3F94] =	sst s0  }
0x9: {  	[smem:$0x3F95] =	sst s1  }
0xa: {  	[smem:$0x3F96] =	sst s2  }
0xb: {  	[smem:$0x3F97] =	sst s3  }
0xc: {  	[smem:$0x3F98] =	sst s4  }
0xd: {  	[smem:$0x3F99] =	sst s5  }
0xe: {  	[smem:$0x3F9A] =	sst s6  }
0xf: {  	[smem:$0x3F9B] =	sst s7  }
0x10: {  	[smem:$0x3F9C] =	sst s8  }
0x11: {  	[smem:$0x3F9D] =	sst s9;
	s0 =	simm.s32 @!p0 $0x0  }
0x12: {  	s1 =	sld [smem:$0x3F83];
	s0 =	simm.s32 @p0 $0x1  }
0x13: {  	[smem:$0x3F9E] =	sst s0;
	s0 =	simm.s32 @!p1 $0x0  }
0x14: {  	s2 =	sld [smem:$0x3F82];
	s0 =	simm.s32 @p1 $0x1  }
0x15: {  	[smem:$0x3F9F] =	sst s0;
	s0 =	simm.s32 @!p2 $0x0  }
0x16: {  	s3 =	sld [smem:$0x3FDB];
	s0 =	simm.s32 @p2 $0x1  }
0x17: {  	s4 =	simm.s32 $0x1BF5;
	[smem:$0x3FA1] =	sst s0  }
0x18: {  	s0 =	sld [smem:$0x3F84];
	_ =	swait.ge [sflag:s4], $0x0  }
0x19: {  	s7 =	sld [smem:$0x3F85]  }
0x1a: {  	s8 =	sadd.s32 $0xFFFFE003, lr  }
0x1b: {  	s9 =	sadd.s32 $0xFFFFFEF7, lr;
	s5 =	simm.s32 $0xFFFFFFFF;
	p2 =	slt.u32 s8, $0xFFFFF086  }
0x1c: {  	p1 =	slt.u32 s9, $0xF7A;
	s5 =	simm.s32 @!p2 $0x0  }
0x1d: {  	s5 =	simm.s32 @p1 $0x1;
	p0 =	seq.s32 s7, s2  }
0x1e: {  	s7 =	smul.u32 @!p0 $0xF7A, s2;
	p2 =	seq.s32 @!p0 s5, $0x0  }
0x1f: {  	s9 =	smul.u32 $0xF7A, s1;
	s8 =	simm.s32 @!p0 $0x1BF5;
	p2 =	por !p2, p0  }
0x20: {  	[sflag:s8] =	ssyncset.s32 @!p0 $0xFFFFF086;
	s6 =	sadd.s32 @!p0 s3, s7;
	s7 =	simm.s32 @!p0 $0x108  }
0x21: {  	s3 =	sadd.s32 s3, s9;
	s6 =	sadd.s32 @!p0 $0x88, s6;
	s7 =	simm.s32 @p2 $0x1082  }
0x22: {  	[simem:s7], [sflag:s8] =	dma.local @!p0 [hbm:s6], $0xF7A  }
0x23: {  	s9 =	sor.u32 $0xD0000000, s2;
	s6 =	simm.s32 $0x108;
	_ =	swait.ge @!p0 [sflag:s8], $0x0  }
0x24: {  	s3 =	sadd.s32 $0x88, s3;
	s6 =	simm.s32 @!p1 $0x1082;
	[sflag:s4] =	ssyncset.s32 $0xFFFFF086  }
0x25: {  	[simem:s6], [sflag:s4] =	dma.local [hbm:s3], $0xF7A  }
0x26: {  	[smem:$0x3F85] =	sst s1;
	(tag) =	ssettag s2;
	_ =	strace s9  }
0x27: {  	s1 =	sld [smem:$0x3F95]  }
0x28: {  	s2 =	sld [smem:$0x3F96]  }
0x29: {  	s4 =	sld [smem:$0x3F98]  }
0x2a: {  	p0 =	seq.s32 s5, $0x0;
	s5 =	sld [smem:$0x3F99]  }
0x2b: {  	s6 =	sld [smem:$0x3F9A]  }
0x2c: {  	s7 =	sld [smem:$0x3F9B]  }
0x2d: {  	s3 =	simm.s32 $0x108;
	s8 =	sld [smem:$0x3F9C]  }
0x2e: {  	s3 =	simm.s32 @!p0 $0x1082;
	s9 =	sld [smem:$0x3F9D]  }
0x2f: {  	lr =	sadd.s32 s0, s3;
	s0 =	sld [smem:$0x3F94]  }
0x30: {  	s3 =	sld [smem:$0x3F97]  }
0x31: {  	[smem:$0x3FA0] =	sst s10  }
0x32: {  	s10 =	sld [smem:$0x3F9E];
	_ =	sdelay $0x3  }
0x33: {  	p0 =	seq.s32 s10, $0x1;
	s10 =	sld [smem:$0x3FA0];
	_ =	sdelay $0x3  }
0x34: {  	[smem:$0x3FA0] =	sst s10  }
0x35: {  	s10 =	sld [smem:$0x3F9F];
	_ =	sdelay $0x3  }
0x36: {  	p1 =	seq.s32 s10, $0x1;
	s10 =	sld [smem:$0x3FA0];
	_ =	sdelay $0x3  }
0x37: {  	[smem:$0x3FA0] =	sst s10  }
0x38: {  	s10 =	sld [smem:$0x3FA1]  }
0x39: {  	_ = 	snop;
	(pc) =	sbr.ind lr, $3  }
0x3a: {  	_ = 	snop  }
0x3b: {  	_ = 	snop  }
0x3c: {  	p2 =	seq.s32 s10, $0x1;
	s10 =	sld [smem:$0x3FA0]  }
0x3d: {  	_ =	shalt  }
0x3e: {  	_ =	shalt  }
0x3f: {  	_ =	shalt  }
0x40: {  	_ =	shalt  }
0x41: {  	_ =	shalt  }
0x42: {  	_ =	shalt  }
0x43: {  	_ =	shalt  }
0x44: {  	_ =	shalt  }
0x45: {  	_ =	shalt  }
0x46: {  	_ =	shalt  }
0x47: {  	_ =	shalt  }
0x48: {  	_ =	shalt  }
0x49: {  	_ =	shalt  }
0x4a: {  	_ =	shalt  }
0x4b: {  	_ =	shalt  }
0x4c: {  	_ =	shalt  }
0x4d: {  	_ =	shalt  }
0x4e: {  	_ =	shalt  }
0x4f: {  	_ =	shalt  }
0x50: {  	_ =	shalt  }
0x51: {  	_ =	shalt  }
0x52: {  	_ =	shalt  }
0x53: {  	_ =	shalt  }
0x54: {  	_ =	shalt  }
0x55: {  	_ =	shalt  }
0x56: {  	_ =	shalt  }
0x57: {  	_ =	shalt  }
0x58: {  	_ =	shalt  }
0x59: {  	_ =	shalt  }
0x5a: {  	_ =	shalt  }
0x5b: {  	_ =	shalt  }
0x5c: {  	_ =	shalt  }
0x5d: {  	_ =	shalt  }
0x5e: {  	_ =	shalt  }
0x5f: {  	_ =	shalt  }
0x60: {  	_ =	shalt  }
0x61: {  	_ =	shalt  }
0x62: {  	_ =	shalt  }
0x63: {  	_ =	shalt  }
0x64: {  	_ =	shalt  }
0x65: {  	_ =	shalt  }
0x66: {  	_ =	shalt  }
0x67: {  	_ =	shalt  }
0x68: {  	_ =	shalt  }
0x69: {  	_ =	shalt  }
0x6a: {  	_ =	shalt  }
0x6b: {  	_ =	shalt  }
0x6c: {  	_ =	shalt  }
0x6d: {  	_ =	shalt  }
0x6e: {  	_ =	shalt  }
0x6f: {  	_ =	shalt  }
0x70: {  	_ =	shalt  }
0x71: {  	_ =	shalt  }
0x72: {  	_ =	shalt  }
0x73: {  	_ =	shalt  }
0x74: {  	_ =	shalt  }
0x75: {  	_ =	shalt  }
0x76: {  	_ =	shalt  }
0x77: {  	_ =	shalt  }
0x78: {  	_ =	shalt  }
0x79: {  	_ =	shalt  }
0x7a: {  	_ =	shalt  }
0x7b: {  	_ =	shalt  }
0x7c: {  	_ =	shalt  }
0x7d: {  	_ =	shalt  }
0x7e: {  	_ =	shalt  }
0x7f: {  	_ =	shalt  }
0x80: {  	_ =	shalt  }
0x81: {  	_ =	shalt  }
0x82: {  	_ =	shalt  }
0x83: {  	_ =	shalt  }
0x84: {  	_ =	shalt  }
0x85: {  	_ =	shalt  }
0x86: {  	_ =	shalt  }
0x87: {  	_ =	shalt  }
.Lfunc_end0:
.L_simem_size_0:
called_computation.4_lowered:
.L_overlay_start_0:
0x88: {  	s2 =	sld [smem:$0x3FD9]  }
0x89: {  	s3 =	sld [smem:$0x3FFE];
	_ =	sdelay $0x1  }
0x8a: {  	s1 =	srdreg.scid  }
0x8b: {  	s0 =	sand.u32 $0x1, s1  }
0x8c: {  	s16 =	sshll.u32 s0, $0xA;
	s2 =	sadd.s32 s3, s2  }
0x8d: {  	s2 =	sadd.s32 s2, s16  }
0x8e: {  	[smem:$0x3FAC] =	sst s2  }
0x8f: {  	_ = 	snop  }
0x90: {  	(tm) =	ssettm $0x1  }
0x91: {  	s17 =	sld [smem:$0x3FFB];
	_ =	sdelay $0x3  }
0x92: {  	_ =	strace s17  }
0x93: {  	s2 =	sld [smem:$0x3FFC];
	_ =	sdelay $0x3  }
0x94: {  	_ =	strace s2  }
0x95: {  	s2 =	sld [smem:$0x3FFD];
	_ =	sdelay $0x3  }
0x96: {  	_ =	strace s2  }
0x97: {  	_ =	strace $0x8FFFFFFF  }
0x98: {  	s18 =	sld [smem:$0x3FDB];
	_ =	sdelay $0x1  }
0x99: {  	s19 =	simm.s32 $_scs_section_size  }
0x9a: {  	s4 =	simm.s32 $_size__tile_overlayer_lowered;
	s5 =	simm.s32 $_tile_overlayer_lowered  }
0x9b: {  	s22 =	simm.s32 $0x1BFF;
	s21 =	sshll.u32 s5, $0x1;
	s2 =	sadd.s32 s19, s18  }
0x9c: {  	s6 =	simm.s32 $0x0;
	s20 =	sshll.u32 s4, $0x1;
	s4 =	sadd.s32 s21, s2  }
0x9d: {  	[timem:s6], [sflag:s22] =	dma.local [hbm:s4], s20  }
0x9e: {  	_ =	swait.ge [sflag:s22], s20  }
0x9f: {  	s3 =	ssub.s32 $0x0, s20;
	[sflag:s22] =	ssyncset.done $0x0  }
0xa0: {  	[sflag:s22] =	ssyncadd.s32 s3;
	_ =	sdelay $0x1  }
0xa1: {  	s23 =	simm.s32 $0x1B8B  }
0xa2: {  	_ =	swait.ge [sflag:s23], $0x1  }
0xa3: {  	[sflag:s23] =	ssyncset.done $0x0  }
0xa4: {  	s25 =	simm.s32 $0x1B8E;
	s24 =	sld [smem:$0x3FFE];
	[sflag:s23] =	ssyncadd.s32 $0xFFFFFFFF  }
0xa5: {  	s26 =	simm.s32 $execute0_lowered;
	[smem:$0x3FD2] =	sst s25  }
0xa6: {  	s4 =	sshll.u32 s26, $0x1;
	_ =	strace $0x80000052;
	[dreg:$0x1] =	wrdreg $0xFFFFFFFF  }
0xa7: {  	s28 =	simm.s32 $_size_execute0_lowered;
	s2 =	sadd.s32 s2, s4;
	[dreg:$0x0] =	wrdreg $0x0  }
0xa8: {  	s4 =	sshll.u32 s28, $0x1;
	[dreg:$0x2] =	wrdreg s2  }
0xa9: {  	[dreg:$0x3] =	wrdreg s4  }
0xaa: {  	[dreg:$0x4] =	wrdreg $0xC0  }
0xab: {  	_ =	task [dreg:s6], $0x5FFFF  }
0xac: {  	[dreg:$0x1] =	wrdreg $0xFFFFFFFF  }
0xad: {  	[dreg:$0x0] =	wrdreg $0x60  }
0xae: {  	[dreg:$0x2] =	wrdreg s24  }
0xaf: {  	[dreg:$0x3] =	wrdreg $0x9  }
0xb0: {  	_ =	task.clear_ibuf [dreg:s6], $0x4FFFF;
	_ =	strace $0x90000052  }
0xb1: {  	s29 =	simm.s32 $0x9;
	_ =	strace $0x80000054  }
0xb2: {  	_ =	swait.ge [sflag:s29], $0x1  }
0xb3: {  	[sflag:s29] =	ssyncadd.s32 $0xFFFFFFFF  }
0xb4: {  	_ =	strace $0x90000054  }
0xb5: {  	_ =	sfence  }
0xb6: {  	s30 =	sld [smem:$0x0];
	_ =	sdelay $0x2  }
0xb7: {  	s31 =	sshll.u32 s1, $0xD;
	s1 =	sshrl.u32 s1, $0x2  }
0xb8: {  	s3 =	sand.u32 $0x4000, s31;
	s1 =	sadd.s32 s1, s30  }
0xb9: {  	s0 =	sor.u32 s3, s0;
	s1 =	sshll.u32 s1, $0x11  }
0xba: {  	s0 =	sor.u32 s1, s0  }
0xbb: {  	s0 =	sadd.s32 $0x8F2B, s0  }
0xbc: {  	[sflag:s0] =	ssyncadd.remote.s32 $0x1  }
0xbd: {  	_ =	sfence.sel $0xFFFF  }
0xbe: {  	[dreg:$0x0] =	wrdreg $0xFFFFFFFF;
	(pc) =	sbr.abs _section_cstart, $3  }
0xbf: {  	[dreg:$0x1] =	wrdreg $0xFFFFFFFF  }
0xc0: {  	_ =	task.clear_ibuf [dreg:s6], $0x2FFFF;
	_ =	strace $0x9FFFFFFF  }
0xc1: {  	(tm) =	ssettm $0x7FFFFFFF  }
tec
execute0_lowered:
.L_overlay_start_1:
0x0: {  	(tag) =	ssettag $0x1  }
0x1: {  	s4 =	rddreg [dreg:$0x0]  }
0x2: {  	s0 =	rddreg [dreg:$0x1];
	s2 =	simm.s32 $0x0  }
0x3: {  	s3 =	srdreg.scid;
	s1 =	stileid.u32;
	s11 =	simm.s32 $0x1  }
0x4: {  	s12 =	simm.s32 $0x0;
	[smem:$0x7FF] =	sst s2;
	s5 =	sand.u32 $0x1, s3  }
0x5: {  	s3 =	sadd.s32 $0xC000, s4;
	s6 =	sshll.u32 s1, $0x4;
	s30 =	sshll.u32 s1, $0xB  }
.Ltmp0:
0x6: {  	_ =	strace $0x80000053;
	s7 =	ssub.s32 $0x2, s5;
	(pc) =	sbr.rel .LBB2_1-.Ltmp0, $4  }
0x7: {  	s8 =	sadd.s32 s6, s4;
	s10 =	sadd.s32 s30, s4;
	p0 =	seq.s32 s5, $0x1  }
0x8: {  	s9 =	sshrl.u32 s7, $0x1;
	s5 =	sadd.s32 $0x132200, s10;
	s6 =	sadd.s32 $0x9A000, s8  }
0x9: {  	s8 =	sadd.s32 $0x90000, s8;
	s31 =	ssub.s32 s7, s9;
	s7 =	sadd.s32 $0x632200, s10  }
0xa: {  	s9 =	simm.s32 $0x2;
	s10 =	simm.s32 $0x80;
	s4 =	smax.u32 s31, $0x1  }
.LBB2_7:
0xb: {  	s14 =	sadd.s32 s14, s8;
	[sflag:s9] =	ssyncadd.s32 $0xFFFFC000  }
0xc: {  	[tilespmem:s2], [sflag:$0x2] =	stream.linear.gather [hbm4b:s14+s2], $0x80, $0x38;
	[tilespmem:$0x4080] =	vst v63  }
0xd: {  	_ =	swait.ge [sflag:s9], $0x80  }
0xe: {  	[sflag:s9] =	ssyncset.done $0x0  }
0xf: {  	[sflag:s9] =	ssyncadd.s32 $0xFFFFFF80  }
0x10: {  	[tilespmem:s10], [sflag:$0x1] =	stream.indirect.gather [hbm4b:s3+s10], $0x80, s2, s10, $0xb8;
	[tilespmem:$0x4080] =	vst v63  }
0x11: {  	_ =	swait.ge [sflag:s11], $0x4000  }
0x12: {  	[sflag:s11] =	ssyncset.done $0x0  }
0x13: {  	[sflag:s11] =	ssyncadd.s32 $0xFFFFC000  }
0x14: {  	[hbm4b:s13+s2] =	stream.linear.scatter [tilespmem:s10], [sflag:$0x2], $0x4000, $0x38;
	[tilespmem:$0x4080] =	vst v63  }
0x15: {  	_ =	swait.ge [sflag:s9], $0x4000  }
0x16: {  	[sflag:s9] =	ssyncset.done $0x0  }
0x17: {  	[sflag:s9] =	ssyncadd.s32 $0xFFFFC000  }
.LBB2_8:
0x18: {  	s12 =	sadd.s32 $0x1, s12  }
0x19: {  	p1 =	sne.s32 s12, s4  }
.Ltmp1:
0x1a: {  	_ = 	snop;
	(pc) =	sbr.rel @!p1 .LBB2_9-.Ltmp1, $1  }
0x1b: {  	_ =	sdelay $0x3  }
.LBB2_1:
.Ltmp2:
0x1c: {  	(pc) =	sbr.rel @!p0 .LBB2_2-.Ltmp2, $1  }
0x1d: {  	_ =	sdelay $0x3  }
0x1e: {  	s13 =	sadd.s32 $0x0, s8  }
0x1f: {  	[tilespmem:s2], [sflag:$0x2] =	stream.linear.gather [hbm4b:s13+s2], $0x80, $0x38;
	[tilespmem:$0x4080] =	vst v63  }
0x20: {  	_ =	swait.ge [sflag:s9], $0x80  }
0x21: {  	[sflag:s9] =	ssyncset.done $0x0  }
0x22: {  	[sflag:s9] =	ssyncadd.s32 $0xFFFFFF80  }
0x23: {  	[tilespmem:s10], [sflag:$0x1] =	stream.indirect.gather [hbm4b:s3+s10], $0x80, s2, s10, $0xb8;
	[tilespmem:$0x4080] =	vst v63  }
0x24: {  	_ =	swait.ge [sflag:s11], $0x4000  }
0x25: {  	[sflag:s11] =	ssyncset.done $0x0  }
0x26: {  	[sflag:s11] =	ssyncadd.s32 $0xFFFFC000  }
0x27: {  	[hbm4b:s7+s2] =	stream.linear.scatter [tilespmem:s10], [sflag:$0x2], $0x4000, $0x38;
	[tilespmem:$0x4080] =	vst v63  }
0x28: {  	s14 =	simm.s32 $0x100;
	_ =	swait.ge [sflag:s9], $0x4000  }
0x29: {  	s15 =	simm.s32 $0x200;
	s13 =	sadd.s32 $0x8000, s7;
	[sflag:s9] =	ssyncset.done $0x0  }
.LBB2_6:
0x2a: {  	s16 =	sadd.s32 s14, s8  }
0x2b: {  	[sflag:s9] =	ssyncadd.s32 $0xFFFFC000;
	s14 =	smov.u32 s15;
	s17 =	sadd.s32 $0x100, s15  }
0x2c: {  	[tilespmem:s2], [sflag:$0x2] =	stream.linear.gather [hbm4b:s16+s2], $0x80, $0x38;
	[tilespmem:$0x4080] =	vst v63  }
0x2d: {  	p1 =	sne.s32 s15, $0x9F00;
	_ =	swait.ge [sflag:s9], $0x80  }
0x2e: {  	[sflag:s9] =	ssyncset.done $0x0  }
0x2f: {  	[sflag:s9] =	ssyncadd.s32 $0xFFFFFF80  }
0x30: {  	[tilespmem:s10], [sflag:$0x1] =	stream.indirect.gather [hbm4b:s3+s10], $0x80, s2, s10, $0xb8;
	[tilespmem:$0x4080] =	vst v63  }
0x31: {  	_ =	swait.ge [sflag:s11], $0x4000  }
.Ltmp3:
0x32: {  	[sflag:s11] =	ssyncset.done $0x0;
	(pc) =	sbr.rel @p1 .LBB2_6-.Ltmp3, $4  }
0x33: {  	[sflag:s11] =	ssyncadd.s32 $0xFFFFC000  }
0x34: {  	[hbm4b:s13+s2] =	stream.linear.scatter [tilespmem:s10], [sflag:$0x2], $0x4000, $0x38;
	[tilespmem:$0x4080] =	vst v63  }
0x35: {  	_ =	swait.ge [sflag:s9], $0x4000  }
0x36: {  	s15 =	smov.u32 s17;
	s13 =	sadd.s32 $0x8000, s13;
	[sflag:s9] =	ssyncset.done $0x0  }
.Ltmp4:
0x37: {  	_ = 	snop;
	(pc) =	sbr.rel .LBB2_7-.Ltmp4, $1  }
0x38: {  	_ =	sdelay $0x3  }
.LBB2_2:
0x39: {  	s13 =	sadd.s32 $0x0, s6  }
0x3a: {  	[tilespmem:s2], [sflag:$0x2] =	stream.linear.gather [hbm4b:s13+s2], $0x80, $0x38;
	[tilespmem:$0x4080] =	vst v63  }
0x3b: {  	_ =	swait.ge [sflag:s9], $0x80  }
0x3c: {  	[sflag:s9] =	ssyncset.done $0x0  }
0x3d: {  	[sflag:s9] =	ssyncadd.s32 $0xFFFFFF80  }
0x3e: {  	[tilespmem:s10], [sflag:$0x1] =	stream.indirect.gather [hbm4b:s3+s10], $0x80, s2, s10, $0xb8;
	[tilespmem:$0x4080] =	vst v63  }
0x3f: {  	_ =	swait.ge [sflag:s11], $0x4000  }
0x40: {  	[sflag:s11] =	ssyncset.done $0x0  }
0x41: {  	[sflag:s11] =	ssyncadd.s32 $0xFFFFC000  }
0x42: {  	[hbm4b:s5+s2] =	stream.linear.scatter [tilespmem:s10], [sflag:$0x2], $0x4000, $0x38;
	[tilespmem:$0x4080] =	vst v63  }
0x43: {  	s14 =	simm.s32 $0x100;
	_ =	swait.ge [sflag:s9], $0x4000  }
0x44: {  	s15 =	simm.s32 $0x200;
	s13 =	sadd.s32 $0x8000, s5;
	[sflag:s9] =	ssyncset.done $0x0  }
.LBB2_3:
0x45: {  	s16 =	sadd.s32 s14, s6  }
0x46: {  	[sflag:s9] =	ssyncadd.s32 $0xFFFFC000;
	s14 =	smov.u32 s15;
	s17 =	sadd.s32 $0x100, s15  }
0x47: {  	[tilespmem:s2], [sflag:$0x2] =	stream.linear.gather [hbm4b:s16+s2], $0x80, $0x38;
	[tilespmem:$0x4080] =	vst v63  }
0x48: {  	p1 =	seq.s32 s15, $0x9F00;
	_ =	swait.ge [sflag:s9], $0x80  }
0x49: {  	[sflag:s9] =	ssyncset.done $0x0  }
0x4a: {  	[sflag:s9] =	ssyncadd.s32 $0xFFFFFF80  }
0x4b: {  	[tilespmem:s10], [sflag:$0x1] =	stream.indirect.gather [hbm4b:s3+s10], $0x80, s2, s10, $0xb8;
	[tilespmem:$0x4080] =	vst v63  }
0x4c: {  	_ =	swait.ge [sflag:s11], $0x4000  }
.Ltmp5:
0x4d: {  	[sflag:s11] =	ssyncset.done $0x0;
	(pc) =	sbr.rel @!p1 .LBB2_3-.Ltmp5, $4  }
0x4e: {  	[sflag:s11] =	ssyncadd.s32 $0xFFFFC000  }
0x4f: {  	[hbm4b:s13+s2] =	stream.linear.scatter [tilespmem:s10], [sflag:$0x2], $0x4000, $0x38;
	[tilespmem:$0x4080] =	vst v63  }
0x50: {  	_ =	swait.ge [sflag:s9], $0x4000  }
0x51: {  	s15 =	smov.u32 s17;
	s13 =	sadd.s32 $0x8000, s13;
	[sflag:s9] =	ssyncset.done $0x0  }
0x52: {  	s14 =	sadd.s32 s14, s6;
	[sflag:s9] =	ssyncadd.s32 $0xFFFFC000  }
0x53: {  	[tilespmem:s2], [sflag:$0x2] =	stream.linear.gather [hbm4b:s14+s2], $0x80, $0x38;
	[tilespmem:$0x4080] =	vst v63  }
0x54: {  	_ =	swait.ge [sflag:s9], $0x80  }
0x55: {  	[sflag:s9] =	ssyncset.done $0x0  }
0x56: {  	[sflag:s9] =	ssyncadd.s32 $0xFFFFFF80  }
0x57: {  	[tilespmem:s10], [sflag:$0x1] =	stream.indirect.gather [hbm4b:s3+s10], $0x80, s2, s10, $0xb8;
	[tilespmem:$0x4080] =	vst v63  }
0x58: {  	_ =	swait.ge [sflag:s11], $0x4000  }
0x59: {  	[sflag:s11] =	ssyncset.done $0x0  }
.Ltmp6:
0x5a: {  	[sflag:s11] =	ssyncadd.s32 $0xFFFFC000;
	(pc) =	sbr.rel .LBB2_8-.Ltmp6, $4  }
0x5b: {  	[hbm4b:s13+s2] =	stream.linear.scatter [tilespmem:s10], [sflag:$0x2], $0x4000, $0x38;
	[tilespmem:$0x4080] =	vst v63  }
0x5c: {  	_ =	swait.ge [sflag:s9], $0x4000  }
0x5d: {  	[sflag:s9] =	ssyncset.done $0x0  }
0x5e: {  	[sflag:s9] =	ssyncadd.s32 $0xFFFFC000  }
.LBB2_9:
0x5f: {  	_ =	sfence.sel $0x180000  }
0x60: {  	[bflag:$0x0] =	sbarrier.arrive $0xFFFF  }
0x61: {  	p0 =	sne.s32 s1, $0x0;
	_ =	strace $0x90000053  }
0x62: {  	s0 =	sadd.s32 @!p0 $0x100000, s0;
	[bflag:$0x2] =	sbarrier.arrive $0xFFFF  }
0x63: {  	[sflag:s0] =	ssyncadd.tile.s32 @!p0 $0x1;
	_ =	shalt  }
.Lfunc_end2:
_tile_overlayer_lowered:
.L_overlay_start_2:
0x64: {  	(tag) =	ssettag $0x2  }
0x65: {  	s0 =	rddreg [dreg:$0x0];
	s2 =	stileid.u32  }
0x66: {  	s1 =	rddreg [dreg:$0x1];
	p0 =	sne.s32 s2, $0x0  }
0x67: {  	s3 =	rddreg [dreg:$0x2];
	[bflag:$0x3] =	sbarrier.arrive $0xFFFF;
	s2 =	simm.s32 @!p0 $0x1C02  }
0x68: {  	[timem:s3], [sflag:s2] =	dma.local @!p0 [hbm:s0], s1  }
0x69: {  	s0 =	simm.s32 @!p0 $0x2  }
0x6a: {  	_ =	swait.ge @!p0 [sflag:s0], s1  }
0x6b: {  	s1 =	ssub.s32 @!p0 $0x0, s1;
	[sflag:s0] =	ssyncset.done @!p0 $0x0  }
0x6c: {  	[sflag:s0] =	ssyncadd.s32 @!p0 s1  }
0x6d: {  	[bflag:$0x3] =	sbarrier.arrive $0xFFFF  }
0x6e: {  	_ =	shalt  }

// kernel: kernel.28.cloned.1.call-start
scs
__scs_entry_jumppad:
0x0: {  	(pc) =	sbr.rel $0x88, $3  }
0x1: {  	(tag) =	ssettag $0x0;
	lr =	simm.s32 $0x1  }
0x2: {  	[smem:$0x3F85] =	sst lr;
	_ =	strace $0xD0000000  }
0x3: {  	_ = 	snop  }
0x4: {  	_ = 	snop  }
0x5: {  	_ = 	snop  }
0x6: {  	_ = 	snop  }
0x7: {  	_ = 	snop  }
__scs_overlays_trampoline_lowered:
0x8: {  	[smem:$0x3F94] =	sst s0  }
0x9: {  	[smem:$0x3F95] =	sst s1  }
0xa: {  	[smem:$0x3F96] =	sst s2  }
0xb: {  	[smem:$0x3F97] =	sst s3  }
0xc: {  	[smem:$0x3F98] =	sst s4  }
0xd: {  	[smem:$0x3F99] =	sst s5  }
0xe: {  	[smem:$0x3F9A] =	sst s6  }
0xf: {  	[smem:$0x3F9B] =	sst s7  }
0x10: {  	[smem:$0x3F9C] =	sst s8  }
0x11: {  	[smem:$0x3F9D] =	sst s9;
	s0 =	simm.s32 @!p0 $0x0  }
0x12: {  	s1 =	sld [smem:$0x3F83];
	s0 =	simm.s32 @p0 $0x1  }
0x13: {  	[smem:$0x3F9E] =	sst s0;
	s0 =	simm.s32 @!p1 $0x0  }
0x14: {  	s2 =	sld [smem:$0x3F82];
	s0 =	simm.s32 @p1 $0x1  }
0x15: {  	[smem:$0x3F9F] =	sst s0;
	s0 =	simm.s32 @!p2 $0x0  }
0x16: {  	s3 =	sld [smem:$0x3FDB];
	s0 =	simm.s32 @p2 $0x1  }
0x17: {  	s4 =	simm.s32 $0x1BF5;
	[smem:$0x3FA1] =	sst s0  }
0x18: {  	s0 =	sld [smem:$0x3F84];
	_ =	swait.ge [sflag:s4], $0x0  }
0x19: {  	s7 =	sld [smem:$0x3F85]  }
0x1a: {  	s8 =	sadd.s32 $0xFFFFE003, lr  }
0x1b: {  	s9 =	sadd.s32 $0xFFFFFEF7, lr;
	s5 =	simm.s32 $0xFFFFFFFF;
	p2 =	slt.u32 s8, $0xFFFFF086  }
0x1c: {  	p1 =	slt.u32 s9, $0xF7A;
	s5 =	simm.s32 @!p2 $0x0  }
0x1d: {  	s5 =	simm.s32 @p1 $0x1;
	p0 =	seq.s32 s7, s2  }
0x1e: {  	s7 =	smul.u32 @!p0 $0xF7A, s2;
	p2 =	seq.s32 @!p0 s5, $0x0  }
0x1f: {  	s9 =	smul.u32 $0xF7A, s1;
	s8 =	simm.s32 @!p0 $0x1BF5;
	p2 =	por !p2, p0  }
0x20: {  	[sflag:s8] =	ssyncset.s32 @!p0 $0xFFFFF086;
	s6 =	sadd.s32 @!p0 s3, s7;
	s7 =	simm.s32 @!p0 $0x108  }
0x21: {  	s3 =	sadd.s32 s3, s9;
	s6 =	sadd.s32 @!p0 $0x88, s6;
	s7 =	simm.s32 @p2 $0x1082  }
0x22: {  	[simem:s7], [sflag:s8] =	dma.local @!p0 [hbm:s6], $0xF7A  }
0x23: {  	s9 =	sor.u32 $0xD0000000, s2;
	s6 =	simm.s32 $0x108;
	_ =	swait.ge @!p0 [sflag:s8], $0x0  }
0x24: {  	s3 =	sadd.s32 $0x88, s3;
	s6 =	simm.s32 @!p1 $0x1082;
	[sflag:s4] =	ssyncset.s32 $0xFFFFF086  }
0x25: {  	[simem:s6], [sflag:s4] =	dma.local [hbm:s3], $0xF7A  }
0x26: {  	[smem:$0x3F85] =	sst s1;
	(tag) =	ssettag s2;
	_ =	strace s9  }
0x27: {  	s1 =	sld [smem:$0x3F95]  }
0x28: {  	s2 =	sld [smem:$0x3F96]  }
0x29: {  	s4 =	sld [smem:$0x3F98]  }
0x2a: {  	p0 =	seq.s32 s5, $0x0;
	s5 =	sld [smem:$0x3F99]  }
0x2b: {  	s6 =	sld [smem:$0x3F9A]  }
0x2c: {  	s7 =	sld [smem:$0x3F9B]  }
0x2d: {  	s3 =	simm.s32 $0x108;
	s8 =	sld [smem:$0x3F9C]  }
0x2e: {  	s3 =	simm.s32 @!p0 $0x1082;
	s9 =	sld [smem:$0x3F9D]  }
0x2f: {  	lr =	sadd.s32 s0, s3;
	s0 =	sld [smem:$0x3F94]  }
0x30: {  	s3 =	sld [smem:$0x3F97]  }
0x31: {  	[smem:$0x3FA0] =	sst s10  }
0x32: {  	s10 =	sld [smem:$0x3F9E];
	_ =	sdelay $0x3  }
0x33: {  	p0 =	seq.s32 s10, $0x1;
	s10 =	sld [smem:$0x3FA0];
	_ =	sdelay $0x3  }
0x34: {  	[smem:$0x3FA0] =	sst s10  }
0x35: {  	s10 =	sld [smem:$0x3F9F];
	_ =	sdelay $0x3  }
0x36: {  	p1 =	seq.s32 s10, $0x1;
	s10 =	sld [smem:$0x3FA0];
	_ =	sdelay $0x3  }
0x37: {  	[smem:$0x3FA0] =	sst s10  }
0x38: {  	s10 =	sld [smem:$0x3FA1]  }
0x39: {  	_ = 	snop;
	(pc) =	sbr.ind lr, $3  }
0x3a: {  	_ = 	snop  }
0x3b: {  	_ = 	snop  }
0x3c: {  	p2 =	seq.s32 s10, $0x1;
	s10 =	sld [smem:$0x3FA0]  }
0x3d: {  	_ =	shalt  }
0x3e: {  	_ =	shalt  }
0x3f: {  	_ =	shalt  }
0x40: {  	_ =	shalt  }
0x41: {  	_ =	shalt  }
0x42: {  	_ =	shalt  }
0x43: {  	_ =	shalt  }
0x44: {  	_ =	shalt  }
0x45: {  	_ =	shalt  }
0x46: {  	_ =	shalt  }
0x47: {  	_ =	shalt  }
0x48: {  	_ =	shalt  }
0x49: {  	_ =	shalt  }
0x4a: {  	_ =	shalt  }
0x4b: {  	_ =	shalt  }
0x4c: {  	_ =	shalt  }
0x4d: {  	_ =	shalt  }
0x4e: {  	_ =	shalt  }
0x4f: {  	_ =	shalt  }
0x50: {  	_ =	shalt  }
0x51: {  	_ =	shalt  }
0x52: {  	_ =	shalt  }
0x53: {  	_ =	shalt  }
0x54: {  	_ =	shalt  }
0x55: {  	_ =	shalt  }
0x56: {  	_ =	shalt  }
0x57: {  	_ =	shalt  }
0x58: {  	_ =	shalt  }
0x59: {  	_ =	shalt  }
0x5a: {  	_ =	shalt  }
0x5b: {  	_ =	shalt  }
0x5c: {  	_ =	shalt  }
0x5d: {  	_ =	shalt  }
0x5e: {  	_ =	shalt  }
0x5f: {  	_ =	shalt  }
0x60: {  	_ =	shalt  }
0x61: {  	_ =	shalt  }
0x62: {  	_ =	shalt  }
0x63: {  	_ =	shalt  }
0x64: {  	_ =	shalt  }
0x65: {  	_ =	shalt  }
0x66: {  	_ =	shalt  }
0x67: {  	_ =	shalt  }
0x68: {  	_ =	shalt  }
0x69: {  	_ =	shalt  }
0x6a: {  	_ =	shalt  }
0x6b: {  	_ =	shalt  }
0x6c: {  	_ =	shalt  }
0x6d: {  	_ =	shalt  }
0x6e: {  	_ =	shalt  }
0x6f: {  	_ =	shalt  }
0x70: {  	_ =	shalt  }
0x71: {  	_ =	shalt  }
0x72: {  	_ =	shalt  }
0x73: {  	_ =	shalt  }
0x74: {  	_ =	shalt  }
0x75: {  	_ =	shalt  }
0x76: {  	_ =	shalt  }
0x77: {  	_ =	shalt  }
0x78: {  	_ =	shalt  }
0x79: {  	_ =	shalt  }
0x7a: {  	_ =	shalt  }
0x7b: {  	_ =	shalt  }
0x7c: {  	_ =	shalt  }
0x7d: {  	_ =	shalt  }
0x7e: {  	_ =	shalt  }
0x7f: {  	_ =	shalt  }
0x80: {  	_ =	shalt  }
0x81: {  	_ =	shalt  }
0x82: {  	_ =	shalt  }
0x83: {  	_ =	shalt  }
0x84: {  	_ =	shalt  }
0x85: {  	_ =	shalt  }
0x86: {  	_ =	shalt  }
0x87: {  	_ =	shalt  }
.Lfunc_end0:
.L_simem_size_0:
called_computation.5_lowered:
.L_overlay_start_0:
0x88: {  	s2 =	sld [smem:$0x3FD9]  }
0x89: {  	s3 =	sld [smem:$0x3FFE];
	_ =	sdelay $0x1  }
0x8a: {  	s1 =	srdreg.scid  }
0x8b: {  	s0 =	sand.u32 $0x1, s1  }
0x8c: {  	s16 =	sshll.u32 s0, $0xA;
	s2 =	sadd.s32 s3, s2  }
0x8d: {  	s2 =	sadd.s32 s2, s16  }
0x8e: {  	[smem:$0x3FAC] =	sst s2  }
0x8f: {  	_ = 	snop  }
0x90: {  	(tm) =	ssettm $0x1  }
0x91: {  	s17 =	sld [smem:$0x3FFB];
	_ =	sdelay $0x3  }
0x92: {  	_ =	strace s17  }
0x93: {  	s2 =	sld [smem:$0x3FFC];
	_ =	sdelay $0x3  }
0x94: {  	_ =	strace s2  }
0x95: {  	s2 =	sld [smem:$0x3FFD];
	_ =	sdelay $0x3  }
0x96: {  	_ =	strace s2  }
0x97: {  	_ =	strace $0x8FFFFFFF  }
0x98: {  	s18 =	sld [smem:$0x3FDB];
	_ =	sdelay $0x1  }
0x99: {  	s19 =	simm.s32 $_scs_section_size  }
0x9a: {  	s4 =	simm.s32 $_size__tile_overlayer_lowered;
	s5 =	simm.s32 $_tile_overlayer_lowered  }
0x9b: {  	s22 =	simm.s32 $0x1BFF;
	s21 =	sshll.u32 s5, $0x1;
	s2 =	sadd.s32 s19, s18  }
0x9c: {  	s6 =	simm.s32 $0x0;
	s20 =	sshll.u32 s4, $0x1;
	s4 =	sadd.s32 s21, s2  }
0x9d: {  	[timem:s6], [sflag:s22] =	dma.local [hbm:s4], s20  }
0x9e: {  	_ =	swait.ge [sflag:s22], s20  }
0x9f: {  	s3 =	ssub.s32 $0x0, s20;
	[sflag:s22] =	ssyncset.done $0x0  }
0xa0: {  	[sflag:s22] =	ssyncadd.s32 s3;
	_ =	sdelay $0x1  }
0xa1: {  	s23 =	simm.s32 $0x1B8B  }
0xa2: {  	_ =	swait.ge [sflag:s23], $0x1  }
0xa3: {  	[sflag:s23] =	ssyncset.done $0x0  }
0xa4: {  	s25 =	simm.s32 $0x1B8E;
	s24 =	sld [smem:$0x3FFE];
	[sflag:s23] =	ssyncadd.s32 $0xFFFFFFFF  }
0xa5: {  	s26 =	simm.s32 $execute0_lowered;
	[smem:$0x3FD2] =	sst s25  }
0xa6: {  	s4 =	sshll.u32 s26, $0x1;
	_ =	strace $0x80000055;
	[dreg:$0x1] =	wrdreg $0xFFFFFFFF  }
0xa7: {  	s28 =	simm.s32 $_size_execute0_lowered;
	s2 =	sadd.s32 s2, s4;
	[dreg:$0x0] =	wrdreg $0x0  }
0xa8: {  	s4 =	sshll.u32 s28, $0x1;
	[dreg:$0x2] =	wrdreg s2  }
0xa9: {  	[dreg:$0x3] =	wrdreg s4  }
0xaa: {  	[dreg:$0x4] =	wrdreg $0xC0  }
0xab: {  	_ =	task [dreg:s6], $0x5FFFF  }
0xac: {  	[dreg:$0x1] =	wrdreg $0xFFFFFFFF  }
0xad: {  	[dreg:$0x0] =	wrdreg $0x60  }
0xae: {  	[dreg:$0x2] =	wrdreg s24  }
0xaf: {  	[dreg:$0x3] =	wrdreg $0x40800  }
0xb0: {  	[dreg:$0x4] =	wrdreg $0x9  }
0xb1: {  	_ =	task.clear_ibuf [dreg:s6], $0x5FFFF;
	_ =	strace $0x90000055  }
0xb2: {  	s29 =	simm.s32 $0x9;
	_ =	strace $0x80000057  }
0xb3: {  	_ =	swait.ge [sflag:s29], $0x1  }
0xb4: {  	[sflag:s29] =	ssyncadd.s32 $0xFFFFFFFF  }
0xb5: {  	_ =	strace $0x90000057  }
0xb6: {  	_ =	sfence  }
0xb7: {  	s30 =	sld [smem:$0x0];
	_ =	sdelay $0x2  }
0xb8: {  	s31 =	sshll.u32 s1, $0xD;
	s1 =	sshrl.u32 s1, $0x2  }
0xb9: {  	s3 =	sand.u32 $0x4000, s31;
	s1 =	sadd.s32 s1, s30  }
0xba: {  	s0 =	sor.u32 s3, s0;
	s1 =	sshll.u32 s1, $0x11  }
0xbb: {  	s0 =	sor.u32 s1, s0  }
0xbc: {  	s0 =	sadd.s32 $0x8F2B, s0  }
0xbd: {  	[sflag:s0] =	ssyncadd.remote.s32 $0x1  }
0xbe: {  	_ =	sfence.sel $0xFFFF  }
0xbf: {  	[dreg:$0x0] =	wrdreg $0xFFFFFFFF;
	(pc) =	sbr.abs _section_cstart, $3  }
0xc0: {  	[dreg:$0x1] =	wrdreg $0xFFFFFFFF  }
0xc1: {  	_ =	task.clear_ibuf [dreg:s6], $0x2FFFF;
	_ =	strace $0x9FFFFFFF  }
0xc2: {  	(tm) =	ssettm $0x7FFFFFFF  }
0xc3: {  	_ =	shalt  }
tec
execute0_lowered:
.L_overlay_start_1:
0x0: {  	(tag) =	ssettag $0x1  }
0x1: {  	s5 =	rddreg [dreg:$0x0]  }
0x2: {  	s2 =	rddreg [dreg:$0x1]  }
0x3: {  	s0 =	rddreg [dreg:$0x2]  }
0x4: {  	s3 =	simm.s32 $0x0;
	s1 =	stileid.u32;
	s6 =	srdreg.scid  }
0x5: {  	s18 =	simm.s32 $0x1;
	s21 =	simm.s32 $0x0;
	[smem:$0x7FF] =	sst s3  }
0x6: {  	s4 =	sshll.u32 s1, $0xB;
	s17 =	sand.u32 $0x1, s6;
	s30 =	sshll.u32 s1, $0x4  }
0x7: {  	s7 =	smul.u32 $0x50000, s1;
	s19 =	sshll.u32 s1, $0x6;
	_ =	strace $0x80000056  }
0x8: {  	s15 =	sadd.s32 s4, s5;
	s6 =	ssub.s32 $0x2, s17;
	s16 =	sadd.s32 s30, s5  }
0x9: {  	s4 =	sadd.s32 $0x5A400, s5;
	s5 =	sadd.s32 $0xB8000, s5;
	p0 =	sne.s32 s17, $0x0  }
0xa: {  	s17 =	simm.s32 $0x80;
	s19 =	sor.u32 $0x1C01, s19;
	s8 =	sshrl.u32 s6, $0x1  }
.Ltmp0:
0xb: {  	s31 =	sshrl.u32 s7, $0x2;
	s13 =	sadd.s32 $0x1032200, s15;
	(pc) =	sbr.rel .LBB2_1-.Ltmp0, $4  }
0xc: {  	s7 =	smul.u32 $0x2800, s1;
	s14 =	sadd.s32 $0xA4000, s16;
	s15 =	sadd.s32 $0xB32200, s15  }
0xd: {  	s16 =	sadd.s32 $0xAE000, s16;
	s8 =	ssub.s32 s6, s8;
	s6 =	sadd.s32 s31, s2  }
0xe: {  	s8 =	smax.u32 s8, $0x1;
	s9 =	sadd.s32 $0x4000, s6;
	s10 =	sadd.s32 $0x8000, s6  }
0xf: {  	v0 =	vimm.f32 $0.0e+00;
	s11 =	sadd.s32 $0xC000, s6;
	s12 =	sadd.s32 $0x10000, s6;
	s20 =	sshrl.u32 s6, $0x3  }
.LBB2_9:
0x10: {  	s23 =	sadd.s32 s23, s14;
	[sflag:s18] =	ssyncadd.s32 $0xFFFFC000  }
0x11: {  	[tilespmem:s3], [sflag:$0x1] =	stream.linear.gather [hbm4b:s23+s3], $0x80, $0x38;
	[tilespmem:$0x18080] =	vst v63  }
0x12: {  	_ =	swait.ge [sflag:s18], $0x80  }
0x13: {  	[sflag:s18] =	ssyncset.done $0x0  }
0x14: {  	[sflag:s18] =	ssyncadd.s32 $0xFFFFFF80  }
0x15: {  	[tilespmem:s17], [sflag:$0x1] =	stream.linear.gather [hbm4b:s22+s3], $0x4000, $0x38;
	[tilespmem:$0x18080] =	vst v63  }
0x16: {  	_ =	swait.ge [sflag:s18], $0x4000  }
0x17: {  	[sflag:s18] =	ssyncset.done $0x0  }
0x18: {  	[sflag:s18] =	ssyncadd.s32 $0xFFFFC000  }
0x19: {  	[spmem:s2] =	stream.indirect.scatter.add.f32 [tilespmem:s17], [sflag:$0x1], $0x80, s3, s17, $0xb8;
	[tilespmem:$0x18080] =	vst v63  }
0x1a: {  	_ =	swait.ge [sflag:s18], $0x4000  }
0x1b: {  	[sflag:s18] =	ssyncset.done $0x0  }
0x1c: {  	s22 =	smov.u32 s5;
	[sflag:s18] =	ssyncadd.s32 $0xFFFFC000  }
.LBB2_10:
0x1d: {  	s21 =	sadd.s32 $0x1, s21  }
0x1e: {  	p1 =	sne.s32 s21, s8  }
.Ltmp1:
0x1f: {  	s22 =	sadd.s32 s22, s7;
	[bflag:$0x0] =	sbarrier.arrive $0xFFFF;
	(pc) =	sbr.rel @!p1 .LBB2_11-.Ltmp1, $4  }
0x20: {  	[hbm:s22], [sflag:s19] =	dma.local [spmem:s20], $0x2800  }
0x21: {  	_ =	swait.ge [sflag:s18], $0x2800  }
0x22: {  	[sflag:s18] =	ssyncset.done $0x0  }
0x23: {  	[sflag:s18] =	ssyncadd.s32 $0xFFFFD800  }
.LBB2_1:
0x24: {  	s22 =	simm.s32 $0x0;
	s23 =	simm.s32 $0x200  }
.LBB2_2:
0x25: {  	p1 =	sne.s32 s23, $0xFE00;
	[tilespmem:s22+$0xF0] =	vst v0  }
0x26: {  	[tilespmem:s22+$0x80] =	vst v0  }
0x27: {  	[tilespmem:s22+$0x90] =	vst v0  }
.Ltmp2:
0x28: {  	[tilespmem:s22+$0xA0] =	vst v0;
	(pc) =	sbr.rel @p1 .LBB2_2-.Ltmp2, $4  }
0x29: {  	[tilespmem:s22+$0xB0] =	vst v0  }
0x2a: {  	[tilespmem:s22+$0xC0] =	vst v0  }
0x2b: {  	[tilespmem:s22+$0xD0] =	vst v0  }
0x2c: {  	[tilespmem:s22+$0xE0] =	vst v0;
	s22 =	sshra.s32 s23, $0x2;
	s23 =	sadd.s32 $0x200, s23  }
0x2d: {  	[tilespmem:s22+$0xF0] =	vst v0  }
0x2e: {  	[tilespmem:s22+$0x80] =	vst v0  }
0x2f: {  	[tilespmem:s22+$0x90] =	vst v0  }
0x30: {  	[tilespmem:s22+$0xA0] =	vst v0  }
0x31: {  	[tilespmem:s22+$0xB0] =	vst v0  }
0x32: {  	[tilespmem:s22+$0xC0] =	vst v0  }
0x33: {  	[tilespmem:s22+$0xD0] =	vst v0  }
0x34: {  	[tilespmem:s22+$0xE0] =	vst v0  }
0x35: {  	[spmem:s6] =	stream.linear.scatter [tilespmem:s17], [sflag:$0x1], $0x4000, $0x38;
	[tilespmem:$0x18080] =	vst v63  }
0x36: {  	_ =	swait.ge [sflag:s18], $0x4000  }
0x37: {  	[sflag:s18] =	ssyncset.done $0x0  }
0x38: {  	[sflag:s18] =	ssyncadd.s32 $0xFFFFC000  }
0x39: {  	[spmem:s9] =	stream.linear.scatter [tilespmem:s17], [sflag:$0x1], $0x4000, $0x38;
	[tilespmem:$0x18080] =	vst v63  }
0x3a: {  	_ =	swait.ge [sflag:s18], $0x4000  }
0x3b: {  	[sflag:s18] =	ssyncset.done $0x0  }
0x3c: {  	[sflag:s18] =	ssyncadd.s32 $0xFFFFC000  }
0x3d: {  	[spmem:s10] =	stream.linear.scatter [tilespmem:s17], [sflag:$0x1], $0x4000, $0x38;
	[tilespmem:$0x18080] =	vst v63  }
0x3e: {  	_ =	swait.ge [sflag:s18], $0x4000  }
0x3f: {  	[sflag:s18] =	ssyncset.done $0x0  }
0x40: {  	[sflag:s18] =	ssyncadd.s32 $0xFFFFC000  }
0x41: {  	[spmem:s11] =	stream.linear.scatter [tilespmem:s17], [sflag:$0x1], $0x4000, $0x38;
	[tilespmem:$0x18080] =	vst v63  }
0x42: {  	_ =	swait.ge [sflag:s18], $0x4000  }
0x43: {  	[sflag:s18] =	ssyncset.done $0x0  }
0x44: {  	[sflag:s18] =	ssyncadd.s32 $0xFFFFC000  }
0x45: {  	[spmem:s12] =	stream.linear.scatter [tilespmem:s17], [sflag:$0x1], $0x4000, $0x38;
	[tilespmem:$0x18080] =	vst v63  }
.Ltmp3:
0x46: {  	_ =	swait.ge [sflag:s18], $0x4000;
	(pc) =	sbr.rel @p0 .LBB2_7-.Ltmp3, $3  }
0x47: {  	[sflag:s18] =	ssyncset.done $0x0  }
0x48: {  	[sflag:s18] =	ssyncadd.s32 $0xFFFFC000  }
0x49: {  	[bflag:$0x0] =	sbarrier.arrive $0xFFFF;
	_ =	sdelay $0x1  }
0x4a: {  	s22 =	sadd.s32 $0x0, s16  }
0x4b: {  	[tilespmem:s3], [sflag:$0x1] =	stream.linear.gather [hbm4b:s22+s3], $0x80, $0x38;
	[tilespmem:$0x18080] =	vst v63  }
0x4c: {  	_ =	swait.ge [sflag:s18], $0x80  }
0x4d: {  	[sflag:s18] =	ssyncset.done $0x0  }
0x4e: {  	[sflag:s18] =	ssyncadd.s32 $0xFFFFFF80  }
0x4f: {  	[tilespmem:s17], [sflag:$0x1] =	stream.linear.gather [hbm4b:s15+s3], $0x4000, $0x38;
	[tilespmem:$0x18080] =	vst v63  }
0x50: {  	_ =	swait.ge [sflag:s18], $0x4000  }
0x51: {  	[sflag:s18] =	ssyncset.done $0x0  }
0x52: {  	[sflag:s18] =	ssyncadd.s32 $0xFFFFC000  }
0x53: {  	[spmem:s2] =	stream.indirect.scatter.add.f32 [tilespmem:s17], [sflag:$0x1], $0x80, s3, s17, $0xb8;
	[tilespmem:$0x18080] =	vst v63  }
0x54: {  	s23 =	simm.s32 $0x100;
	_ =	swait.ge [sflag:s18], $0x4000  }
0x55: {  	s24 =	simm.s32 $0x200;
	s22 =	sadd.s32 $0x8000, s15;
	[sflag:s18] =	ssyncset.done $0x0  }
.LBB2_5:
0x56: {  	s25 =	sadd.s32 s23, s16  }
0x57: {  	[sflag:s18] =	ssyncadd.s32 $0xFFFFC000;
	s23 =	smov.u32 s24;
	s26 =	sadd.s32 $0x100, s24  }
0x58: {  	[tilespmem:s3], [sflag:$0x1] =	stream.linear.gather [hbm4b:s25+s3], $0x80, $0x38;
	[tilespmem:$0x18080] =	vst v63  }
0x59: {  	p1 =	seq.s32 s24, $0x9F00;
	_ =	swait.ge [sflag:s18], $0x80  }
0x5a: {  	[sflag:s18] =	ssyncset.done $0x0  }
0x5b: {  	[sflag:s18] =	ssyncadd.s32 $0xFFFFFF80  }
0x5c: {  	[tilespmem:s17], [sflag:$0x1] =	stream.linear.gather [hbm4b:s22+s3], $0x4000, $0x38;
	[tilespmem:$0x18080] =	vst v63  }
0x5d: {  	_ =	swait.ge [sflag:s18], $0x4000  }
.Ltmp4:
0x5e: {  	[sflag:s18] =	ssyncset.done $0x0;
	(pc) =	sbr.rel @!p1 .LBB2_5-.Ltmp4, $4  }
0x5f: {  	[sflag:s18] =	ssyncadd.s32 $0xFFFFC000  }
0x60: {  	[spmem:s2] =	stream.indirect.scatter.add.f32 [tilespmem:s17], [sflag:$0x1], $0x80, s3, s17, $0xb8;
	[tilespmem:$0x18080] =	vst v63  }
0x61: {  	_ =	swait.ge [sflag:s18], $0x4000  }
0x62: {  	s24 =	smov.u32 s26;
	s22 =	sadd.s32 $0x8000, s22;
	[sflag:s18] =	ssyncset.done $0x0  }
0x63: {  	s23 =	sadd.s32 s23, s16;
	[sflag:s18] =	ssyncadd.s32 $0xFFFFC000  }
0x64: {  	[tilespmem:s3], [sflag:$0x1] =	stream.linear.gather [hbm4b:s23+s3], $0x80, $0x38;
	[tilespmem:$0x18080] =	vst v63  }
0x65: {  	_ =	swait.ge [sflag:s18], $0x80  }
0x66: {  	[sflag:s18] =	ssyncset.done $0x0  }
0x67: {  	[sflag:s18] =	ssyncadd.s32 $0xFFFFFF80  }
0x68: {  	[tilespmem:s17], [sflag:$0x1] =	stream.linear.gather [hbm4b:s22+s3], $0x4000, $0x38;
	[tilespmem:$0x18080] =	vst v63  }
0x69: {  	_ =	swait.ge [sflag:s18], $0x4000  }
0x6a: {  	[sflag:s18] =	ssyncset.done $0x0  }
.Ltmp5:
0x6b: {  	[sflag:s18] =	ssyncadd.s32 $0xFFFFC000;
	(pc) =	sbr.rel .LBB2_10-.Ltmp5, $4  }
0x6c: {  	[spmem:s2] =	stream.indirect.scatter.add.f32 [tilespmem:s17], [sflag:$0x1], $0x80, s3, s17, $0xb8;
	[tilespmem:$0x18080] =	vst v63  }
0x6d: {  	_ =	swait.ge [sflag:s18], $0x4000  }
0x6e: {  	[sflag:s18] =	ssyncset.done $0x0  }
0x6f: {  	s22 =	smov.u32 s4;
	[sflag:s18] =	ssyncadd.s32 $0xFFFFC000  }
.LBB2_7:
0x70: {  	s22 =	sadd.s32 $0x0, s14  }
0x71: {  	[tilespmem:s3], [sflag:$0x1] =	stream.linear.gather [hbm4b:s22+s3], $0x80, $0x38;
	[tilespmem:$0x18080] =	vst v63  }
0x72: {  	_ =	swait.ge [sflag:s18], $0x80  }
0x73: {  	[sflag:s18] =	ssyncset.done $0x0  }
0x74: {  	[sflag:s18] =	ssyncadd.s32 $0xFFFFFF80  }
0x75: {  	[tilespmem:s17], [sflag:$0x1] =	stream.linear.gather [hbm4b:s13+s3], $0x4000, $0x38;
	[tilespmem:$0x18080] =	vst v63  }
0x76: {  	_ =	swait.ge [sflag:s18], $0x4000  }
0x77: {  	[sflag:s18] =	ssyncset.done $0x0  }
0x78: {  	[sflag:s18] =	ssyncadd.s32 $0xFFFFC000  }
0x79: {  	[spmem:s2] =	stream.indirect.scatter.add.f32 [tilespmem:s17], [sflag:$0x1], $0x80, s3, s17, $0xb8;
	[tilespmem:$0x18080] =	vst v63  }
0x7a: {  	s23 =	simm.s32 $0x100;
	_ =	swait.ge [sflag:s18], $0x4000  }
0x7b: {  	s24 =	simm.s32 $0x200;
	s22 =	sadd.s32 $0x8000, s13;
	[sflag:s18] =	ssyncset.done $0x0  }
.LBB2_8:
0x7c: {  	s25 =	sadd.s32 s23, s14  }
0x7d: {  	[sflag:s18] =	ssyncadd.s32 $0xFFFFC000;
	s23 =	smov.u32 s24;
	s26 =	sadd.s32 $0x100, s24  }
0x7e: {  	[tilespmem:s3], [sflag:$0x1] =	stream.linear.gather [hbm4b:s25+s3], $0x80, $0x38;
	[tilespmem:$0x18080] =	vst v63  }
0x7f: {  	p1 =	sne.s32 s24, $0x9F00;
	_ =	swait.ge [sflag:s18], $0x80  }
0x80: {  	[sflag:s18] =	ssyncset.done $0x0  }
0x81: {  	[sflag:s18] =	ssyncadd.s32 $0xFFFFFF80  }
0x82: {  	[tilespmem:s17], [sflag:$0x1] =	stream.linear.gather [hbm4b:s22+s3], $0x4000, $0x38;
	[tilespmem:$0x18080] =	vst v63  }
0x83: {  	_ =	swait.ge [sflag:s18], $0x4000  }
.Ltmp6:
0x84: {  	[sflag:s18] =	ssyncset.done $0x0;
	(pc) =	sbr.rel @p1 .LBB2_8-.Ltmp6, $4  }
0x85: {  	[sflag:s18] =	ssyncadd.s32 $0xFFFFC000  }
0x86: {  	[spmem:s2] =	stream.indirect.scatter.add.f32 [tilespmem:s17], [sflag:$0x1], $0x80, s3, s17, $0xb8;
	[tilespmem:$0x18080] =	vst v63  }
0x87: {  	_ =	swait.ge [sflag:s18], $0x4000  }
0x88: {  	s24 =	smov.u32 s26;
	s22 =	sadd.s32 $0x8000, s22;
	[sflag:s18] =	ssyncset.done $0x0  }
.Ltmp7:
0x89: {  	_ = 	snop;
	(pc) =	sbr.rel .LBB2_9-.Ltmp7, $1  }
0x8a: {  	_ =	sdelay $0x3  }
.LBB2_11:
0x8b: {  	_ =	sfence.sel $0x180000  }
0x8c: {  	[bflag:$0x0] =	sbarrier.arrive $0xFFFF  }
0x8d: {  	p0 =	sne.s32 s1, $0x0;
	_ =	strace $0x90000056  }
0x8e: {  	s0 =	sadd.s32 @!p0 $0x100000, s0;
	[bflag:$0x2] =	sbarrier.arrive $0xFFFF  }
0x8f: {  	[sflag:s0] =	ssyncadd.tile.s32 @!p0 $0x1;
	_ =	shalt  }
.Lfunc_end2:
_tile_overlayer_lowered:
.L_overlay_start_2:
0x90: {  	(tag) =	ssettag $0x2  }
0x91: {  	s0 =	rddreg [dreg:$0x0];
	s2 =	stileid.u32  }
0x92: {  	s1 =	rddreg [dreg:$0x1];
	p0 =	sne.s32 s2, $0x0  }
0x93: {  	s3 =	rddreg [dreg:$0x2];
	[bflag:$0x3] =	sbarrier.arrive $0xFFFF;
	s2 =	simm.s32 @!p0 $0x1C01  }
0x94: {  	[timem:s3], [sflag:s2] =	dma.local @!p0 [hbm:s0], s1  }
0x95: {  	s0 =	simm.s32 @!p0 $0x1  }
0x96: {  	_ =	swait.ge @!p0 [sflag:s0], s1  }
0x97: {  	s1 =	ssub.s32 @!p0 $0x0, s1;
	[sflag:s0] =	ssyncset.done @!p0 $0x0  }
0x98: {  	[sflag:s0] =	ssyncadd.s32 @!p0 s1  }
0x99: {  	[bflag:$0x3] =	sbarrier.arrive $0xFFFF  }
0x9a: {  	_ =	shalt  }

</sc_bundles>
